<compile_context>
chip_gen: v7x
topology: tpu7x:2x2x1
jax: 0.10.2.dev20260603
libtpu: 0.0.44.dev20260713+nightly
codegen_flags: <defaults>
</compile_context>

<pallas_src>
import jax
import jax.numpy as jnp
from jax import lax
from jax.experimental import pallas as pl
from jax.experimental.pallas import tpu as pltpu
from jax.experimental.pallas import tpu_sc as plsc

N = 10000
D = 128
E = 320000
NC = 2
NS = 16
NSPLIT = N // NC
LOCAL_ROWS = 5120
TRASH = NSPLIT
CHUNK = 128
CHUNKS = 157
CAP = 160
E_PAD = NS * CHUNKS * CHUNK
ROWS_PER_TILE = LOCAL_ROWS // NS
SLICE = 320
DEG_ROWS = NS * SLICE
TC_BLK = 1000


def _sc_body(x_hbm, pk_hbm, agg_out, deg_out,
             pk_c, src_idx, dst_idx, rows_v, deg_local,
             agg_sh, sem_g0, sem_g1, sem_g2, sem_s0):
    c = lax.axis_index("c")
    s = lax.axis_index("s")
    base = s * ROWS_PER_TILE

    nwords = CHUNKS * CHUNK
    pltpu.sync_copy(pk_hbm.at[pl.ds(pl.multiple_of(s * nwords, 128), nwords)],
                    pk_c.at[pl.ds(0, nwords)])

    zer = jnp.zeros((16,), jnp.float32)
    one = jnp.ones((16,), jnp.float32)

    def fill_rows(r, carry):
        for j0 in range(D // 16):
            rows_v[0, r, pl.ds(j0 * 16, 16)] = zer
        return carry

    lax.fori_loop(0, CHUNK, fill_rows, 0)

    def fill_deg(r, carry):
        deg_local[pl.ds(r * 16, 16)] = zer
        return carry

    lax.fori_loop(0, DEG_ROWS // 16, fill_deg, 0)

    pltpu.sync_copy(rows_v.at[0], agg_sh.at[pl.ds(base, CHUNK)])
    pltpu.sync_copy(rows_v.at[0], agg_sh.at[pl.ds(base + CHUNK, CHUNK)])
    pltpu.sync_copy(rows_v.at[0, pl.ds(0, 64)],
                    agg_sh.at[pl.ds(base + 2 * CHUNK, 64)])
    plsc.subcore_barrier()

    cbase = c * NSPLIT

    def comp(r, cur):
        for u in range(2):
            pvec = pk_c[pl.ds(r * 32 + u * 16, 16)]
            svec = pvec & 16383
            dloc = (pvec >> 14) - (1 + cbase)
            m = (dloc >= 0) & (dloc < NSPLIT)
            plsc.store_compressed(pk_c.at[pl.ds(cur, 16)],
                                  svec | (dloc << 14), mask=m)
            cur = cur + plsc.all_reduce_population_count(m)[0]
        return cur

    cnt = lax.fori_loop(0, CHUNKS * CHUNK // 32, comp, 0)

    cur_a = cnt & ~15
    rem = cnt - cur_a
    ii = lax.iota(jnp.int32, 16)
    trash_v = jnp.full((16,), TRASH << 14, jnp.int32)
    pk_c[pl.ds(cur_a, 16)] = jnp.where(ii >= rem, TRASH << 14,
                                       pk_c[pl.ds(cur_a, 16)])
    for k in range(1, 17):
        pk_c[pl.ds(cur_a + k * 16, 16)] = trash_v

    n_chunks = jnp.maximum((cnt + CHUNK - 1) // CHUNK, 1)

    def hist(j):
        del j
        for k in range(CHUNK // 16):
            idx = dst_idx[pl.ds(k * 16, 16)]
            plsc.addupdate_scatter(deg_local, [idx], one)

    def gath(j, buf, sem):
        for k in range(CHUNK // 16):
            src_idx[buf, pl.ds(k * 16, 16)] = (
                pk_c[pl.ds(j * CHUNK + k * 16, 16)] & 16383)
        pltpu.async_copy(x_hbm.at[src_idx.at[buf]], rows_v.at[buf], sem)

    def gath_wait(j, buf, sem):
        del j
        pltpu.make_async_copy(x_hbm.at[src_idx.at[buf]], rows_v.at[buf],
                              sem).wait()

    def scat(j, buf):
        for k in range(CHUNK // 16):
            dst_idx[pl.ds(k * 16, 16)] = (
                pk_c[pl.ds(j * CHUNK + k * 16, 16)] >> 14)
        pltpu.sync_copy(rows_v.at[buf], agg_sh.at[dst_idx], add=True)

    gath(0, 0, sem_g0)

    @pl.when(1 < n_chunks)
    def _():
        gath(1, 1, sem_g1)

    def body(i, carry):
        j0 = 3 * i
        j1 = j0 + 1
        j2 = j0 + 2
        j3 = j0 + 3
        j4 = j0 + 4

        @pl.when(j2 < n_chunks)
        def _():
            gath(j2, 2, sem_g2)

        gath_wait(j0, 0, sem_g0)
        scat(j0, 0)

        @pl.when(j3 < n_chunks)
        def _():
            gath(j3, 0, sem_g0)

        hist(j0)

        @pl.when(j1 < n_chunks)
        def _():
            gath_wait(j1, 1, sem_g1)
            scat(j1, 1)

            @pl.when(j4 < n_chunks)
            def _():
                gath(j4, 1, sem_g1)

            hist(j1)

        @pl.when(j2 < n_chunks)
        def _():
            gath_wait(j2, 2, sem_g2)
            scat(j2, 2)
            hist(j2)

        return carry

    lax.fori_loop(0, (n_chunks + 2) // 3, body, 0)

    plsc.subcore_barrier()
    pltpu.sync_copy(deg_local,
                    deg_out.at[pl.ds((c * NS + s) * DEG_ROWS, DEG_ROWS)])
    pltpu.sync_copy(agg_sh.at[pl.ds(base, ROWS_PER_TILE)],
                    agg_out.at[c, pl.ds(base, ROWS_PER_TILE)])


@jax.jit
def _sc_scatter(x, packed):
    mesh = plsc.VectorSubcoreMesh(core_axis_name="c", subcore_axis_name="s")
    return pl.kernel(
        _sc_body,
        mesh=mesh,
        compiler_params=pltpu.CompilerParams(needs_layout_passes=False),
        out_type=[
            jax.ShapeDtypeStruct((NC, LOCAL_ROWS, D), jnp.float32),
            jax.ShapeDtypeStruct((NC * NS * DEG_ROWS,), jnp.float32),
        ],
        scratch_types=[
            pltpu.VMEM((CAP * CHUNK,), jnp.int32),
            pltpu.VMEM((3, CHUNK), jnp.int32),
            pltpu.VMEM((CHUNK,), jnp.int32),
            pltpu.VMEM((3, CHUNK, D), jnp.float32),
            pltpu.VMEM((DEG_ROWS,), jnp.float32),
            pltpu.VMEM_SHARED((LOCAL_ROWS, D), jnp.float32),
            pltpu.SemaphoreType.DMA,
            pltpu.SemaphoreType.DMA,
            pltpu.SemaphoreType.DMA,
            pltpu.SemaphoreType.DMA,
        ],
    )(x, packed)


def _tc_body(agg_ref, deg_ref, W_ref, b_ref, out_ref):
    deg = jnp.sum(deg_ref[0, 0], axis=0)[:, None]
    h = agg_ref[0] / jnp.maximum(deg, 1.0)
    out_ref[...] = (
        jnp.dot(h, W_ref[...], preferred_element_type=jnp.float32) + b_ref[...]
    )


@jax.jit
def _tc_finish(agg2, deg_full, W, b2):
    return pl.pallas_call(
        _tc_body,
        grid=(N // TC_BLK,),
        in_specs=[
            pl.BlockSpec((1, TC_BLK, D), lambda i: (i // 5, i % 5, 0)),
            pl.BlockSpec((1, 1, NS, TC_BLK), lambda i: (i // 5, i % 5, 0, 0)),
            pl.BlockSpec((D, D), lambda i: (0, 0)),
            pl.BlockSpec((1, D), lambda i: (0, 0)),
        ],
        out_specs=pl.BlockSpec((TC_BLK, D), lambda i: (i, 0)),
        out_shape=jax.ShapeDtypeStruct((N, D), jnp.float32),
    )(agg2, deg_full, W, b2)


def kernel(x, edge_index, p_map, W, b):
    del p_map
    src = edge_index[0].astype(jnp.int32)
    dst = edge_index[1].astype(jnp.int32)
    pad = E_PAD - E
    packed = jnp.concatenate(
        [src | ((dst + 1) << 14), jnp.zeros((pad,), jnp.int32)])
    agg2, deg2 = _sc_scatter(x, packed)
    deg4 = deg2.reshape(NC, NS, DEG_ROWS)[:, :, :NSPLIT].reshape(
        NC, NS, N // (NC * TC_BLK), TC_BLK).transpose(0, 2, 1, 3)
    return _tc_finish(agg2, deg4, W, b.reshape(1, D))

# --- scband reference (transcript-rebuilt; emitter-appended) ---
"""Pipeline reference for scband-model-33457795236519 (READ-ONLY COPY).

The authoritative reference and input builder live on the scoring server;
editing this copy changes nothing except your own understanding.
"""

import jax, jax.numpy as jnp
import numpy as np

N = 10000
E = 320000
D = 128
NUM_PARTS = 4


def setup_inputs(seed: int = 0) -> dict:
    key = jax.random.key(seed)
    k1, k2, k3, k4, k5 = jax.random.split(key, 5)
    x = jax.random.normal(k1, (N, D), dtype=jnp.float32)
    edge_index = jax.random.randint(k2, (2, E), 0, N)
    p_map = jax.random.randint(k3, (N,), 0, NUM_PARTS)
    # GraphConv(in_d, out) learned parameters (shared math across the 4 replicas)
    W = jax.random.normal(k4, (D, D), dtype=jnp.float32) * (1.0 / np.sqrt(D))
    b = jax.random.normal(k5, (D,), dtype=jnp.float32) * 0.01
    return {"x": x, "edge_index": edge_index, "p_map": p_map, "W": W, "b": b}


def reference(x, edge_index, p_map, W, b):
    # Faithful math of DistGraphConv: each of the 4 source partitions computes a
    # partial mean-aggregation GraphConv on its local edges; off-diagonal partial
    # results are scattered-added (merge_indices) into the diagonal owner's output.
    # The sum of per-src-partition partial aggregates == global neighbor aggregate,
    # so we reproduce the distributed pipeline as partition-masked segment sums
    # merged by scatter-add, followed by mean normalization and the linear layer
    # (GraphConv, norm='none', aggregator_type='mean': h = mean_{u->v} x_u @ W + b).
    src = edge_index[0]
    dst = edge_index[1]
    msgs = jnp.take(x, src, axis=0)  # gather: [E, D]
    src_part = jnp.take(p_map, src, axis=0)  # [E]
    agg = jnp.zeros((N, D), dtype=x.dtype)
    for p in range(NUM_PARTS):
        mask = (src_part == p).astype(x.dtype)[:, None]
        # local partial aggregation on partition p, merged via scatter-add
        partial = jax.ops.segment_sum(msgs * mask, dst, num_segments=N)
        agg = agg + partial
    deg = jax.ops.segment_sum(jnp.ones((src.shape[0],), dtype=x.dtype), dst, num_segments=N)
    h = agg / jnp.clip(deg, 1.0, None)[:, None]
    out = h @ W + b
    return out

if __name__ == "__main__":
    import jax
    _d = setup_inputs()
    print(jax.jit(kernel)(*tuple(_d.values())))

</pallas_src>

<mosaic_0001>
#map = affine_map<(d0, d1) -> (0, 0)>
#map1 = affine_map<(d0, d1) -> (0)>
#map2 = affine_map<(d0, d1) -> (0, 0, 0)>
module attributes {stable_mosaic.version = 14 : i64} {
  func.func @_sc_body(%arg0: i32, %arg1: i32, %arg2: memref<10000x128xf32, #tpu.memory_space<hbm>>, %arg3: memref<321536xi32, #tpu.memory_space<hbm>>, %arg4: memref<2x5120x128xf32, #tpu.memory_space<hbm>>, %arg5: memref<163840xf32, #tpu.memory_space<hbm>>, %arg6: memref<20480xi32, #tpu.memory_space<vmem>>, %arg7: memref<3x128xi32, #tpu.memory_space<vmem>>, %arg8: memref<128xi32, #tpu.memory_space<vmem>>, %arg9: memref<3x128x128xf32, #tpu.memory_space<vmem>>, %arg10: memref<5120xf32, #tpu.memory_space<vmem>>, %arg11: memref<5120x128xf32, #tpu.memory_space<vmem_shared>>, %arg12: memref<!tpu.dma_semaphore, #tpu.memory_space<semaphore_mem>>, %arg13: memref<!tpu.dma_semaphore, #tpu.memory_space<semaphore_mem>>, %arg14: memref<!tpu.dma_semaphore, #tpu.memory_space<semaphore_mem>>, %arg15: memref<!tpu.dma_semaphore, #tpu.memory_space<semaphore_mem>>) attributes {dimension_semantics = [#tpu.dimension_semantics<core_parallel>, #tpu.dimension_semantics<subcore_parallel>], iteration_bounds = array<i64: 2, 16>, scalar_prefetch = 0 : i64, scratch_operands = 10 : i64, tpu.core_type = #tpu.core_type<sc_vector_subcore>, window_params = [{transform_indices = #map}, {transform_indices = #map1}, {transform_indices = #map2}, {transform_indices = #map1}]} {
    %mul3A = arith.constant 320 : i32
    %mul3A_0 = arith.muli %arg1, %mul3A : i32
    %mul3A_1 = arith.constant 20096 : i32
    %mul3A_2 = arith.muli %arg1, %mul3A_1 : i32
    %multiple_of3A = tpu.assume_multiple %mul3A_2, 128 : i32
    "tpu.region"() ({
      %run_scoped3A_253 = tpu.sem_alloc : memref<!tpu.dma_semaphore, #tpu.memory_space<semaphore_mem>>
      %dma_start3A_254 = arith.constant 0 : i32
      %dma_start3A_255 = tpu.memref_slice %arg6[%dma_start3A_254] : memref<20480xi32, #tpu.memory_space<vmem>> -> memref<20096xi32, #tpu.memory_space<vmem>>
      %dma_start3A_256 = tpu.memref_slice %arg3[%multiple_of3A] : memref<321536xi32, #tpu.memory_space<hbm>> -> memref<20096xi32, #tpu.memory_space<hbm>>
      %dma_start3A_257 = arith.constant 0 : i32
      %dma_start3A_258 = tpu.memref_slice %arg6[%dma_start3A_257] : memref<20480xi32, #tpu.memory_space<vmem>> -> memref<20096xi32, #tpu.memory_space<vmem>>
      %dma_start3A_259 = tpu.memref_slice %arg3[%multiple_of3A] : memref<321536xi32, #tpu.memory_space<hbm>> -> memref<20096xi32, #tpu.memory_space<hbm>>
      tpu.enqueue_dma source(%dma_start3A_259 : memref<20096xi32, #tpu.memory_space<hbm>>) target(%dma_start3A_258 : memref<20096xi32, #tpu.memory_space<vmem>>) target_semaphore(%run_scoped3A_253 : memref<!tpu.dma_semaphore, #tpu.memory_space<semaphore_mem>>)
      %dma_wait3A = arith.constant 0 : i32
      %dma_wait3A_260 = tpu.memref_slice %arg6[%dma_wait3A] : memref<20480xi32, #tpu.memory_space<vmem>> -> memref<20096xi32, #tpu.memory_space<vmem>>
      %dma_wait3A_261 = tpu.memref_slice %arg3[%multiple_of3A] : memref<321536xi32, #tpu.memory_space<hbm>> -> memref<20096xi32, #tpu.memory_space<hbm>>
      %dma_wait3A_262 = arith.constant 0 : i32
      %dma_wait3A_263 = tpu.memref_slice %arg6[%dma_wait3A_262] : memref<20480xi32, #tpu.memory_space<vmem>> -> memref<20096xi32, #tpu.memory_space<vmem>>
      %dma_wait3A_264 = tpu.memref_slice %arg3[%multiple_of3A] : memref<321536xi32, #tpu.memory_space<hbm>> -> memref<20096xi32, #tpu.memory_space<hbm>>
      tpu.wait_dma2 semaphore(%run_scoped3A_253 : memref<!tpu.dma_semaphore, #tpu.memory_space<semaphore_mem>>) src(%dma_wait3A_264 : memref<20096xi32, #tpu.memory_space<hbm>>) dst(%dma_wait3A_263 : memref<20096xi32, #tpu.memory_space<vmem>>)
      tpu.yield
    }) : () -> ()
    %broadcast_in_dim3A = arith.constant 0.000000e+00 : f32
    %broadcast_in_dim3A_3 = vector.broadcast %broadcast_in_dim3A : f32 to vector<16xf32>
    %broadcast_in_dim3A_4 = arith.constant 1.000000e+00 : f32
    %broadcast_in_dim3A_5 = vector.broadcast %broadcast_in_dim3A_4 : f32 to vector<16xf32>
    %scan3A = arith.constant 0 : i32
    %scan3A_6 = arith.constant 0 : i32
    %scan3A_7 = arith.constant 128 : i32
    %scan3A_8 = arith.addi %scan3A_6, %scan3A_7 : i32
    %scan3A_9 = arith.constant 1 : i32
    scf.for %scan3A_253 = %scan3A_6 to %scan3A_8 step %scan3A_9  : i32 {
      %swap3A_254 = arith.constant 0 : i32
      %swap3A_255 = arith.index_cast %swap3A_254 : i32 to index
      %swap3A_256 = arith.index_cast %scan3A_253 : i32 to index
      %swap3A_257 = arith.constant 0 : index
      %swap3A_258 = tpu.vector_load %arg9[%swap3A_255, %swap3A_256, %swap3A_257] {strides = array<i32>} : memref<3x128x128xf32, #tpu.memory_space<vmem>>, vector<16xf32>,
      tpu.vector_store %arg9[%swap3A_255, %swap3A_256, %swap3A_257], %broadcast_in_dim3A_3 {strides = array<i32>} : memref<3x128x128xf32, #tpu.memory_space<vmem>>, vector<16xf32>,
      %swap3A_259 = arith.constant 0 : i32
      %swap3A_260 = arith.index_cast %swap3A_259 : i32 to index
      %swap3A_261 = arith.index_cast %scan3A_253 : i32 to index
      %swap3A_262 = arith.constant 16 : index
      %swap3A_263 = tpu.vector_load %arg9[%swap3A_260, %swap3A_261, %swap3A_262] {strides = array<i32>} : memref<3x128x128xf32, #tpu.memory_space<vmem>>, vector<16xf32>,
      tpu.vector_store %arg9[%swap3A_260, %swap3A_261, %swap3A_262], %broadcast_in_dim3A_3 {strides = array<i32>} : memref<3x128x128xf32, #tpu.memory_space<vmem>>, vector<16xf32>,
      %swap3A_264 = arith.constant 0 : i32
      %swap3A_265 = arith.index_cast %swap3A_264 : i32 to index
      %swap3A_266 = arith.index_cast %scan3A_253 : i32 to index
      %swap3A_267 = arith.constant 32 : index
      %swap3A_268 = tpu.vector_load %arg9[%swap3A_265, %swap3A_266, %swap3A_267] {strides = array<i32>} : memref<3x128x128xf32, #tpu.memory_space<vmem>>, vector<16xf32>,
      tpu.vector_store %arg9[%swap3A_265, %swap3A_266, %swap3A_267], %broadcast_in_dim3A_3 {strides = array<i32>} : memref<3x128x128xf32, #tpu.memory_space<vmem>>, vector<16xf32>,
      %swap3A_269 = arith.constant 0 : i32
      %swap3A_270 = arith.index_cast %swap3A_269 : i32 to index
      %swap3A_271 = arith.index_cast %scan3A_253 : i32 to index
      %swap3A_272 = arith.constant 48 : index
      %swap3A_273 = tpu.vector_load %arg9[%swap3A_270, %swap3A_271, %swap3A_272] {strides = array<i32>} : memref<3x128x128xf32, #tpu.memory_space<vmem>>, vector<16xf32>,
      tpu.vector_store %arg9[%swap3A_270, %swap3A_271, %swap3A_272], %broadcast_in_dim3A_3 {strides = array<i32>} : memref<3x128x128xf32, #tpu.memory_space<vmem>>, vector<16xf32>,
      %swap3A_274 = arith.constant 0 : i32
      %swap3A_275 = arith.index_cast %swap3A_274 : i32 to index
      %swap3A_276 = arith.index_cast %scan3A_253 : i32 to index
      %swap3A_277 = arith.constant 64 : index
      %swap3A_278 = tpu.vector_load %arg9[%swap3A_275, %swap3A_276, %swap3A_277] {strides = array<i32>} : memref<3x128x128xf32, #tpu.memory_space<vmem>>, vector<16xf32>,
      tpu.vector_store %arg9[%swap3A_275, %swap3A_276, %swap3A_277], %broadcast_in_dim3A_3 {strides = array<i32>} : memref<3x128x128xf32, #tpu.memory_space<vmem>>, vector<16xf32>,
      %swap3A_279 = arith.constant 0 : i32
      %swap3A_280 = arith.index_cast %swap3A_279 : i32 to index
      %swap3A_281 = arith.index_cast %scan3A_253 : i32 to index
      %swap3A_282 = arith.constant 80 : index
      %swap3A_283 = tpu.vector_load %arg9[%swap3A_280, %swap3A_281, %swap3A_282] {strides = array<i32>} : memref<3x128x128xf32, #tpu.memory_space<vmem>>, vector<16xf32>,
      tpu.vector_store %arg9[%swap3A_280, %swap3A_281, %swap3A_282], %broadcast_in_dim3A_3 {strides = array<i32>} : memref<3x128x128xf32, #tpu.memory_space<vmem>>, vector<16xf32>,
      %swap3A_284 = arith.constant 0 : i32
      %swap3A_285 = arith.index_cast %swap3A_284 : i32 to index
      %swap3A_286 = arith.index_cast %scan3A_253 : i32 to index
      %swap3A_287 = arith.constant 96 : index
      %swap3A_288 = tpu.vector_load %arg9[%swap3A_285, %swap3A_286, %swap3A_287] {strides = array<i32>} : memref<3x128x128xf32, #tpu.memory_space<vmem>>, vector<16xf32>,
      tpu.vector_store %arg9[%swap3A_285, %swap3A_286, %swap3A_287], %broadcast_in_dim3A_3 {strides = array<i32>} : memref<3x128x128xf32, #tpu.memory_space<vmem>>, vector<16xf32>,
      %swap3A_289 = arith.constant 0 : i32
      %swap3A_290 = arith.index_cast %swap3A_289 : i32 to index
      %swap3A_291 = arith.index_cast %scan3A_253 : i32 to index
      %swap3A_292 = arith.constant 112 : index
      %swap3A_293 = tpu.vector_load %arg9[%swap3A_290, %swap3A_291, %swap3A_292] {strides = array<i32>} : memref<3x128x128xf32, #tpu.memory_space<vmem>>, vector<16xf32>,
      tpu.vector_store %arg9[%swap3A_290, %swap3A_291, %swap3A_292], %broadcast_in_dim3A_3 {strides = array<i32>} : memref<3x128x128xf32, #tpu.memory_space<vmem>>, vector<16xf32>,
    }
    %scan3A_10 = arith.constant 128 : i32
    %scan3A_11 = arith.constant 0 : i32
    %scan3A_12 = arith.constant 0 : i32
    %scan3A_13 = arith.constant 320 : i32
    %scan3A_14 = arith.addi %scan3A_12, %scan3A_13 : i32
    %scan3A_15 = arith.constant 1 : i32
    scf.for %scan3A_253 = %scan3A_12 to %scan3A_14 step %scan3A_15  : i32 {
      %mul3A_254 = arith.constant 16 : i32
      %mul3A_255 = arith.muli %scan3A_253, %mul3A_254 : i32
      %swap3A_256 = arith.index_cast %mul3A_255 : i32 to index
      %swap3A_257 = tpu.vector_load %arg10[%swap3A_256] {strides = array<i32>} : memref<5120xf32, #tpu.memory_space<vmem>>, vector<16xf32>,
      tpu.vector_store %arg10[%swap3A_256], %broadcast_in_dim3A_3 {strides = array<i32>} : memref<5120xf32, #tpu.memory_space<vmem>>, vector<16xf32>,
    }
    %scan3A_16 = arith.constant 320 : i32
    %run_scoped3A = arith.constant 0 : i32
    "tpu.region"() ({
      %run_scoped3A_253 = tpu.sem_alloc : memref<!tpu.dma_semaphore, #tpu.memory_space<semaphore_mem>>
      %dma_start3A_254 = arith.constant 0 : i32
      %dma_start3A_255 = arith.constant 0 : i32
      %dma_start3A_256 = tpu.memref_slice %arg9[%run_scoped3A, %dma_start3A_254, %dma_start3A_255] : memref<3x128x128xf32, #tpu.memory_space<vmem>> -> memref<1x128x128xf32, #tpu.memory_space<vmem>>
      %dma_start3A_257 = tpu.memref_squeeze %dma_start3A_256 : memref<1x128x128xf32, #tpu.memory_space<vmem>> -> memref<128x128xf32, #tpu.memory_space<vmem>>
      %dma_start3A_258 = arith.constant 0 : i32
      %dma_start3A_259 = tpu.memref_slice %arg11[%mul3A_0, %dma_start3A_258] : memref<5120x128xf32, #tpu.memory_space<vmem_shared>> -> memref<128x128xf32, #tpu.memory_space<vmem_shared>>
      %dma_start3A_260 = arith.constant 0 : i32
      %dma_start3A_261 = tpu.memref_slice %arg11[%mul3A_0, %dma_start3A_260] : memref<5120x128xf32, #tpu.memory_space<vmem_shared>> -> memref<128x128xf32, #tpu.memory_space<vmem_shared>>
      %dma_start3A_262 = arith.constant 0 : i32
      %dma_start3A_263 = arith.constant 0 : i32
      %dma_start3A_264 = tpu.memref_slice %arg9[%run_scoped3A, %dma_start3A_262, %dma_start3A_263] : memref<3x128x128xf32, #tpu.memory_space<vmem>> -> memref<1x128x128xf32, #tpu.memory_space<vmem>>
      %dma_start3A_265 = tpu.memref_squeeze %dma_start3A_264 : memref<1x128x128xf32, #tpu.memory_space<vmem>> -> memref<128x128xf32, #tpu.memory_space<vmem>>
      tpu.enqueue_dma source(%dma_start3A_265 : memref<128x128xf32, #tpu.memory_space<vmem>>) target(%dma_start3A_261 : memref<128x128xf32, #tpu.memory_space<vmem_shared>>) target_semaphore(%run_scoped3A_253 : memref<!tpu.dma_semaphore, #tpu.memory_space<semaphore_mem>>)
      %dma_wait3A = arith.constant 0 : i32
      %dma_wait3A_266 = arith.constant 0 : i32
      %dma_wait3A_267 = tpu.memref_slice %arg9[%run_scoped3A, %dma_wait3A, %dma_wait3A_266] : memref<3x128x128xf32, #tpu.memory_space<vmem>> -> memref<1x128x128xf32, #tpu.memory_space<vmem>>
      %dma_wait3A_268 = tpu.memref_squeeze %dma_wait3A_267 : memref<1x128x128xf32, #tpu.memory_space<vmem>> -> memref<128x128xf32, #tpu.memory_space<vmem>>
      %dma_wait3A_269 = arith.constant 0 : i32
      %dma_wait3A_270 = tpu.memref_slice %arg11[%mul3A_0, %dma_wait3A_269] : memref<5120x128xf32, #tpu.memory_space<vmem_shared>> -> memref<128x128xf32, #tpu.memory_space<vmem_shared>>
      %dma_wait3A_271 = arith.constant 0 : i32
      %dma_wait3A_272 = tpu.memref_slice %arg11[%mul3A_0, %dma_wait3A_271] : memref<5120x128xf32, #tpu.memory_space<vmem_shared>> -> memref<128x128xf32, #tpu.memory_space<vmem_shared>>
      %dma_wait3A_273 = arith.constant 0 : i32
      %dma_wait3A_274 = arith.constant 0 : i32
      %dma_wait3A_275 = tpu.memref_slice %arg9[%run_scoped3A, %dma_wait3A_273, %dma_wait3A_274] : memref<3x128x128xf32, #tpu.memory_space<vmem>> -> memref<1x128x128xf32, #tpu.memory_space<vmem>>
      %dma_wait3A_276 = tpu.memref_squeeze %dma_wait3A_275 : memref<1x128x128xf32, #tpu.memory_space<vmem>> -> memref<128x128xf32, #tpu.memory_space<vmem>>
      tpu.wait_dma2 semaphore(%run_scoped3A_253 : memref<!tpu.dma_semaphore, #tpu.memory_space<semaphore_mem>>) src(%dma_wait3A_276 : memref<128x128xf32, #tpu.memory_space<vmem>>) dst(%dma_wait3A_272 : memref<128x128xf32, #tpu.memory_space<vmem_shared>>)
      tpu.yield
    }) : () -> ()
    %add3A = arith.constant 128 : i32
    %add3A_17 = arith.addi %mul3A_0, %add3A : i32
    %run_scoped3A_18 = arith.constant 0 : i32
    "tpu.region"() ({
      %run_scoped3A_253 = tpu.sem_alloc : memref<!tpu.dma_semaphore, #tpu.memory_space<semaphore_mem>>
      %dma_start3A_254 = arith.constant 0 : i32
      %dma_start3A_255 = arith.constant 0 : i32
      %dma_start3A_256 = tpu.memref_slice %arg9[%run_scoped3A_18, %dma_start3A_254, %dma_start3A_255] : memref<3x128x128xf32, #tpu.memory_space<vmem>> -> memref<1x128x128xf32, #tpu.memory_space<vmem>>
      %dma_start3A_257 = tpu.memref_squeeze %dma_start3A_256 : memref<1x128x128xf32, #tpu.memory_space<vmem>> -> memref<128x128xf32, #tpu.memory_space<vmem>>
      %dma_start3A_258 = arith.constant 0 : i32
      %dma_start3A_259 = tpu.memref_slice %arg11[%add3A_17, %dma_start3A_258] : memref<5120x128xf32, #tpu.memory_space<vmem_shared>> -> memref<128x128xf32, #tpu.memory_space<vmem_shared>>
      %dma_start3A_260 = arith.constant 0 : i32
      %dma_start3A_261 = tpu.memref_slice %arg11[%add3A_17, %dma_start3A_260] : memref<5120x128xf32, #tpu.memory_space<vmem_shared>> -> memref<128x128xf32, #tpu.memory_space<vmem_shared>>
      %dma_start3A_262 = arith.constant 0 : i32
      %dma_start3A_263 = arith.constant 0 : i32
      %dma_start3A_264 = tpu.memref_slice %arg9[%run_scoped3A_18, %dma_start3A_262, %dma_start3A_263] : memref<3x128x128xf32, #tpu.memory_space<vmem>> -> memref<1x128x128xf32, #tpu.memory_space<vmem>>
      %dma_start3A_265 = tpu.memref_squeeze %dma_start3A_264 : memref<1x128x128xf32, #tpu.memory_space<vmem>> -> memref<128x128xf32, #tpu.memory_space<vmem>>
      tpu.enqueue_dma source(%dma_start3A_265 : memref<128x128xf32, #tpu.memory_space<vmem>>) target(%dma_start3A_261 : memref<128x128xf32, #tpu.memory_space<vmem_shared>>) target_semaphore(%run_scoped3A_253 : memref<!tpu.dma_semaphore, #tpu.memory_space<semaphore_mem>>)
      %dma_wait3A = arith.constant 0 : i32
      %dma_wait3A_266 = arith.constant 0 : i32
      %dma_wait3A_267 = tpu.memref_slice %arg9[%run_scoped3A_18, %dma_wait3A, %dma_wait3A_266] : memref<3x128x128xf32, #tpu.memory_space<vmem>> -> memref<1x128x128xf32, #tpu.memory_space<vmem>>
      %dma_wait3A_268 = tpu.memref_squeeze %dma_wait3A_267 : memref<1x128x128xf32, #tpu.memory_space<vmem>> -> memref<128x128xf32, #tpu.memory_space<vmem>>
      %dma_wait3A_269 = arith.constant 0 : i32
      %dma_wait3A_270 = tpu.memref_slice %arg11[%add3A_17, %dma_wait3A_269] : memref<5120x128xf32, #tpu.memory_space<vmem_shared>> -> memref<128x128xf32, #tpu.memory_space<vmem_shared>>
      %dma_wait3A_271 = arith.constant 0 : i32
      %dma_wait3A_272 = tpu.memref_slice %arg11[%add3A_17, %dma_wait3A_271] : memref<5120x128xf32, #tpu.memory_space<vmem_shared>> -> memref<128x128xf32, #tpu.memory_space<vmem_shared>>
      %dma_wait3A_273 = arith.constant 0 : i32
      %dma_wait3A_274 = arith.constant 0 : i32
      %dma_wait3A_275 = tpu.memref_slice %arg9[%run_scoped3A_18, %dma_wait3A_273, %dma_wait3A_274] : memref<3x128x128xf32, #tpu.memory_space<vmem>> -> memref<1x128x128xf32, #tpu.memory_space<vmem>>
      %dma_wait3A_276 = tpu.memref_squeeze %dma_wait3A_275 : memref<1x128x128xf32, #tpu.memory_space<vmem>> -> memref<128x128xf32, #tpu.memory_space<vmem>>
      tpu.wait_dma2 semaphore(%run_scoped3A_253 : memref<!tpu.dma_semaphore, #tpu.memory_space<semaphore_mem>>) src(%dma_wait3A_276 : memref<128x128xf32, #tpu.memory_space<vmem>>) dst(%dma_wait3A_272 : memref<128x128xf32, #tpu.memory_space<vmem_shared>>)
      tpu.yield
    }) : () -> ()
    %add3A_19 = arith.constant 256 : i32
    %add3A_20 = arith.addi %mul3A_0, %add3A_19 : i32
    %run_scoped3A_21 = arith.constant 0 : i32
    "tpu.region"() ({
      %run_scoped3A_253 = tpu.sem_alloc : memref<!tpu.dma_semaphore, #tpu.memory_space<semaphore_mem>>
      %dma_start3A_254 = arith.constant 0 : i32
      %dma_start3A_255 = arith.constant 0 : i32
      %dma_start3A_256 = tpu.memref_slice %arg9[%run_scoped3A_21, %dma_start3A_254, %dma_start3A_255] : memref<3x128x128xf32, #tpu.memory_space<vmem>> -> memref<1x64x128xf32, #tpu.memory_space<vmem>>
      %dma_start3A_257 = tpu.memref_squeeze %dma_start3A_256 : memref<1x64x128xf32, #tpu.memory_space<vmem>> -> memref<64x128xf32, #tpu.memory_space<vmem>>
      %dma_start3A_258 = arith.constant 0 : i32
      %dma_start3A_259 = tpu.memref_slice %arg11[%add3A_20, %dma_start3A_258] : memref<5120x128xf32, #tpu.memory_space<vmem_shared>> -> memref<64x128xf32, #tpu.memory_space<vmem_shared>>
      %dma_start3A_260 = arith.constant 0 : i32
      %dma_start3A_261 = tpu.memref_slice %arg11[%add3A_20, %dma_start3A_260] : memref<5120x128xf32, #tpu.memory_space<vmem_shared>> -> memref<64x128xf32, #tpu.memory_space<vmem_shared>>
      %dma_start3A_262 = arith.constant 0 : i32
      %dma_start3A_263 = arith.constant 0 : i32
      %dma_start3A_264 = tpu.memref_slice %arg9[%run_scoped3A_21, %dma_start3A_262, %dma_start3A_263] : memref<3x128x128xf32, #tpu.memory_space<vmem>> -> memref<1x64x128xf32, #tpu.memory_space<vmem>>
      %dma_start3A_265 = tpu.memref_squeeze %dma_start3A_264 : memref<1x64x128xf32, #tpu.memory_space<vmem>> -> memref<64x128xf32, #tpu.memory_space<vmem>>
      tpu.enqueue_dma source(%dma_start3A_265 : memref<64x128xf32, #tpu.memory_space<vmem>>) target(%dma_start3A_261 : memref<64x128xf32, #tpu.memory_space<vmem_shared>>) target_semaphore(%run_scoped3A_253 : memref<!tpu.dma_semaphore, #tpu.memory_space<semaphore_mem>>)
      %dma_wait3A = arith.constant 0 : i32
      %dma_wait3A_266 = arith.constant 0 : i32
      %dma_wait3A_267 = tpu.memref_slice %arg9[%run_scoped3A_21, %dma_wait3A, %dma_wait3A_266] : memref<3x128x128xf32, #tpu.memory_space<vmem>> -> memref<1x64x128xf32, #tpu.memory_space<vmem>>
      %dma_wait3A_268 = tpu.memref_squeeze %dma_wait3A_267 : memref<1x64x128xf32, #tpu.memory_space<vmem>> -> memref<64x128xf32, #tpu.memory_space<vmem>>
      %dma_wait3A_269 = arith.constant 0 : i32
      %dma_wait3A_270 = tpu.memref_slice %arg11[%add3A_20, %dma_wait3A_269] : memref<5120x128xf32, #tpu.memory_space<vmem_shared>> -> memref<64x128xf32, #tpu.memory_space<vmem_shared>>
      %dma_wait3A_271 = arith.constant 0 : i32
      %dma_wait3A_272 = tpu.memref_slice %arg11[%add3A_20, %dma_wait3A_271] : memref<5120x128xf32, #tpu.memory_space<vmem_shared>> -> memref<64x128xf32, #tpu.memory_space<vmem_shared>>
      %dma_wait3A_273 = arith.constant 0 : i32
      %dma_wait3A_274 = arith.constant 0 : i32
      %dma_wait3A_275 = tpu.memref_slice %arg9[%run_scoped3A_21, %dma_wait3A_273, %dma_wait3A_274] : memref<3x128x128xf32, #tpu.memory_space<vmem>> -> memref<1x64x128xf32, #tpu.memory_space<vmem>>
      %dma_wait3A_276 = tpu.memref_squeeze %dma_wait3A_275 : memref<1x64x128xf32, #tpu.memory_space<vmem>> -> memref<64x128xf32, #tpu.memory_space<vmem>>
      tpu.wait_dma2 semaphore(%run_scoped3A_253 : memref<!tpu.dma_semaphore, #tpu.memory_space<semaphore_mem>>) src(%dma_wait3A_276 : memref<64x128xf32, #tpu.memory_space<vmem>>) dst(%dma_wait3A_272 : memref<64x128xf32, #tpu.memory_space<vmem_shared>>)
      tpu.yield
    }) : () -> ()
    %barrier3A = arith.constant 0 : index
    tpu.barrier barrier_id(%barrier3A)
    %mul3A_22 = arith.constant 5000 : i32
    %mul3A_23 = arith.muli %arg0, %mul3A_22 : i32
    %scan3A_24 = arith.constant 0 : i32
    %scan3A_25 = arith.constant 0 : i32
    %scan3A_26 = arith.constant 628 : i32
    %scan3A_27 = arith.addi %scan3A_25, %scan3A_26 : i32
    %scan3A_28 = arith.constant 1 : i32
    %scan3A_29 = scf.for %scan3A_253 = %scan3A_25 to %scan3A_27 step %scan3A_28 iter_args(%scan3A_254 = %scan3A_24) -> (i32)  : i32 {
      %mul3A_255 = arith.constant 32 : i32
      %mul3A_256 = arith.muli %scan3A_253, %mul3A_255 : i32
      %add3A_257 = arith.constant 0 : i32
      %add3A_258 = arith.addi %mul3A_256, %add3A_257 : i32
      %get3A_259 = arith.index_cast %add3A_258 : i32 to index
      %get3A_260 = tpu.vector_load %arg6[%get3A_259] {strides = array<i32>} : memref<20480xi32, #tpu.memory_space<vmem>>, vector<16xi32>,
      %and3A_261 = arith.constant 16383 : i32
      %and3A_262 = vector.broadcast %and3A_261 : i32 to vector<16xi32>
      %and3A_263 = arith.andi %get3A_260, %and3A_262 : vector<16xi32>
      %shift_right_arithmetic3A = arith.constant 14 : i32
      %shift_right_arithmetic3A_264 = vector.broadcast %shift_right_arithmetic3A : i32 to vector<16xi32>
      %shift_right_arithmetic3A_265 = arith.shrsi %get3A_260, %shift_right_arithmetic3A_264 : vector<16xi32>
      %add3A_266 = arith.constant 1 : i32
      %add3A_267 = arith.addi %add3A_266, %mul3A_23 : i32
      %sub3A_268 = vector.broadcast %add3A_267 : i32 to vector<16xi32>
      %sub3A_269 = arith.subi %shift_right_arithmetic3A_265, %sub3A_268 : vector<16xi32>
      %ge3A_270 = arith.constant 0 : i32
      %ge3A_271 = vector.broadcast %ge3A_270 : i32 to vector<16xi32>
      %ge3A_272 = arith.cmpi sge, %sub3A_269, %ge3A_271 : vector<16xi32>
      %lt3A = arith.constant 5000 : i32
      %lt3A_273 = vector.broadcast %lt3A : i32 to vector<16xi32>
      %lt3A_274 = arith.cmpi slt, %sub3A_269, %lt3A_273 : vector<16xi32>
      %and3A_275 = arith.andi %ge3A_272, %lt3A_274 : vector<16xi1>
      %shift_left3A = arith.constant 14 : i32
      %shift_left3A_276 = vector.broadcast %shift_left3A : i32 to vector<16xi32>
      %shift_left3A_277 = arith.shli %sub3A_269, %shift_left3A_276 : vector<16xi32>
      %or3A = arith.ori %and3A_263, %shift_left3A_277 : vector<16xi32>
      %swap3A_278 = arith.index_cast %scan3A_254 : i32 to index
      %swap3A_279 = tpu.vector_load %arg6[%swap3A_278] masked %and3A_275 {strides = array<i32>} : memref<20480xi32, #tpu.memory_space<vmem>>, vector<16xi32>, vector<16xi1>
      tpu.vector_store %arg6[%swap3A_278], %or3A masked %and3A_275 {strides = array<i32>} : memref<20480xi32, #tpu.memory_space<vmem>>, vector<16xi32>, vector<16xi1>
      %all_reduce_population_count3A = tpu.all_reduce %and3A_275 {dim = 0 : i64, kind = #tpu.reduction_kind<sum>} : vector<16xi1> -> vector<16xi32>
      %slice3A = vector.extract_strided_slice %all_reduce_population_count3A {offsets = [0], sizes = [1], strides = [1]} : vector<16xi32> to vector<1xi32>
      %squeeze3A = vector.extract %slice3A[0] : i32 from vector<1xi32>
      %add3A_280 = arith.addi %scan3A_254, %squeeze3A : i32
      %mul3A_281 = arith.constant 32 : i32
      %mul3A_282 = arith.muli %scan3A_253, %mul3A_281 : i32
      %add3A_283 = arith.constant 16 : i32
      %add3A_284 = arith.addi %mul3A_282, %add3A_283 : i32
      %get3A_285 = arith.index_cast %add3A_284 : i32 to index
      %get3A_286 = tpu.vector_load %arg6[%get3A_285] {strides = array<i32>} : memref<20480xi32, #tpu.memory_space<vmem>>, vector<16xi32>,
      %and3A_287 = arith.constant 16383 : i32
      %and3A_288 = vector.broadcast %and3A_287 : i32 to vector<16xi32>
      %and3A_289 = arith.andi %get3A_286, %and3A_288 : vector<16xi32>
      %shift_right_arithmetic3A_290 = arith.constant 14 : i32
      %shift_right_arithmetic3A_291 = vector.broadcast %shift_right_arithmetic3A_290 : i32 to vector<16xi32>
      %shift_right_arithmetic3A_292 = arith.shrsi %get3A_286, %shift_right_arithmetic3A_291 : vector<16xi32>
      %add3A_293 = arith.constant 1 : i32
      %add3A_294 = arith.addi %add3A_293, %mul3A_23 : i32
      %sub3A_295 = vector.broadcast %add3A_294 : i32 to vector<16xi32>
      %sub3A_296 = arith.subi %shift_right_arithmetic3A_292, %sub3A_295 : vector<16xi32>
      %ge3A_297 = arith.constant 0 : i32
      %ge3A_298 = vector.broadcast %ge3A_297 : i32 to vector<16xi32>
      %ge3A_299 = arith.cmpi sge, %sub3A_296, %ge3A_298 : vector<16xi32>
      %lt3A_300 = arith.constant 5000 : i32
      %lt3A_301 = vector.broadcast %lt3A_300 : i32 to vector<16xi32>
      %lt3A_302 = arith.cmpi slt, %sub3A_296, %lt3A_301 : vector<16xi32>
      %and3A_303 = arith.andi %ge3A_299, %lt3A_302 : vector<16xi1>
      %shift_left3A_304 = arith.constant 14 : i32
      %shift_left3A_305 = vector.broadcast %shift_left3A_304 : i32 to vector<16xi32>
      %shift_left3A_306 = arith.shli %sub3A_296, %shift_left3A_305 : vector<16xi32>
      %or3A_307 = arith.ori %and3A_289, %shift_left3A_306 : vector<16xi32>
      %swap3A_308 = arith.index_cast %add3A_280 : i32 to index
      %swap3A_309 = tpu.vector_load %arg6[%swap3A_308] masked %and3A_303 {strides = array<i32>} : memref<20480xi32, #tpu.memory_space<vmem>>, vector<16xi32>, vector<16xi1>
      tpu.vector_store %arg6[%swap3A_308], %or3A_307 masked %and3A_303 {strides = array<i32>} : memref<20480xi32, #tpu.memory_space<vmem>>, vector<16xi32>, vector<16xi1>
      %all_reduce_population_count3A_310 = tpu.all_reduce %and3A_303 {dim = 0 : i64, kind = #tpu.reduction_kind<sum>} : vector<16xi1> -> vector<16xi32>
      %slice3A_311 = vector.extract_strided_slice %all_reduce_population_count3A_310 {offsets = [0], sizes = [1], strides = [1]} : vector<16xi32> to vector<1xi32>
      %squeeze3A_312 = vector.extract %slice3A_311[0] : i32 from vector<1xi32>
      %add3A_313 = arith.addi %add3A_280, %squeeze3A_312 : i32
      scf.yield %add3A_313 : i32
    }
    %scan3A_30 = arith.constant 628 : i32
    %and3A = arith.constant -16 : i32
    %and3A_31 = arith.andi %scan3A_29, %and3A : i32
    %sub3A = arith.subi %scan3A_29, %and3A_31 : i32
    %iota3A = tpu.iota {dimensions = array<i32: 0>} : vector<16xi32>
    %broadcast_in_dim3A_32 = arith.constant 81920000 : i32
    %broadcast_in_dim3A_33 = vector.broadcast %broadcast_in_dim3A_32 : i32 to vector<16xi32>
    %ge3A = vector.broadcast %sub3A : i32 to vector<16xi32>
    %ge3A_34 = arith.cmpi sge, %iota3A, %ge3A : vector<16xi32>
    %get3A = arith.index_cast %and3A_31 : i32 to index
    %get3A_35 = tpu.vector_load %arg6[%get3A] {strides = array<i32>} : memref<20480xi32, #tpu.memory_space<vmem>>, vector<16xi32>,
    %jit3A = arith.constant 81920000 : i32
    %broadcast_in_dim3A_36 = vector.broadcast %jit3A : i32 to vector<16xi32>
    %select_n3A = arith.select %ge3A_34, %broadcast_in_dim3A_36, %get3A_35 : vector<16xi1>, vector<16xi32>
    %swap3A = arith.index_cast %and3A_31 : i32 to index
    %swap3A_37 = tpu.vector_load %arg6[%swap3A] {strides = array<i32>} : memref<20480xi32, #tpu.memory_space<vmem>>, vector<16xi32>,
    tpu.vector_store %arg6[%swap3A], %select_n3A {strides = array<i32>} : memref<20480xi32, #tpu.memory_space<vmem>>, vector<16xi32>,
    %add3A_38 = arith.constant 16 : i32
    %add3A_39 = arith.addi %and3A_31, %add3A_38 : i32
    %swap3A_40 = arith.index_cast %add3A_39 : i32 to index
    %swap3A_41 = tpu.vector_load %arg6[%swap3A_40] {strides = array<i32>} : memref<20480xi32, #tpu.memory_space<vmem>>, vector<16xi32>,
    tpu.vector_store %arg6[%swap3A_40], %broadcast_in_dim3A_33 {strides = array<i32>} : memref<20480xi32, #tpu.memory_space<vmem>>, vector<16xi32>,
    %add3A_42 = arith.constant 32 : i32
    %add3A_43 = arith.addi %and3A_31, %add3A_42 : i32
    %swap3A_44 = arith.index_cast %add3A_43 : i32 to index
    %swap3A_45 = tpu.vector_load %arg6[%swap3A_44] {strides = array<i32>} : memref<20480xi32, #tpu.memory_space<vmem>>, vector<16xi32>,
    tpu.vector_store %arg6[%swap3A_44], %broadcast_in_dim3A_33 {strides = array<i32>} : memref<20480xi32, #tpu.memory_space<vmem>>, vector<16xi32>,
    %add3A_46 = arith.constant 48 : i32
    %add3A_47 = arith.addi %and3A_31, %add3A_46 : i32
    %swap3A_48 = arith.index_cast %add3A_47 : i32 to index
    %swap3A_49 = tpu.vector_load %arg6[%swap3A_48] {strides = array<i32>} : memref<20480xi32, #tpu.memory_space<vmem>>, vector<16xi32>,
    tpu.vector_store %arg6[%swap3A_48], %broadcast_in_dim3A_33 {strides = array<i32>} : memref<20480xi32, #tpu.memory_space<vmem>>, vector<16xi32>,
    %add3A_50 = arith.constant 64 : i32
    %add3A_51 = arith.addi %and3A_31, %add3A_50 : i32
    %swap3A_52 = arith.index_cast %add3A_51 : i32 to index
    %swap3A_53 = tpu.vector_load %arg6[%swap3A_52] {strides = array<i32>} : memref<20480xi32, #tpu.memory_space<vmem>>, vector<16xi32>,
    tpu.vector_store %arg6[%swap3A_52], %broadcast_in_dim3A_33 {strides = array<i32>} : memref<20480xi32, #tpu.memory_space<vmem>>, vector<16xi32>,
    %add3A_54 = arith.constant 80 : i32
    %add3A_55 = arith.addi %and3A_31, %add3A_54 : i32
    %swap3A_56 = arith.index_cast %add3A_55 : i32 to index
    %swap3A_57 = tpu.vector_load %arg6[%swap3A_56] {strides = array<i32>} : memref<20480xi32, #tpu.memory_space<vmem>>, vector<16xi32>,
    tpu.vector_store %arg6[%swap3A_56], %broadcast_in_dim3A_33 {strides = array<i32>} : memref<20480xi32, #tpu.memory_space<vmem>>, vector<16xi32>,
    %add3A_58 = arith.constant 96 : i32
    %add3A_59 = arith.addi %and3A_31, %add3A_58 : i32
    %swap3A_60 = arith.index_cast %add3A_59 : i32 to index
    %swap3A_61 = tpu.vector_load %arg6[%swap3A_60] {strides = array<i32>} : memref<20480xi32, #tpu.memory_space<vmem>>, vector<16xi32>,
    tpu.vector_store %arg6[%swap3A_60], %broadcast_in_dim3A_33 {strides = array<i32>} : memref<20480xi32, #tpu.memory_space<vmem>>, vector<16xi32>,
    %add3A_62 = arith.constant 112 : i32
    %add3A_63 = arith.addi %and3A_31, %add3A_62 : i32
    %swap3A_64 = arith.index_cast %add3A_63 : i32 to index
    %swap3A_65 = tpu.vector_load %arg6[%swap3A_64] {strides = array<i32>} : memref<20480xi32, #tpu.memory_space<vmem>>, vector<16xi32>,
    tpu.vector_store %arg6[%swap3A_64], %broadcast_in_dim3A_33 {strides = array<i32>} : memref<20480xi32, #tpu.memory_space<vmem>>, vector<16xi32>,
    %add3A_66 = arith.constant 128 : i32
    %add3A_67 = arith.addi %and3A_31, %add3A_66 : i32
    %swap3A_68 = arith.index_cast %add3A_67 : i32 to index
    %swap3A_69 = tpu.vector_load %arg6[%swap3A_68] {strides = array<i32>} : memref<20480xi32, #tpu.memory_space<vmem>>, vector<16xi32>,
    tpu.vector_store %arg6[%swap3A_68], %broadcast_in_dim3A_33 {strides = array<i32>} : memref<20480xi32, #tpu.memory_space<vmem>>, vector<16xi32>,
    %add3A_70 = arith.constant 144 : i32
    %add3A_71 = arith.addi %and3A_31, %add3A_70 : i32
    %swap3A_72 = arith.index_cast %add3A_71 : i32 to index
    %swap3A_73 = tpu.vector_load %arg6[%swap3A_72] {strides = array<i32>} : memref<20480xi32, #tpu.memory_space<vmem>>, vector<16xi32>,
    tpu.vector_store %arg6[%swap3A_72], %broadcast_in_dim3A_33 {strides = array<i32>} : memref<20480xi32, #tpu.memory_space<vmem>>, vector<16xi32>,
    %add3A_74 = arith.constant 160 : i32
    %add3A_75 = arith.addi %and3A_31, %add3A_74 : i32
    %swap3A_76 = arith.index_cast %add3A_75 : i32 to index
    %swap3A_77 = tpu.vector_load %arg6[%swap3A_76] {strides = array<i32>} : memref<20480xi32, #tpu.memory_space<vmem>>, vector<16xi32>,
    tpu.vector_store %arg6[%swap3A_76], %broadcast_in_dim3A_33 {strides = array<i32>} : memref<20480xi32, #tpu.memory_space<vmem>>, vector<16xi32>,
    %add3A_78 = arith.constant 176 : i32
    %add3A_79 = arith.addi %and3A_31, %add3A_78 : i32
    %swap3A_80 = arith.index_cast %add3A_79 : i32 to index
    %swap3A_81 = tpu.vector_load %arg6[%swap3A_80] {strides = array<i32>} : memref<20480xi32, #tpu.memory_space<vmem>>, vector<16xi32>,
    tpu.vector_store %arg6[%swap3A_80], %broadcast_in_dim3A_33 {strides = array<i32>} : memref<20480xi32, #tpu.memory_space<vmem>>, vector<16xi32>,
    %add3A_82 = arith.constant 192 : i32
    %add3A_83 = arith.addi %and3A_31, %add3A_82 : i32
    %swap3A_84 = arith.index_cast %add3A_83 : i32 to index
    %swap3A_85 = tpu.vector_load %arg6[%swap3A_84] {strides = array<i32>} : memref<20480xi32, #tpu.memory_space<vmem>>, vector<16xi32>,
    tpu.vector_store %arg6[%swap3A_84], %broadcast_in_dim3A_33 {strides = array<i32>} : memref<20480xi32, #tpu.memory_space<vmem>>, vector<16xi32>,
    %add3A_86 = arith.constant 208 : i32
    %add3A_87 = arith.addi %and3A_31, %add3A_86 : i32
    %swap3A_88 = arith.index_cast %add3A_87 : i32 to index
    %swap3A_89 = tpu.vector_load %arg6[%swap3A_88] {strides = array<i32>} : memref<20480xi32, #tpu.memory_space<vmem>>, vector<16xi32>,
    tpu.vector_store %arg6[%swap3A_88], %broadcast_in_dim3A_33 {strides = array<i32>} : memref<20480xi32, #tpu.memory_space<vmem>>, vector<16xi32>,
    %add3A_90 = arith.constant 224 : i32
    %add3A_91 = arith.addi %and3A_31, %add3A_90 : i32
    %swap3A_92 = arith.index_cast %add3A_91 : i32 to index
    %swap3A_93 = tpu.vector_load %arg6[%swap3A_92] {strides = array<i32>} : memref<20480xi32, #tpu.memory_space<vmem>>, vector<16xi32>,
    tpu.vector_store %arg6[%swap3A_92], %broadcast_in_dim3A_33 {strides = array<i32>} : memref<20480xi32, #tpu.memory_space<vmem>>, vector<16xi32>,
    %add3A_94 = arith.constant 240 : i32
    %add3A_95 = arith.addi %and3A_31, %add3A_94 : i32
    %swap3A_96 = arith.index_cast %add3A_95 : i32 to index
    %swap3A_97 = tpu.vector_load %arg6[%swap3A_96] {strides = array<i32>} : memref<20480xi32, #tpu.memory_space<vmem>>, vector<16xi32>,
    tpu.vector_store %arg6[%swap3A_96], %broadcast_in_dim3A_33 {strides = array<i32>} : memref<20480xi32, #tpu.memory_space<vmem>>, vector<16xi32>,
    %add3A_98 = arith.constant 256 : i32
    %add3A_99 = arith.addi %and3A_31, %add3A_98 : i32
    %swap3A_100 = arith.index_cast %add3A_99 : i32 to index
    %swap3A_101 = tpu.vector_load %arg6[%swap3A_100] {strides = array<i32>} : memref<20480xi32, #tpu.memory_space<vmem>>, vector<16xi32>,
    tpu.vector_store %arg6[%swap3A_100], %broadcast_in_dim3A_33 {strides = array<i32>} : memref<20480xi32, #tpu.memory_space<vmem>>, vector<16xi32>,
    %add3A_102 = arith.constant 128 : i32
    %add3A_103 = arith.addi %scan3A_29, %add3A_102 : i32
    %sub3A_104 = arith.constant 1 : i32
    %sub3A_105 = arith.subi %add3A_103, %sub3A_104 : i32
    %jit3A_106 = arith.constant 128 : i32
    %div3A = arith.divsi %sub3A_105, %jit3A_106 : i32
    %sign3A = arith.constant 0 : i32
    %sign3A_107 = arith.cmpi sgt, %sub3A_105, %sign3A : i32
    %sign3A_108 = arith.extui %sign3A_107 : i1 to i32
    %sign3A_109 = arith.constant 0 : i32
    %sign3A_110 = arith.cmpi slt, %sub3A_105, %sign3A_109 : i32
    %sign3A_111 = arith.extui %sign3A_110 : i1 to i32
    %sign3A_112 = arith.subi %sign3A_108, %sign3A_111 : i32
    %sign3A_113 = arith.constant 0 : i32
    %sign3A_114 = arith.cmpi sgt, %jit3A_106, %sign3A_113 : i32
    %sign3A_115 = arith.extui %sign3A_114 : i1 to i32
    %sign3A_116 = arith.constant 0 : i32
    %sign3A_117 = arith.cmpi slt, %jit3A_106, %sign3A_116 : i32
    %sign3A_118 = arith.extui %sign3A_117 : i1 to i32
    %sign3A_119 = arith.subi %sign3A_115, %sign3A_118 : i32
    %ne3A = arith.cmpi ne, %sign3A_112, %sign3A_119 : i32
    %rem3A = arith.remsi %sub3A_105, %jit3A_106 : i32
    %ne3A_120 = arith.constant 0 : i32
    %ne3A_121 = arith.cmpi ne, %rem3A, %ne3A_120 : i32
    %and3A_122 = arith.andi %ne3A, %ne3A_121 : i1
    %sub3A_123 = arith.constant 1 : i32
    %sub3A_124 = arith.subi %div3A, %sub3A_123 : i32
    %select_n3A_125 = arith.select %and3A_122, %sub3A_124, %div3A : i32
    %max3A = arith.constant 1 : i32
    %max3A_126 = arith.maxsi %select_n3A_125, %max3A : i32
    %get3A_127 = arith.constant 0 : index
    %get3A_128 = tpu.vector_load %arg6[%get3A_127] {strides = array<i32>} : memref<20480xi32, #tpu.memory_space<vmem>>, vector<16xi32>,
    %and3A_129 = arith.constant 16383 : i32
    %and3A_130 = vector.broadcast %and3A_129 : i32 to vector<16xi32>
    %and3A_131 = arith.andi %get3A_128, %and3A_130 : vector<16xi32>
    %swap3A_132 = arith.constant 0 : i32
    %swap3A_133 = arith.index_cast %swap3A_132 : i32 to index
    %swap3A_134 = arith.constant 0 : index
    %swap3A_135 = tpu.vector_load %arg7[%swap3A_133, %swap3A_134] {strides = array<i32>} : memref<3x128xi32, #tpu.memory_space<vmem>>, vector<16xi32>,
    tpu.vector_store %arg7[%swap3A_133, %swap3A_134], %and3A_131 {strides = array<i32>} : memref<3x128xi32, #tpu.memory_space<vmem>>, vector<16xi32>,
    %get3A_136 = arith.constant 16 : index
    %get3A_137 = tpu.vector_load %arg6[%get3A_136] {strides = array<i32>} : memref<20480xi32, #tpu.memory_space<vmem>>, vector<16xi32>,
    %and3A_138 = arith.constant 16383 : i32
    %and3A_139 = vector.broadcast %and3A_138 : i32 to vector<16xi32>
    %and3A_140 = arith.andi %get3A_137, %and3A_139 : vector<16xi32>
    %swap3A_141 = arith.constant 0 : i32
    %swap3A_142 = arith.index_cast %swap3A_141 : i32 to index
    %swap3A_143 = arith.constant 16 : index
    %swap3A_144 = tpu.vector_load %arg7[%swap3A_142, %swap3A_143] {strides = array<i32>} : memref<3x128xi32, #tpu.memory_space<vmem>>, vector<16xi32>,
    tpu.vector_store %arg7[%swap3A_142, %swap3A_143], %and3A_140 {strides = array<i32>} : memref<3x128xi32, #tpu.memory_space<vmem>>, vector<16xi32>,
    %get3A_145 = arith.constant 32 : index
    %get3A_146 = tpu.vector_load %arg6[%get3A_145] {strides = array<i32>} : memref<20480xi32, #tpu.memory_space<vmem>>, vector<16xi32>,
    %and3A_147 = arith.constant 16383 : i32
    %and3A_148 = vector.broadcast %and3A_147 : i32 to vector<16xi32>
    %and3A_149 = arith.andi %get3A_146, %and3A_148 : vector<16xi32>
    %swap3A_150 = arith.constant 0 : i32
    %swap3A_151 = arith.index_cast %swap3A_150 : i32 to index
    %swap3A_152 = arith.constant 32 : index
    %swap3A_153 = tpu.vector_load %arg7[%swap3A_151, %swap3A_152] {strides = array<i32>} : memref<3x128xi32, #tpu.memory_space<vmem>>, vector<16xi32>,
    tpu.vector_store %arg7[%swap3A_151, %swap3A_152], %and3A_149 {strides = array<i32>} : memref<3x128xi32, #tpu.memory_space<vmem>>, vector<16xi32>,
    %get3A_154 = arith.constant 48 : index
    %get3A_155 = tpu.vector_load %arg6[%get3A_154] {strides = array<i32>} : memref<20480xi32, #tpu.memory_space<vmem>>, vector<16xi32>,
    %and3A_156 = arith.constant 16383 : i32
    %and3A_157 = vector.broadcast %and3A_156 : i32 to vector<16xi32>
    %and3A_158 = arith.andi %get3A_155, %and3A_157 : vector<16xi32>
    %swap3A_159 = arith.constant 0 : i32
    %swap3A_160 = arith.index_cast %swap3A_159 : i32 to index
    %swap3A_161 = arith.constant 48 : index
    %swap3A_162 = tpu.vector_load %arg7[%swap3A_160, %swap3A_161] {strides = array<i32>} : memref<3x128xi32, #tpu.memory_space<vmem>>, vector<16xi32>,
    tpu.vector_store %arg7[%swap3A_160, %swap3A_161], %and3A_158 {strides = array<i32>} : memref<3x128xi32, #tpu.memory_space<vmem>>, vector<16xi32>,
    %get3A_163 = arith.constant 64 : index
    %get3A_164 = tpu.vector_load %arg6[%get3A_163] {strides = array<i32>} : memref<20480xi32, #tpu.memory_space<vmem>>, vector<16xi32>,
    %and3A_165 = arith.constant 16383 : i32
    %and3A_166 = vector.broadcast %and3A_165 : i32 to vector<16xi32>
    %and3A_167 = arith.andi %get3A_164, %and3A_166 : vector<16xi32>
    %swap3A_168 = arith.constant 0 : i32
    %swap3A_169 = arith.index_cast %swap3A_168 : i32 to index
    %swap3A_170 = arith.constant 64 : index
    %swap3A_171 = tpu.vector_load %arg7[%swap3A_169, %swap3A_170] {strides = array<i32>} : memref<3x128xi32, #tpu.memory_space<vmem>>, vector<16xi32>,
    tpu.vector_store %arg7[%swap3A_169, %swap3A_170], %and3A_167 {strides = array<i32>} : memref<3x128xi32, #tpu.memory_space<vmem>>, vector<16xi32>,
    %get3A_172 = arith.constant 80 : index
    %get3A_173 = tpu.vector_load %arg6[%get3A_172] {strides = array<i32>} : memref<20480xi32, #tpu.memory_space<vmem>>, vector<16xi32>,
    %and3A_174 = arith.constant 16383 : i32
    %and3A_175 = vector.broadcast %and3A_174 : i32 to vector<16xi32>
    %and3A_176 = arith.andi %get3A_173, %and3A_175 : vector<16xi32>
    %swap3A_177 = arith.constant 0 : i32
    %swap3A_178 = arith.index_cast %swap3A_177 : i32 to index
    %swap3A_179 = arith.constant 80 : index
    %swap3A_180 = tpu.vector_load %arg7[%swap3A_178, %swap3A_179] {strides = array<i32>} : memref<3x128xi32, #tpu.memory_space<vmem>>, vector<16xi32>,
    tpu.vector_store %arg7[%swap3A_178, %swap3A_179], %and3A_176 {strides = array<i32>} : memref<3x128xi32, #tpu.memory_space<vmem>>, vector<16xi32>,
    %get3A_181 = arith.constant 96 : index
    %get3A_182 = tpu.vector_load %arg6[%get3A_181] {strides = array<i32>} : memref<20480xi32, #tpu.memory_space<vmem>>, vector<16xi32>,
    %and3A_183 = arith.constant 16383 : i32
    %and3A_184 = vector.broadcast %and3A_183 : i32 to vector<16xi32>
    %and3A_185 = arith.andi %get3A_182, %and3A_184 : vector<16xi32>
    %swap3A_186 = arith.constant 0 : i32
    %swap3A_187 = arith.index_cast %swap3A_186 : i32 to index
    %swap3A_188 = arith.constant 96 : index
    %swap3A_189 = tpu.vector_load %arg7[%swap3A_187, %swap3A_188] {strides = array<i32>} : memref<3x128xi32, #tpu.memory_space<vmem>>, vector<16xi32>,
    tpu.vector_store %arg7[%swap3A_187, %swap3A_188], %and3A_185 {strides = array<i32>} : memref<3x128xi32, #tpu.memory_space<vmem>>, vector<16xi32>,
    %get3A_190 = arith.constant 112 : index
    %get3A_191 = tpu.vector_load %arg6[%get3A_190] {strides = array<i32>} : memref<20480xi32, #tpu.memory_space<vmem>>, vector<16xi32>,
    %and3A_192 = arith.constant 16383 : i32
    %and3A_193 = vector.broadcast %and3A_192 : i32 to vector<16xi32>
    %and3A_194 = arith.andi %get3A_191, %and3A_193 : vector<16xi32>
    %swap3A_195 = arith.constant 0 : i32
    %swap3A_196 = arith.index_cast %swap3A_195 : i32 to index
    %swap3A_197 = arith.constant 112 : index
    %swap3A_198 = tpu.vector_load %arg7[%swap3A_196, %swap3A_197] {strides = array<i32>} : memref<3x128xi32, #tpu.memory_space<vmem>>, vector<16xi32>,
    tpu.vector_store %arg7[%swap3A_196, %swap3A_197], %and3A_194 {strides = array<i32>} : memref<3x128xi32, #tpu.memory_space<vmem>>, vector<16xi32>,
    %dma_start3A = arith.constant 0 : i32
    %dma_start3A_199 = arith.constant 0 : i32
    %dma_start3A_200 = arith.constant 0 : i32
    %dma_start3A_201 = arith.constant 0 : i32
    %dma_start3A_202 = tpu.memref_slice %arg9[%dma_start3A_199, %dma_start3A_200, %dma_start3A_201] : memref<3x128x128xf32, #tpu.memory_space<vmem>> -> memref<1x128x128xf32, #tpu.memory_space<vmem>>
    %dma_start3A_203 = tpu.memref_squeeze %dma_start3A_202 : memref<1x128x128xf32, #tpu.memory_space<vmem>> -> memref<128x128xf32, #tpu.memory_space<vmem>>
    %dma_start3A_204 = arith.constant 0 : i32
    %dma_start3A_205 = tpu.memref_slice %arg7[%dma_start3A, %dma_start3A_204] : memref<3x128xi32, #tpu.memory_space<vmem>> -> memref<1x128xi32, #tpu.memory_space<vmem>>
    %dma_start3A_206 = tpu.memref_squeeze %dma_start3A_205 : memref<1x128xi32, #tpu.memory_space<vmem>> -> memref<128xi32, #tpu.memory_space<vmem>>
    %dma_start3A_207 = arith.constant 0 : i32
    %dma_start3A_208 = arith.constant 0 : i32
    %dma_start3A_209 = tpu.memref_slice %arg2[%dma_start3A_207, %dma_start3A_208] : memref<10000x128xf32, #tpu.memory_space<hbm>> -> memref<10000x128xf32, #tpu.memory_space<hbm>>
    tpu.enqueue_indirect_dma source(%dma_start3A_209 : memref<10000x128xf32, #tpu.memory_space<hbm>>) target(%dma_start3A_203 : memref<128x128xf32, #tpu.memory_space<vmem>>) offsets(%dma_start3A_206 : memref<128xi32, #tpu.memory_space<vmem>>) semaphore(%arg12 : memref<!tpu.dma_semaphore, #tpu.memory_space<semaphore_mem>>)
    %gt3A = arith.constant 1 : i32
    %gt3A_210 = arith.cmpi sgt, %max3A_126, %gt3A : i32
    %convert_element_type3A = arith.extui %gt3A_210 : i1 to i32
    %cond3A = arith.constant 0 : i32
    %cond3A_211 = arith.cmpi ne, %convert_element_type3A, %cond3A : i32
    scf.if %cond3A_211 {
      %get3A_253 = arith.constant 128 : index
      %get3A_254 = tpu.vector_load %arg6[%get3A_253] {strides = array<i32>} : memref<20480xi32, #tpu.memory_space<vmem>>, vector<16xi32>,
      %and3A_255 = arith.constant 16383 : i32
      %and3A_256 = vector.broadcast %and3A_255 : i32 to vector<16xi32>
      %and3A_257 = arith.andi %get3A_254, %and3A_256 : vector<16xi32>
      %swap3A_258 = arith.constant 1 : i32
      %swap3A_259 = arith.index_cast %swap3A_258 : i32 to index
      %swap3A_260 = arith.constant 0 : index
      %swap3A_261 = tpu.vector_load %arg7[%swap3A_259, %swap3A_260] {strides = array<i32>} : memref<3x128xi32, #tpu.memory_space<vmem>>, vector<16xi32>,
      tpu.vector_store %arg7[%swap3A_259, %swap3A_260], %and3A_257 {strides = array<i32>} : memref<3x128xi32, #tpu.memory_space<vmem>>, vector<16xi32>,
      %get3A_262 = arith.constant 144 : index
      %get3A_263 = tpu.vector_load %arg6[%get3A_262] {strides = array<i32>} : memref<20480xi32, #tpu.memory_space<vmem>>, vector<16xi32>,
      %and3A_264 = arith.constant 16383 : i32
      %and3A_265 = vector.broadcast %and3A_264 : i32 to vector<16xi32>
      %and3A_266 = arith.andi %get3A_263, %and3A_265 : vector<16xi32>
      %swap3A_267 = arith.constant 1 : i32
      %swap3A_268 = arith.index_cast %swap3A_267 : i32 to index
      %swap3A_269 = arith.constant 16 : index
      %swap3A_270 = tpu.vector_load %arg7[%swap3A_268, %swap3A_269] {strides = array<i32>} : memref<3x128xi32, #tpu.memory_space<vmem>>, vector<16xi32>,
      tpu.vector_store %arg7[%swap3A_268, %swap3A_269], %and3A_266 {strides = array<i32>} : memref<3x128xi32, #tpu.memory_space<vmem>>, vector<16xi32>,
      %get3A_271 = arith.constant 160 : index
      %get3A_272 = tpu.vector_load %arg6[%get3A_271] {strides = array<i32>} : memref<20480xi32, #tpu.memory_space<vmem>>, vector<16xi32>,
      %and3A_273 = arith.constant 16383 : i32
      %and3A_274 = vector.broadcast %and3A_273 : i32 to vector<16xi32>
      %and3A_275 = arith.andi %get3A_272, %and3A_274 : vector<16xi32>
      %swap3A_276 = arith.constant 1 : i32
      %swap3A_277 = arith.index_cast %swap3A_276 : i32 to index
      %swap3A_278 = arith.constant 32 : index
      %swap3A_279 = tpu.vector_load %arg7[%swap3A_277, %swap3A_278] {strides = array<i32>} : memref<3x128xi32, #tpu.memory_space<vmem>>, vector<16xi32>,
      tpu.vector_store %arg7[%swap3A_277, %swap3A_278], %and3A_275 {strides = array<i32>} : memref<3x128xi32, #tpu.memory_space<vmem>>, vector<16xi32>,
      %get3A_280 = arith.constant 176 : index
      %get3A_281 = tpu.vector_load %arg6[%get3A_280] {strides = array<i32>} : memref<20480xi32, #tpu.memory_space<vmem>>, vector<16xi32>,
      %and3A_282 = arith.constant 16383 : i32
      %and3A_283 = vector.broadcast %and3A_282 : i32 to vector<16xi32>
      %and3A_284 = arith.andi %get3A_281, %and3A_283 : vector<16xi32>
      %swap3A_285 = arith.constant 1 : i32
      %swap3A_286 = arith.index_cast %swap3A_285 : i32 to index
      %swap3A_287 = arith.constant 48 : index
      %swap3A_288 = tpu.vector_load %arg7[%swap3A_286, %swap3A_287] {strides = array<i32>} : memref<3x128xi32, #tpu.memory_space<vmem>>, vector<16xi32>,
      tpu.vector_store %arg7[%swap3A_286, %swap3A_287], %and3A_284 {strides = array<i32>} : memref<3x128xi32, #tpu.memory_space<vmem>>, vector<16xi32>,
      %get3A_289 = arith.constant 192 : index
      %get3A_290 = tpu.vector_load %arg6[%get3A_289] {strides = array<i32>} : memref<20480xi32, #tpu.memory_space<vmem>>, vector<16xi32>,
      %and3A_291 = arith.constant 16383 : i32
      %and3A_292 = vector.broadcast %and3A_291 : i32 to vector<16xi32>
      %and3A_293 = arith.andi %get3A_290, %and3A_292 : vector<16xi32>
      %swap3A_294 = arith.constant 1 : i32
      %swap3A_295 = arith.index_cast %swap3A_294 : i32 to index
      %swap3A_296 = arith.constant 64 : index
      %swap3A_297 = tpu.vector_load %arg7[%swap3A_295, %swap3A_296] {strides = array<i32>} : memref<3x128xi32, #tpu.memory_space<vmem>>, vector<16xi32>,
      tpu.vector_store %arg7[%swap3A_295, %swap3A_296], %and3A_293 {strides = array<i32>} : memref<3x128xi32, #tpu.memory_space<vmem>>, vector<16xi32>,
      %get3A_298 = arith.constant 208 : index
      %get3A_299 = tpu.vector_load %arg6[%get3A_298] {strides = array<i32>} : memref<20480xi32, #tpu.memory_space<vmem>>, vector<16xi32>,
      %and3A_300 = arith.constant 16383 : i32
      %and3A_301 = vector.broadcast %and3A_300 : i32 to vector<16xi32>
      %and3A_302 = arith.andi %get3A_299, %and3A_301 : vector<16xi32>
      %swap3A_303 = arith.constant 1 : i32
      %swap3A_304 = arith.index_cast %swap3A_303 : i32 to index
      %swap3A_305 = arith.constant 80 : index
      %swap3A_306 = tpu.vector_load %arg7[%swap3A_304, %swap3A_305] {strides = array<i32>} : memref<3x128xi32, #tpu.memory_space<vmem>>, vector<16xi32>,
      tpu.vector_store %arg7[%swap3A_304, %swap3A_305], %and3A_302 {strides = array<i32>} : memref<3x128xi32, #tpu.memory_space<vmem>>, vector<16xi32>,
      %get3A_307 = arith.constant 224 : index
      %get3A_308 = tpu.vector_load %arg6[%get3A_307] {strides = array<i32>} : memref<20480xi32, #tpu.memory_space<vmem>>, vector<16xi32>,
      %and3A_309 = arith.constant 16383 : i32
      %and3A_310 = vector.broadcast %and3A_309 : i32 to vector<16xi32>
      %and3A_311 = arith.andi %get3A_308, %and3A_310 : vector<16xi32>
      %swap3A_312 = arith.constant 1 : i32
      %swap3A_313 = arith.index_cast %swap3A_312 : i32 to index
      %swap3A_314 = arith.constant 96 : index
      %swap3A_315 = tpu.vector_load %arg7[%swap3A_313, %swap3A_314] {strides = array<i32>} : memref<3x128xi32, #tpu.memory_space<vmem>>, vector<16xi32>,
      tpu.vector_store %arg7[%swap3A_313, %swap3A_314], %and3A_311 {strides = array<i32>} : memref<3x128xi32, #tpu.memory_space<vmem>>, vector<16xi32>,
      %get3A_316 = arith.constant 240 : index
      %get3A_317 = tpu.vector_load %arg6[%get3A_316] {strides = array<i32>} : memref<20480xi32, #tpu.memory_space<vmem>>, vector<16xi32>,
      %and3A_318 = arith.constant 16383 : i32
      %and3A_319 = vector.broadcast %and3A_318 : i32 to vector<16xi32>
      %and3A_320 = arith.andi %get3A_317, %and3A_319 : vector<16xi32>
      %swap3A_321 = arith.constant 1 : i32
      %swap3A_322 = arith.index_cast %swap3A_321 : i32 to index
      %swap3A_323 = arith.constant 112 : index
      %swap3A_324 = tpu.vector_load %arg7[%swap3A_322, %swap3A_323] {strides = array<i32>} : memref<3x128xi32, #tpu.memory_space<vmem>>, vector<16xi32>,
      tpu.vector_store %arg7[%swap3A_322, %swap3A_323], %and3A_320 {strides = array<i32>} : memref<3x128xi32, #tpu.memory_space<vmem>>, vector<16xi32>,
      %dma_start3A_325 = arith.constant 1 : i32
      %dma_start3A_326 = arith.constant 1 : i32
      %dma_start3A_327 = arith.constant 0 : i32
      %dma_start3A_328 = arith.constant 0 : i32
      %dma_start3A_329 = tpu.memref_slice %arg9[%dma_start3A_326, %dma_start3A_327, %dma_start3A_328] : memref<3x128x128xf32, #tpu.memory_space<vmem>> -> memref<1x128x128xf32, #tpu.memory_space<vmem>>
      %dma_start3A_330 = tpu.memref_squeeze %dma_start3A_329 : memref<1x128x128xf32, #tpu.memory_space<vmem>> -> memref<128x128xf32, #tpu.memory_space<vmem>>
      %dma_start3A_331 = arith.constant 0 : i32
      %dma_start3A_332 = tpu.memref_slice %arg7[%dma_start3A_325, %dma_start3A_331] : memref<3x128xi32, #tpu.memory_space<vmem>> -> memref<1x128xi32, #tpu.memory_space<vmem>>
      %dma_start3A_333 = tpu.memref_squeeze %dma_start3A_332 : memref<1x128xi32, #tpu.memory_space<vmem>> -> memref<128xi32, #tpu.memory_space<vmem>>
      %dma_start3A_334 = arith.constant 0 : i32
      %dma_start3A_335 = arith.constant 0 : i32
      %dma_start3A_336 = tpu.memref_slice %arg2[%dma_start3A_334, %dma_start3A_335] : memref<10000x128xf32, #tpu.memory_space<hbm>> -> memref<10000x128xf32, #tpu.memory_space<hbm>>
      tpu.enqueue_indirect_dma source(%dma_start3A_336 : memref<10000x128xf32, #tpu.memory_space<hbm>>) target(%dma_start3A_330 : memref<128x128xf32, #tpu.memory_space<vmem>>) offsets(%dma_start3A_333 : memref<128xi32, #tpu.memory_space<vmem>>) semaphore(%arg13 : memref<!tpu.dma_semaphore, #tpu.memory_space<semaphore_mem>>)
    } else {
    }
    %add3A_212 = arith.constant 2 : i32
    %add3A_213 = arith.addi %max3A_126, %add3A_212 : i32
    %jit3A_214 = arith.constant 3 : i32
    %div3A_215 = arith.divsi %add3A_213, %jit3A_214 : i32
    %sign3A_216 = arith.constant 0 : i32
    %sign3A_217 = arith.cmpi sgt, %add3A_213, %sign3A_216 : i32
    %sign3A_218 = arith.extui %sign3A_217 : i1 to i32
    %sign3A_219 = arith.constant 0 : i32
    %sign3A_220 = arith.cmpi slt, %add3A_213, %sign3A_219 : i32
    %sign3A_221 = arith.extui %sign3A_220 : i1 to i32
    %sign3A_222 = arith.subi %sign3A_218, %sign3A_221 : i32
    %sign3A_223 = arith.constant 0 : i32
    %sign3A_224 = arith.cmpi sgt, %jit3A_214, %sign3A_223 : i32
    %sign3A_225 = arith.extui %sign3A_224 : i1 to i32
    %sign3A_226 = arith.constant 0 : i32
    %sign3A_227 = arith.cmpi slt, %jit3A_214, %sign3A_226 : i32
    %sign3A_228 = arith.extui %sign3A_227 : i1 to i32
    %sign3A_229 = arith.subi %sign3A_225, %sign3A_228 : i32
    %ne3A_230 = arith.cmpi ne, %sign3A_222, %sign3A_229 : i32
    %rem3A_231 = arith.remsi %add3A_213, %jit3A_214 : i32
    %ne3A_232 = arith.constant 0 : i32
    %ne3A_233 = arith.cmpi ne, %rem3A_231, %ne3A_232 : i32
    %and3A_234 = arith.andi %ne3A_230, %ne3A_233 : i1
    %sub3A_235 = arith.constant 1 : i32
    %sub3A_236 = arith.subi %div3A_215, %sub3A_235 : i32
    %select_n3A_237 = arith.select %and3A_234, %sub3A_236, %div3A_215 : i32
    %while3A = arith.constant 0 : i32
    %while3A_238 = arith.constant 0 : i32
    %while3A_239 = arith.subi %select_n3A_237, %while3A_238 : i32
    %while3A_240 = arith.addi %while3A_238, %while3A_239 : i32
    %while3A_241 = arith.constant 1 : i32
    %while3A_242 = arith.divsi %while3A_239, %while3A_241 : i32
    %while3A_243 = arith.muli %while3A_242, %while3A_241 : i32
    %while3A_244 = arith.addi %while3A_238, %while3A_243 : i32
    %while3A_245 = arith.constant 1 : i32
    scf.for %while3A_253 = %while3A_238 to %while3A_244 step %while3A_245  : i32 {
      %mul3A_254 = arith.constant 3 : i32
      %mul3A_255 = arith.muli %mul3A_254, %while3A_253 : i32
      %add3A_256 = arith.constant 1 : i32
      %add3A_257 = arith.addi %mul3A_255, %add3A_256 : i32
      %add3A_258 = arith.constant 2 : i32
      %add3A_259 = arith.addi %mul3A_255, %add3A_258 : i32
      %add3A_260 = arith.constant 3 : i32
      %add3A_261 = arith.addi %mul3A_255, %add3A_260 : i32
      %add3A_262 = arith.constant 4 : i32
      %add3A_263 = arith.addi %mul3A_255, %add3A_262 : i32
      %lt3A = arith.cmpi slt, %add3A_259, %max3A_126 : i32
      %convert_element_type3A_264 = arith.extui %lt3A : i1 to i32
      %cond3A_265 = arith.constant 0 : i32
      %cond3A_266 = arith.cmpi ne, %convert_element_type3A_264, %cond3A_265 : i32
      scf.if %cond3A_266 {
        %mul3A_394 = arith.constant 128 : i32
        %mul3A_395 = arith.muli %add3A_259, %mul3A_394 : i32
        %add3A_396 = arith.constant 0 : i32
        %add3A_397 = arith.addi %mul3A_395, %add3A_396 : i32
        %get3A_398 = arith.index_cast %add3A_397 : i32 to index
        %get3A_399 = tpu.vector_load %arg6[%get3A_398] {strides = array<i32>} : memref<20480xi32, #tpu.memory_space<vmem>>, vector<16xi32>,
        %and3A_400 = arith.constant 16383 : i32
        %and3A_401 = vector.broadcast %and3A_400 : i32 to vector<16xi32>
        %and3A_402 = arith.andi %get3A_399, %and3A_401 : vector<16xi32>
        %swap3A_403 = arith.constant 2 : i32
        %swap3A_404 = arith.index_cast %swap3A_403 : i32 to index
        %swap3A_405 = arith.constant 0 : index
        %swap3A_406 = tpu.vector_load %arg7[%swap3A_404, %swap3A_405] {strides = array<i32>} : memref<3x128xi32, #tpu.memory_space<vmem>>, vector<16xi32>,
        tpu.vector_store %arg7[%swap3A_404, %swap3A_405], %and3A_402 {strides = array<i32>} : memref<3x128xi32, #tpu.memory_space<vmem>>, vector<16xi32>,
        %mul3A_407 = arith.constant 128 : i32
        %mul3A_408 = arith.muli %add3A_259, %mul3A_407 : i32
        %add3A_409 = arith.constant 16 : i32
        %add3A_410 = arith.addi %mul3A_408, %add3A_409 : i32
        %get3A_411 = arith.index_cast %add3A_410 : i32 to index
        %get3A_412 = tpu.vector_load %arg6[%get3A_411] {strides = array<i32>} : memref<20480xi32, #tpu.memory_space<vmem>>, vector<16xi32>,
        %and3A_413 = arith.constant 16383 : i32
        %and3A_414 = vector.broadcast %and3A_413 : i32 to vector<16xi32>
        %and3A_415 = arith.andi %get3A_412, %and3A_414 : vector<16xi32>
        %swap3A_416 = arith.constant 2 : i32
        %swap3A_417 = arith.index_cast %swap3A_416 : i32 to index
        %swap3A_418 = arith.constant 16 : index
        %swap3A_419 = tpu.vector_load %arg7[%swap3A_417, %swap3A_418] {strides = array<i32>} : memref<3x128xi32, #tpu.memory_space<vmem>>, vector<16xi32>,
        tpu.vector_store %arg7[%swap3A_417, %swap3A_418], %and3A_415 {strides = array<i32>} : memref<3x128xi32, #tpu.memory_space<vmem>>, vector<16xi32>,
        %mul3A_420 = arith.constant 128 : i32
        %mul3A_421 = arith.muli %add3A_259, %mul3A_420 : i32
        %add3A_422 = arith.constant 32 : i32
        %add3A_423 = arith.addi %mul3A_421, %add3A_422 : i32
        %get3A_424 = arith.index_cast %add3A_423 : i32 to index
        %get3A_425 = tpu.vector_load %arg6[%get3A_424] {strides = array<i32>} : memref<20480xi32, #tpu.memory_space<vmem>>, vector<16xi32>,
        %and3A_426 = arith.constant 16383 : i32
        %and3A_427 = vector.broadcast %and3A_426 : i32 to vector<16xi32>
        %and3A_428 = arith.andi %get3A_425, %and3A_427 : vector<16xi32>
        %swap3A_429 = arith.constant 2 : i32
        %swap3A_430 = arith.index_cast %swap3A_429 : i32 to index
        %swap3A_431 = arith.constant 32 : index
        %swap3A_432 = tpu.vector_load %arg7[%swap3A_430, %swap3A_431] {strides = array<i32>} : memref<3x128xi32, #tpu.memory_space<vmem>>, vector<16xi32>,
        tpu.vector_store %arg7[%swap3A_430, %swap3A_431], %and3A_428 {strides = array<i32>} : memref<3x128xi32, #tpu.memory_space<vmem>>, vector<16xi32>,
        %mul3A_433 = arith.constant 128 : i32
        %mul3A_434 = arith.muli %add3A_259, %mul3A_433 : i32
        %add3A_435 = arith.constant 48 : i32
        %add3A_436 = arith.addi %mul3A_434, %add3A_435 : i32
        %get3A_437 = arith.index_cast %add3A_436 : i32 to index
        %get3A_438 = tpu.vector_load %arg6[%get3A_437] {strides = array<i32>} : memref<20480xi32, #tpu.memory_space<vmem>>, vector<16xi32>,
        %and3A_439 = arith.constant 16383 : i32
        %and3A_440 = vector.broadcast %and3A_439 : i32 to vector<16xi32>
        %and3A_441 = arith.andi %get3A_438, %and3A_440 : vector<16xi32>
        %swap3A_442 = arith.constant 2 : i32
        %swap3A_443 = arith.index_cast %swap3A_442 : i32 to index
        %swap3A_444 = arith.constant 48 : index
        %swap3A_445 = tpu.vector_load %arg7[%swap3A_443, %swap3A_444] {strides = array<i32>} : memref<3x128xi32, #tpu.memory_space<vmem>>, vector<16xi32>,
        tpu.vector_store %arg7[%swap3A_443, %swap3A_444], %and3A_441 {strides = array<i32>} : memref<3x128xi32, #tpu.memory_space<vmem>>, vector<16xi32>,
        %mul3A_446 = arith.constant 128 : i32
        %mul3A_447 = arith.muli %add3A_259, %mul3A_446 : i32
        %add3A_448 = arith.constant 64 : i32
        %add3A_449 = arith.addi %mul3A_447, %add3A_448 : i32
        %get3A_450 = arith.index_cast %add3A_449 : i32 to index
        %get3A_451 = tpu.vector_load %arg6[%get3A_450] {strides = array<i32>} : memref<20480xi32, #tpu.memory_space<vmem>>, vector<16xi32>,
        %and3A_452 = arith.constant 16383 : i32
        %and3A_453 = vector.broadcast %and3A_452 : i32 to vector<16xi32>
        %and3A_454 = arith.andi %get3A_451, %and3A_453 : vector<16xi32>
        %swap3A_455 = arith.constant 2 : i32
        %swap3A_456 = arith.index_cast %swap3A_455 : i32 to index
        %swap3A_457 = arith.constant 64 : index
        %swap3A_458 = tpu.vector_load %arg7[%swap3A_456, %swap3A_457] {strides = array<i32>} : memref<3x128xi32, #tpu.memory_space<vmem>>, vector<16xi32>,
        tpu.vector_store %arg7[%swap3A_456, %swap3A_457], %and3A_454 {strides = array<i32>} : memref<3x128xi32, #tpu.memory_space<vmem>>, vector<16xi32>,
        %mul3A_459 = arith.constant 128 : i32
        %mul3A_460 = arith.muli %add3A_259, %mul3A_459 : i32
        %add3A_461 = arith.constant 80 : i32
        %add3A_462 = arith.addi %mul3A_460, %add3A_461 : i32
        %get3A_463 = arith.index_cast %add3A_462 : i32 to index
        %get3A_464 = tpu.vector_load %arg6[%get3A_463] {strides = array<i32>} : memref<20480xi32, #tpu.memory_space<vmem>>, vector<16xi32>,
        %and3A_465 = arith.constant 16383 : i32
        %and3A_466 = vector.broadcast %and3A_465 : i32 to vector<16xi32>
        %and3A_467 = arith.andi %get3A_464, %and3A_466 : vector<16xi32>
        %swap3A_468 = arith.constant 2 : i32
        %swap3A_469 = arith.index_cast %swap3A_468 : i32 to index
        %swap3A_470 = arith.constant 80 : index
        %swap3A_471 = tpu.vector_load %arg7[%swap3A_469, %swap3A_470] {strides = array<i32>} : memref<3x128xi32, #tpu.memory_space<vmem>>, vector<16xi32>,
        tpu.vector_store %arg7[%swap3A_469, %swap3A_470], %and3A_467 {strides = array<i32>} : memref<3x128xi32, #tpu.memory_space<vmem>>, vector<16xi32>,
        %mul3A_472 = arith.constant 128 : i32
        %mul3A_473 = arith.muli %add3A_259, %mul3A_472 : i32
        %add3A_474 = arith.constant 96 : i32
        %add3A_475 = arith.addi %mul3A_473, %add3A_474 : i32
        %get3A_476 = arith.index_cast %add3A_475 : i32 to index
        %get3A_477 = tpu.vector_load %arg6[%get3A_476] {strides = array<i32>} : memref<20480xi32, #tpu.memory_space<vmem>>, vector<16xi32>,
        %and3A_478 = arith.constant 16383 : i32
        %and3A_479 = vector.broadcast %and3A_478 : i32 to vector<16xi32>
        %and3A_480 = arith.andi %get3A_477, %and3A_479 : vector<16xi32>
        %swap3A_481 = arith.constant 2 : i32
        %swap3A_482 = arith.index_cast %swap3A_481 : i32 to index
        %swap3A_483 = arith.constant 96 : index
        %swap3A_484 = tpu.vector_load %arg7[%swap3A_482, %swap3A_483] {strides = array<i32>} : memref<3x128xi32, #tpu.memory_space<vmem>>, vector<16xi32>,
        tpu.vector_store %arg7[%swap3A_482, %swap3A_483], %and3A_480 {strides = array<i32>} : memref<3x128xi32, #tpu.memory_space<vmem>>, vector<16xi32>,
        %mul3A_485 = arith.constant 128 : i32
        %mul3A_486 = arith.muli %add3A_259, %mul3A_485 : i32
        %add3A_487 = arith.constant 112 : i32
        %add3A_488 = arith.addi %mul3A_486, %add3A_487 : i32
        %get3A_489 = arith.index_cast %add3A_488 : i32 to index
        %get3A_490 = tpu.vector_load %arg6[%get3A_489] {strides = array<i32>} : memref<20480xi32, #tpu.memory_space<vmem>>, vector<16xi32>,
        %and3A_491 = arith.constant 16383 : i32
        %and3A_492 = vector.broadcast %and3A_491 : i32 to vector<16xi32>
        %and3A_493 = arith.andi %get3A_490, %and3A_492 : vector<16xi32>
        %swap3A_494 = arith.constant 2 : i32
        %swap3A_495 = arith.index_cast %swap3A_494 : i32 to index
        %swap3A_496 = arith.constant 112 : index
        %swap3A_497 = tpu.vector_load %arg7[%swap3A_495, %swap3A_496] {strides = array<i32>} : memref<3x128xi32, #tpu.memory_space<vmem>>, vector<16xi32>,
        tpu.vector_store %arg7[%swap3A_495, %swap3A_496], %and3A_493 {strides = array<i32>} : memref<3x128xi32, #tpu.memory_space<vmem>>, vector<16xi32>,
        %dma_start3A_498 = arith.constant 2 : i32
        %dma_start3A_499 = arith.constant 2 : i32
        %dma_start3A_500 = arith.constant 0 : i32
        %dma_start3A_501 = arith.constant 0 : i32
        %dma_start3A_502 = tpu.memref_slice %arg9[%dma_start3A_499, %dma_start3A_500, %dma_start3A_501] : memref<3x128x128xf32, #tpu.memory_space<vmem>> -> memref<1x128x128xf32, #tpu.memory_space<vmem>>
        %dma_start3A_503 = tpu.memref_squeeze %dma_start3A_502 : memref<1x128x128xf32, #tpu.memory_space<vmem>> -> memref<128x128xf32, #tpu.memory_space<vmem>>
        %dma_start3A_504 = arith.constant 0 : i32
        %dma_start3A_505 = tpu.memref_slice %arg7[%dma_start3A_498, %dma_start3A_504] : memref<3x128xi32, #tpu.memory_space<vmem>> -> memref<1x128xi32, #tpu.memory_space<vmem>>
        %dma_start3A_506 = tpu.memref_squeeze %dma_start3A_505 : memref<1x128xi32, #tpu.memory_space<vmem>> -> memref<128xi32, #tpu.memory_space<vmem>>
        %dma_start3A_507 = arith.constant 0 : i32
        %dma_start3A_508 = arith.constant 0 : i32
        %dma_start3A_509 = tpu.memref_slice %arg2[%dma_start3A_507, %dma_start3A_508] : memref<10000x128xf32, #tpu.memory_space<hbm>> -> memref<10000x128xf32, #tpu.memory_space<hbm>>
        tpu.enqueue_indirect_dma source(%dma_start3A_509 : memref<10000x128xf32, #tpu.memory_space<hbm>>) target(%dma_start3A_503 : memref<128x128xf32, #tpu.memory_space<vmem>>) offsets(%dma_start3A_506 : memref<128xi32, #tpu.memory_space<vmem>>) semaphore(%arg14 : memref<!tpu.dma_semaphore, #tpu.memory_space<semaphore_mem>>)
      } else {
      }
      %dma_wait3A = arith.constant 0 : i32
      %dma_wait3A_267 = arith.constant 0 : i32
      %dma_wait3A_268 = arith.constant 0 : i32
      %dma_wait3A_269 = arith.constant 0 : i32
      %dma_wait3A_270 = tpu.memref_slice %arg9[%dma_wait3A_267, %dma_wait3A_268, %dma_wait3A_269] : memref<3x128x128xf32, #tpu.memory_space<vmem>> -> memref<1x128x128xf32, #tpu.memory_space<vmem>>
      %dma_wait3A_271 = tpu.memref_squeeze %dma_wait3A_270 : memref<1x128x128xf32, #tpu.memory_space<vmem>> -> memref<128x128xf32, #tpu.memory_space<vmem>>
      %dma_wait3A_272 = arith.constant 0 : i32
      %dma_wait3A_273 = tpu.memref_slice %arg7[%dma_wait3A, %dma_wait3A_272] : memref<3x128xi32, #tpu.memory_space<vmem>> -> memref<1x128xi32, #tpu.memory_space<vmem>>
      %dma_wait3A_274 = tpu.memref_squeeze %dma_wait3A_273 : memref<1x128xi32, #tpu.memory_space<vmem>> -> memref<128xi32, #tpu.memory_space<vmem>>
      %dma_wait3A_275 = arith.constant 0 : i32
      %dma_wait3A_276 = arith.constant 0 : i32
      %dma_wait3A_277 = tpu.memref_slice %arg2[%dma_wait3A_275, %dma_wait3A_276] : memref<10000x128xf32, #tpu.memory_space<hbm>> -> memref<10000x128xf32, #tpu.memory_space<hbm>>
      tpu.wait_indirect_dma semaphore(%arg12 : memref<!tpu.dma_semaphore, #tpu.memory_space<semaphore_mem>>) src(%dma_wait3A_277 : memref<10000x128xf32, #tpu.memory_space<hbm>>) dst(%dma_wait3A_271 : memref<128x128xf32, #tpu.memory_space<vmem>>)
      %mul3A_278 = arith.constant 128 : i32
      %mul3A_279 = arith.muli %mul3A_255, %mul3A_278 : i32
      %add3A_280 = arith.constant 0 : i32
      %add3A_281 = arith.addi %mul3A_279, %add3A_280 : i32
      %get3A_282 = arith.index_cast %add3A_281 : i32 to index
      %get3A_283 = tpu.vector_load %arg6[%get3A_282] {strides = array<i32>} : memref<20480xi32, #tpu.memory_space<vmem>>, vector<16xi32>,
      %shift_right_arithmetic3A = arith.constant 14 : i32
      %shift_right_arithmetic3A_284 = vector.broadcast %shift_right_arithmetic3A : i32 to vector<16xi32>
      %shift_right_arithmetic3A_285 = arith.shrsi %get3A_283, %shift_right_arithmetic3A_284 : vector<16xi32>
      %swap3A_286 = arith.constant 0 : index
      %swap3A_287 = tpu.vector_load %arg8[%swap3A_286] {strides = array<i32>} : memref<128xi32, #tpu.memory_space<vmem>>, vector<16xi32>,
      tpu.vector_store %arg8[%swap3A_286], %shift_right_arithmetic3A_285 {strides = array<i32>} : memref<128xi32, #tpu.memory_space<vmem>>, vector<16xi32>,
      %mul3A_288 = arith.constant 128 : i32
      %mul3A_289 = arith.muli %mul3A_255, %mul3A_288 : i32
      %add3A_290 = arith.constant 16 : i32
      %add3A_291 = arith.addi %mul3A_289, %add3A_290 : i32
      %get3A_292 = arith.index_cast %add3A_291 : i32 to index
      %get3A_293 = tpu.vector_load %arg6[%get3A_292] {strides = array<i32>} : memref<20480xi32, #tpu.memory_space<vmem>>, vector<16xi32>,
      %shift_right_arithmetic3A_294 = arith.constant 14 : i32
      %shift_right_arithmetic3A_295 = vector.broadcast %shift_right_arithmetic3A_294 : i32 to vector<16xi32>
      %shift_right_arithmetic3A_296 = arith.shrsi %get3A_293, %shift_right_arithmetic3A_295 : vector<16xi32>
      %swap3A_297 = arith.constant 16 : index
      %swap3A_298 = tpu.vector_load %arg8[%swap3A_297] {strides = array<i32>} : memref<128xi32, #tpu.memory_space<vmem>>, vector<16xi32>,
      tpu.vector_store %arg8[%swap3A_297], %shift_right_arithmetic3A_296 {strides = array<i32>} : memref<128xi32, #tpu.memory_space<vmem>>, vector<16xi32>,
      %mul3A_299 = arith.constant 128 : i32
      %mul3A_300 = arith.muli %mul3A_255, %mul3A_299 : i32
      %add3A_301 = arith.constant 32 : i32
      %add3A_302 = arith.addi %mul3A_300, %add3A_301 : i32
      %get3A_303 = arith.index_cast %add3A_302 : i32 to index
      %get3A_304 = tpu.vector_load %arg6[%get3A_303] {strides = array<i32>} : memref<20480xi32, #tpu.memory_space<vmem>>, vector<16xi32>,
      %shift_right_arithmetic3A_305 = arith.constant 14 : i32
      %shift_right_arithmetic3A_306 = vector.broadcast %shift_right_arithmetic3A_305 : i32 to vector<16xi32>
      %shift_right_arithmetic3A_307 = arith.shrsi %get3A_304, %shift_right_arithmetic3A_306 : vector<16xi32>
      %swap3A_308 = arith.constant 32 : index
      %swap3A_309 = tpu.vector_load %arg8[%swap3A_308] {strides = array<i32>} : memref<128xi32, #tpu.memory_space<vmem>>, vector<16xi32>,
      tpu.vector_store %arg8[%swap3A_308], %shift_right_arithmetic3A_307 {strides = array<i32>} : memref<128xi32, #tpu.memory_space<vmem>>, vector<16xi32>,
      %mul3A_310 = arith.constant 128 : i32
      %mul3A_311 = arith.muli %mul3A_255, %mul3A_310 : i32
      %add3A_312 = arith.constant 48 : i32
      %add3A_313 = arith.addi %mul3A_311, %add3A_312 : i32
      %get3A_314 = arith.index_cast %add3A_313 : i32 to index
      %get3A_315 = tpu.vector_load %arg6[%get3A_314] {strides = array<i32>} : memref<20480xi32, #tpu.memory_space<vmem>>, vector<16xi32>,
      %shift_right_arithmetic3A_316 = arith.constant 14 : i32
      %shift_right_arithmetic3A_317 = vector.broadcast %shift_right_arithmetic3A_316 : i32 to vector<16xi32>
      %shift_right_arithmetic3A_318 = arith.shrsi %get3A_315, %shift_right_arithmetic3A_317 : vector<16xi32>
      %swap3A_319 = arith.constant 48 : index
      %swap3A_320 = tpu.vector_load %arg8[%swap3A_319] {strides = array<i32>} : memref<128xi32, #tpu.memory_space<vmem>>, vector<16xi32>,
      tpu.vector_store %arg8[%swap3A_319], %shift_right_arithmetic3A_318 {strides = array<i32>} : memref<128xi32, #tpu.memory_space<vmem>>, vector<16xi32>,
      %mul3A_321 = arith.constant 128 : i32
      %mul3A_322 = arith.muli %mul3A_255, %mul3A_321 : i32
      %add3A_323 = arith.constant 64 : i32
      %add3A_324 = arith.addi %mul3A_322, %add3A_323 : i32
      %get3A_325 = arith.index_cast %add3A_324 : i32 to index
      %get3A_326 = tpu.vector_load %arg6[%get3A_325] {strides = array<i32>} : memref<20480xi32, #tpu.memory_space<vmem>>, vector<16xi32>,
      %shift_right_arithmetic3A_327 = arith.constant 14 : i32
      %shift_right_arithmetic3A_328 = vector.broadcast %shift_right_arithmetic3A_327 : i32 to vector<16xi32>
      %shift_right_arithmetic3A_329 = arith.shrsi %get3A_326, %shift_right_arithmetic3A_328 : vector<16xi32>
      %swap3A_330 = arith.constant 64 : index
      %swap3A_331 = tpu.vector_load %arg8[%swap3A_330] {strides = array<i32>} : memref<128xi32, #tpu.memory_space<vmem>>, vector<16xi32>,
      tpu.vector_store %arg8[%swap3A_330], %shift_right_arithmetic3A_329 {strides = array<i32>} : memref<128xi32, #tpu.memory_space<vmem>>, vector<16xi32>,
      %mul3A_332 = arith.constant 128 : i32
      %mul3A_333 = arith.muli %mul3A_255, %mul3A_332 : i32
      %add3A_334 = arith.constant 80 : i32
      %add3A_335 = arith.addi %mul3A_333, %add3A_334 : i32
      %get3A_336 = arith.index_cast %add3A_335 : i32 to index
      %get3A_337 = tpu.vector_load %arg6[%get3A_336] {strides = array<i32>} : memref<20480xi32, #tpu.memory_space<vmem>>, vector<16xi32>,
      %shift_right_arithmetic3A_338 = arith.constant 14 : i32
      %shift_right_arithmetic3A_339 = vector.broadcast %shift_right_arithmetic3A_338 : i32 to vector<16xi32>
      %shift_right_arithmetic3A_340 = arith.shrsi %get3A_337, %shift_right_arithmetic3A_339 : vector<16xi32>
      %swap3A_341 = arith.constant 80 : index
      %swap3A_342 = tpu.vector_load %arg8[%swap3A_341] {strides = array<i32>} : memref<128xi32, #tpu.memory_space<vmem>>, vector<16xi32>,
      tpu.vector_store %arg8[%swap3A_341], %shift_right_arithmetic3A_340 {strides = array<i32>} : memref<128xi32, #tpu.memory_space<vmem>>, vector<16xi32>,
      %mul3A_343 = arith.constant 128 : i32
      %mul3A_344 = arith.muli %mul3A_255, %mul3A_343 : i32
      %add3A_345 = arith.constant 96 : i32
      %add3A_346 = arith.addi %mul3A_344, %add3A_345 : i32
      %get3A_347 = arith.index_cast %add3A_346 : i32 to index
      %get3A_348 = tpu.vector_load %arg6[%get3A_347] {strides = array<i32>} : memref<20480xi32, #tpu.memory_space<vmem>>, vector<16xi32>,
      %shift_right_arithmetic3A_349 = arith.constant 14 : i32
      %shift_right_arithmetic3A_350 = vector.broadcast %shift_right_arithmetic3A_349 : i32 to vector<16xi32>
      %shift_right_arithmetic3A_351 = arith.shrsi %get3A_348, %shift_right_arithmetic3A_350 : vector<16xi32>
      %swap3A_352 = arith.constant 96 : index
      %swap3A_353 = tpu.vector_load %arg8[%swap3A_352] {strides = array<i32>} : memref<128xi32, #tpu.memory_space<vmem>>, vector<16xi32>,
      tpu.vector_store %arg8[%swap3A_352], %shift_right_arithmetic3A_351 {strides = array<i32>} : memref<128xi32, #tpu.memory_space<vmem>>, vector<16xi32>,
      %mul3A_354 = arith.constant 128 : i32
      %mul3A_355 = arith.muli %mul3A_255, %mul3A_354 : i32
      %add3A_356 = arith.constant 112 : i32
      %add3A_357 = arith.addi %mul3A_355, %add3A_356 : i32
      %get3A_358 = arith.index_cast %add3A_357 : i32 to index
      %get3A_359 = tpu.vector_load %arg6[%get3A_358] {strides = array<i32>} : memref<20480xi32, #tpu.memory_space<vmem>>, vector<16xi32>,
      %shift_right_arithmetic3A_360 = arith.constant 14 : i32
      %shift_right_arithmetic3A_361 = vector.broadcast %shift_right_arithmetic3A_360 : i32 to vector<16xi32>
      %shift_right_arithmetic3A_362 = arith.shrsi %get3A_359, %shift_right_arithmetic3A_361 : vector<16xi32>
      %swap3A_363 = arith.constant 112 : index
      %swap3A_364 = tpu.vector_load %arg8[%swap3A_363] {strides = array<i32>} : memref<128xi32, #tpu.memory_space<vmem>>, vector<16xi32>,
      tpu.vector_store %arg8[%swap3A_363], %shift_right_arithmetic3A_362 {strides = array<i32>} : memref<128xi32, #tpu.memory_space<vmem>>, vector<16xi32>,
      %run_scoped3A_365 = arith.constant 0 : i32
      "tpu.region"() ({
        %run_scoped3A_394 = tpu.sem_alloc : memref<!tpu.dma_semaphore, #tpu.memory_space<semaphore_mem>>
        %dma_start3A_395 = arith.constant 0 : i32
        %dma_start3A_396 = arith.constant 0 : i32
        %dma_start3A_397 = tpu.memref_slice %arg9[%run_scoped3A_365, %dma_start3A_395, %dma_start3A_396] : memref<3x128x128xf32, #tpu.memory_space<vmem>> -> memref<1x128x128xf32, #tpu.memory_space<vmem>>
        %dma_start3A_398 = tpu.memref_squeeze %dma_start3A_397 : memref<1x128x128xf32, #tpu.memory_space<vmem>> -> memref<128x128xf32, #tpu.memory_space<vmem>>
        %dma_start3A_399 = arith.constant 0 : i32
        %dma_start3A_400 = arith.constant 0 : i32
        %dma_start3A_401 = tpu.memref_slice %arg11[%dma_start3A_399, %dma_start3A_400] : memref<5120x128xf32, #tpu.memory_space<vmem_shared>> -> memref<5120x128xf32, #tpu.memory_space<vmem_shared>>
        tpu.enqueue_indirect_dma source(%dma_start3A_398 : memref<128x128xf32, #tpu.memory_space<vmem>>) target(%dma_start3A_401 : memref<5120x128xf32, #tpu.memory_space<vmem_shared>>) offsets(%arg8 : memref<128xi32, #tpu.memory_space<vmem>>) semaphore(%run_scoped3A_394 : memref<!tpu.dma_semaphore, #tpu.memory_space<semaphore_mem>>) {add = true}
        %dma_wait3A_402 = arith.constant 0 : i32
        %dma_wait3A_403 = arith.constant 0 : i32
        %dma_wait3A_404 = tpu.memref_slice %arg9[%run_scoped3A_365, %dma_wait3A_402, %dma_wait3A_403] : memref<3x128x128xf32, #tpu.memory_space<vmem>> -> memref<1x128x128xf32, #tpu.memory_space<vmem>>
        %dma_wait3A_405 = tpu.memref_squeeze %dma_wait3A_404 : memref<1x128x128xf32, #tpu.memory_space<vmem>> -> memref<128x128xf32, #tpu.memory_space<vmem>>
        %dma_wait3A_406 = arith.constant 0 : i32
        %dma_wait3A_407 = arith.constant 0 : i32
        %dma_wait3A_408 = tpu.memref_slice %arg11[%dma_wait3A_406, %dma_wait3A_407] : memref<5120x128xf32, #tpu.memory_space<vmem_shared>> -> memref<5120x128xf32, #tpu.memory_space<vmem_shared>>
        tpu.wait_indirect_dma semaphore(%run_scoped3A_394 : memref<!tpu.dma_semaphore, #tpu.memory_space<semaphore_mem>>) src(%dma_wait3A_405 : memref<128x128xf32, #tpu.memory_space<vmem>>) dst(%dma_wait3A_408 : memref<5120x128xf32, #tpu.memory_space<vmem_shared>>)
        tpu.yield
      }) : () -> ()
      %lt3A_366 = arith.cmpi slt, %add3A_261, %max3A_126 : i32
      %convert_element_type3A_367 = arith.extui %lt3A_366 : i1 to i32
      %cond3A_368 = arith.constant 0 : i32
      %cond3A_369 = arith.cmpi ne, %convert_element_type3A_367, %cond3A_368 : i32
      scf.if %cond3A_369 {
        %mul3A_394 = arith.constant 128 : i32
        %mul3A_395 = arith.muli %add3A_261, %mul3A_394 : i32
        %add3A_396 = arith.constant 0 : i32
        %add3A_397 = arith.addi %mul3A_395, %add3A_396 : i32
        %get3A_398 = arith.index_cast %add3A_397 : i32 to index
        %get3A_399 = tpu.vector_load %arg6[%get3A_398] {strides = array<i32>} : memref<20480xi32, #tpu.memory_space<vmem>>, vector<16xi32>,
        %and3A_400 = arith.constant 16383 : i32
        %and3A_401 = vector.broadcast %and3A_400 : i32 to vector<16xi32>
        %and3A_402 = arith.andi %get3A_399, %and3A_401 : vector<16xi32>
        %swap3A_403 = arith.constant 0 : i32
        %swap3A_404 = arith.index_cast %swap3A_403 : i32 to index
        %swap3A_405 = arith.constant 0 : index
        %swap3A_406 = tpu.vector_load %arg7[%swap3A_404, %swap3A_405] {strides = array<i32>} : memref<3x128xi32, #tpu.memory_space<vmem>>, vector<16xi32>,
        tpu.vector_store %arg7[%swap3A_404, %swap3A_405], %and3A_402 {strides = array<i32>} : memref<3x128xi32, #tpu.memory_space<vmem>>, vector<16xi32>,
        %mul3A_407 = arith.constant 128 : i32
        %mul3A_408 = arith.muli %add3A_261, %mul3A_407 : i32
        %add3A_409 = arith.constant 16 : i32
        %add3A_410 = arith.addi %mul3A_408, %add3A_409 : i32
        %get3A_411 = arith.index_cast %add3A_410 : i32 to index
        %get3A_412 = tpu.vector_load %arg6[%get3A_411] {strides = array<i32>} : memref<20480xi32, #tpu.memory_space<vmem>>, vector<16xi32>,
        %and3A_413 = arith.constant 16383 : i32
        %and3A_414 = vector.broadcast %and3A_413 : i32 to vector<16xi32>
        %and3A_415 = arith.andi %get3A_412, %and3A_414 : vector<16xi32>
        %swap3A_416 = arith.constant 0 : i32
        %swap3A_417 = arith.index_cast %swap3A_416 : i32 to index
        %swap3A_418 = arith.constant 16 : index
        %swap3A_419 = tpu.vector_load %arg7[%swap3A_417, %swap3A_418] {strides = array<i32>} : memref<3x128xi32, #tpu.memory_space<vmem>>, vector<16xi32>,
        tpu.vector_store %arg7[%swap3A_417, %swap3A_418], %and3A_415 {strides = array<i32>} : memref<3x128xi32, #tpu.memory_space<vmem>>, vector<16xi32>,
        %mul3A_420 = arith.constant 128 : i32
        %mul3A_421 = arith.muli %add3A_261, %mul3A_420 : i32
        %add3A_422 = arith.constant 32 : i32
        %add3A_423 = arith.addi %mul3A_421, %add3A_422 : i32
        %get3A_424 = arith.index_cast %add3A_423 : i32 to index
        %get3A_425 = tpu.vector_load %arg6[%get3A_424] {strides = array<i32>} : memref<20480xi32, #tpu.memory_space<vmem>>, vector<16xi32>,
        %and3A_426 = arith.constant 16383 : i32
        %and3A_427 = vector.broadcast %and3A_426 : i32 to vector<16xi32>
        %and3A_428 = arith.andi %get3A_425, %and3A_427 : vector<16xi32>
        %swap3A_429 = arith.constant 0 : i32
        %swap3A_430 = arith.index_cast %swap3A_429 : i32 to index
        %swap3A_431 = arith.constant 32 : index
        %swap3A_432 = tpu.vector_load %arg7[%swap3A_430, %swap3A_431] {strides = array<i32>} : memref<3x128xi32, #tpu.memory_space<vmem>>, vector<16xi32>,
        tpu.vector_store %arg7[%swap3A_430, %swap3A_431], %and3A_428 {strides = array<i32>} : memref<3x128xi32, #tpu.memory_space<vmem>>, vector<16xi32>,
        %mul3A_433 = arith.constant 128 : i32
        %mul3A_434 = arith.muli %add3A_261, %mul3A_433 : i32
        %add3A_435 = arith.constant 48 : i32
        %add3A_436 = arith.addi %mul3A_434, %add3A_435 : i32
        %get3A_437 = arith.index_cast %add3A_436 : i32 to index
        %get3A_438 = tpu.vector_load %arg6[%get3A_437] {strides = array<i32>} : memref<20480xi32, #tpu.memory_space<vmem>>, vector<16xi32>,
        %and3A_439 = arith.constant 16383 : i32
        %and3A_440 = vector.broadcast %and3A_439 : i32 to vector<16xi32>
        %and3A_441 = arith.andi %get3A_438, %and3A_440 : vector<16xi32>
        %swap3A_442 = arith.constant 0 : i32
        %swap3A_443 = arith.index_cast %swap3A_442 : i32 to index
        %swap3A_444 = arith.constant 48 : index
        %swap3A_445 = tpu.vector_load %arg7[%swap3A_443, %swap3A_444] {strides = array<i32>} : memref<3x128xi32, #tpu.memory_space<vmem>>, vector<16xi32>,
        tpu.vector_store %arg7[%swap3A_443, %swap3A_444], %and3A_441 {strides = array<i32>} : memref<3x128xi32, #tpu.memory_space<vmem>>, vector<16xi32>,
        %mul3A_446 = arith.constant 128 : i32
        %mul3A_447 = arith.muli %add3A_261, %mul3A_446 : i32
        %add3A_448 = arith.constant 64 : i32
        %add3A_449 = arith.addi %mul3A_447, %add3A_448 : i32
        %get3A_450 = arith.index_cast %add3A_449 : i32 to index
        %get3A_451 = tpu.vector_load %arg6[%get3A_450] {strides = array<i32>} : memref<20480xi32, #tpu.memory_space<vmem>>, vector<16xi32>,
        %and3A_452 = arith.constant 16383 : i32
        %and3A_453 = vector.broadcast %and3A_452 : i32 to vector<16xi32>
        %and3A_454 = arith.andi %get3A_451, %and3A_453 : vector<16xi32>
        %swap3A_455 = arith.constant 0 : i32
        %swap3A_456 = arith.index_cast %swap3A_455 : i32 to index
        %swap3A_457 = arith.constant 64 : index
        %swap3A_458 = tpu.vector_load %arg7[%swap3A_456, %swap3A_457] {strides = array<i32>} : memref<3x128xi32, #tpu.memory_space<vmem>>, vector<16xi32>,
        tpu.vector_store %arg7[%swap3A_456, %swap3A_457], %and3A_454 {strides = array<i32>} : memref<3x128xi32, #tpu.memory_space<vmem>>, vector<16xi32>,
        %mul3A_459 = arith.constant 128 : i32
        %mul3A_460 = arith.muli %add3A_261, %mul3A_459 : i32
        %add3A_461 = arith.constant 80 : i32
        %add3A_462 = arith.addi %mul3A_460, %add3A_461 : i32
        %get3A_463 = arith.index_cast %add3A_462 : i32 to index
        %get3A_464 = tpu.vector_load %arg6[%get3A_463] {strides = array<i32>} : memref<20480xi32, #tpu.memory_space<vmem>>, vector<16xi32>,
        %and3A_465 = arith.constant 16383 : i32
        %and3A_466 = vector.broadcast %and3A_465 : i32 to vector<16xi32>
        %and3A_467 = arith.andi %get3A_464, %and3A_466 : vector<16xi32>
        %swap3A_468 = arith.constant 0 : i32
        %swap3A_469 = arith.index_cast %swap3A_468 : i32 to index
        %swap3A_470 = arith.constant 80 : index
        %swap3A_471 = tpu.vector_load %arg7[%swap3A_469, %swap3A_470] {strides = array<i32>} : memref<3x128xi32, #tpu.memory_space<vmem>>, vector<16xi32>,
        tpu.vector_store %arg7[%swap3A_469, %swap3A_470], %and3A_467 {strides = array<i32>} : memref<3x128xi32, #tpu.memory_space<vmem>>, vector<16xi32>,
        %mul3A_472 = arith.constant 128 : i32
        %mul3A_473 = arith.muli %add3A_261, %mul3A_472 : i32
        %add3A_474 = arith.constant 96 : i32
        %add3A_475 = arith.addi %mul3A_473, %add3A_474 : i32
        %get3A_476 = arith.index_cast %add3A_475 : i32 to index
        %get3A_477 = tpu.vector_load %arg6[%get3A_476] {strides = array<i32>} : memref<20480xi32, #tpu.memory_space<vmem>>, vector<16xi32>,
        %and3A_478 = arith.constant 16383 : i32
        %and3A_479 = vector.broadcast %and3A_478 : i32 to vector<16xi32>
        %and3A_480 = arith.andi %get3A_477, %and3A_479 : vector<16xi32>
        %swap3A_481 = arith.constant 0 : i32
        %swap3A_482 = arith.index_cast %swap3A_481 : i32 to index
        %swap3A_483 = arith.constant 96 : index
        %swap3A_484 = tpu.vector_load %arg7[%swap3A_482, %swap3A_483] {strides = array<i32>} : memref<3x128xi32, #tpu.memory_space<vmem>>, vector<16xi32>,
        tpu.vector_store %arg7[%swap3A_482, %swap3A_483], %and3A_480 {strides = array<i32>} : memref<3x128xi32, #tpu.memory_space<vmem>>, vector<16xi32>,
        %mul3A_485 = arith.constant 128 : i32
        %mul3A_486 = arith.muli %add3A_261, %mul3A_485 : i32
        %add3A_487 = arith.constant 112 : i32
        %add3A_488 = arith.addi %mul3A_486, %add3A_487 : i32
        %get3A_489 = arith.index_cast %add3A_488 : i32 to index
        %get3A_490 = tpu.vector_load %arg6[%get3A_489] {strides = array<i32>} : memref<20480xi32, #tpu.memory_space<vmem>>, vector<16xi32>,
        %and3A_491 = arith.constant 16383 : i32
        %and3A_492 = vector.broadcast %and3A_491 : i32 to vector<16xi32>
        %and3A_493 = arith.andi %get3A_490, %and3A_492 : vector<16xi32>
        %swap3A_494 = arith.constant 0 : i32
        %swap3A_495 = arith.index_cast %swap3A_494 : i32 to index
        %swap3A_496 = arith.constant 112 : index
        %swap3A_497 = tpu.vector_load %arg7[%swap3A_495, %swap3A_496] {strides = array<i32>} : memref<3x128xi32, #tpu.memory_space<vmem>>, vector<16xi32>,
        tpu.vector_store %arg7[%swap3A_495, %swap3A_496], %and3A_493 {strides = array<i32>} : memref<3x128xi32, #tpu.memory_space<vmem>>, vector<16xi32>,
        %dma_start3A_498 = arith.constant 0 : i32
        %dma_start3A_499 = arith.constant 0 : i32
        %dma_start3A_500 = arith.constant 0 : i32
        %dma_start3A_501 = arith.constant 0 : i32
        %dma_start3A_502 = tpu.memref_slice %arg9[%dma_start3A_499, %dma_start3A_500, %dma_start3A_501] : memref<3x128x128xf32, #tpu.memory_space<vmem>> -> memref<1x128x128xf32, #tpu.memory_space<vmem>>
        %dma_start3A_503 = tpu.memref_squeeze %dma_start3A_502 : memref<1x128x128xf32, #tpu.memory_space<vmem>> -> memref<128x128xf32, #tpu.memory_space<vmem>>
        %dma_start3A_504 = arith.constant 0 : i32
        %dma_start3A_505 = tpu.memref_slice %arg7[%dma_start3A_498, %dma_start3A_504] : memref<3x128xi32, #tpu.memory_space<vmem>> -> memref<1x128xi32, #tpu.memory_space<vmem>>
        %dma_start3A_506 = tpu.memref_squeeze %dma_start3A_505 : memref<1x128xi32, #tpu.memory_space<vmem>> -> memref<128xi32, #tpu.memory_space<vmem>>
        %dma_start3A_507 = arith.constant 0 : i32
        %dma_start3A_508 = arith.constant 0 : i32
        %dma_start3A_509 = tpu.memref_slice %arg2[%dma_start3A_507, %dma_start3A_508] : memref<10000x128xf32, #tpu.memory_space<hbm>> -> memref<10000x128xf32, #tpu.memory_space<hbm>>
        tpu.enqueue_indirect_dma source(%dma_start3A_509 : memref<10000x128xf32, #tpu.memory_space<hbm>>) target(%dma_start3A_503 : memref<128x128xf32, #tpu.memory_space<vmem>>) offsets(%dma_start3A_506 : memref<128xi32, #tpu.memory_space<vmem>>) semaphore(%arg12 : memref<!tpu.dma_semaphore, #tpu.memory_space<semaphore_mem>>)
      } else {
      }
      %get3A_370 = arith.constant 0 : index
      %get3A_371 = tpu.vector_load %arg8[%get3A_370] {strides = array<i32>} : memref<128xi32, #tpu.memory_space<vmem>>, vector<16xi32>,
      tpu.vector_store_idx %arg10[%get3A_371], %broadcast_in_dim3A_5 {add = true} : memref<5120xf32, #tpu.memory_space<vmem>>[vector<16xi32>], vector<16xf32>,
      %get3A_372 = arith.constant 16 : index
      %get3A_373 = tpu.vector_load %arg8[%get3A_372] {strides = array<i32>} : memref<128xi32, #tpu.memory_space<vmem>>, vector<16xi32>,
      tpu.vector_store_idx %arg10[%get3A_373], %broadcast_in_dim3A_5 {add = true} : memref<5120xf32, #tpu.memory_space<vmem>>[vector<16xi32>], vector<16xf32>,
      %get3A_374 = arith.constant 32 : index
      %get3A_375 = tpu.vector_load %arg8[%get3A_374] {strides = array<i32>} : memref<128xi32, #tpu.memory_space<vmem>>, vector<16xi32>,
      tpu.vector_store_idx %arg10[%get3A_375], %broadcast_in_dim3A_5 {add = true} : memref<5120xf32, #tpu.memory_space<vmem>>[vector<16xi32>], vector<16xf32>,
      %get3A_376 = arith.constant 48 : index
      %get3A_377 = tpu.vector_load %arg8[%get3A_376] {strides = array<i32>} : memref<128xi32, #tpu.memory_space<vmem>>, vector<16xi32>,
      tpu.vector_store_idx %arg10[%get3A_377], %broadcast_in_dim3A_5 {add = true} : memref<5120xf32, #tpu.memory_space<vmem>>[vector<16xi32>], vector<16xf32>,
      %get3A_378 = arith.constant 64 : index
      %get3A_379 = tpu.vector_load %arg8[%get3A_378] {strides = array<i32>} : memref<128xi32, #tpu.memory_space<vmem>>, vector<16xi32>,
      tpu.vector_store_idx %arg10[%get3A_379], %broadcast_in_dim3A_5 {add = true} : memref<5120xf32, #tpu.memory_space<vmem>>[vector<16xi32>], vector<16xf32>,
      %get3A_380 = arith.constant 80 : index
      %get3A_381 = tpu.vector_load %arg8[%get3A_380] {strides = array<i32>} : memref<128xi32, #tpu.memory_space<vmem>>, vector<16xi32>,
      tpu.vector_store_idx %arg10[%get3A_381], %broadcast_in_dim3A_5 {add = true} : memref<5120xf32, #tpu.memory_space<vmem>>[vector<16xi32>], vector<16xf32>,
      %get3A_382 = arith.constant 96 : index
      %get3A_383 = tpu.vector_load %arg8[%get3A_382] {strides = array<i32>} : memref<128xi32, #tpu.memory_space<vmem>>, vector<16xi32>,
      tpu.vector_store_idx %arg10[%get3A_383], %broadcast_in_dim3A_5 {add = true} : memref<5120xf32, #tpu.memory_space<vmem>>[vector<16xi32>], vector<16xf32>,
      %get3A_384 = arith.constant 112 : index
      %get3A_385 = tpu.vector_load %arg8[%get3A_384] {strides = array<i32>} : memref<128xi32, #tpu.memory_space<vmem>>, vector<16xi32>,
      tpu.vector_store_idx %arg10[%get3A_385], %broadcast_in_dim3A_5 {add = true} : memref<5120xf32, #tpu.memory_space<vmem>>[vector<16xi32>], vector<16xf32>,
      %lt3A_386 = arith.cmpi slt, %add3A_257, %max3A_126 : i32
      %convert_element_type3A_387 = arith.extui %lt3A_386 : i1 to i32
      %cond3A_388 = arith.constant 0 : i32
      %cond3A_389 = arith.cmpi ne, %convert_element_type3A_387, %cond3A_388 : i32
      scf.if %cond3A_389 {
        %dma_wait3A_394 = arith.constant 1 : i32
        %dma_wait3A_395 = arith.constant 1 : i32
        %dma_wait3A_396 = arith.constant 0 : i32
        %dma_wait3A_397 = arith.constant 0 : i32
        %dma_wait3A_398 = tpu.memref_slice %arg9[%dma_wait3A_395, %dma_wait3A_396, %dma_wait3A_397] : memref<3x128x128xf32, #tpu.memory_space<vmem>> -> memref<1x128x128xf32, #tpu.memory_space<vmem>>
        %dma_wait3A_399 = tpu.memref_squeeze %dma_wait3A_398 : memref<1x128x128xf32, #tpu.memory_space<vmem>> -> memref<128x128xf32, #tpu.memory_space<vmem>>
        %dma_wait3A_400 = arith.constant 0 : i32
        %dma_wait3A_401 = tpu.memref_slice %arg7[%dma_wait3A_394, %dma_wait3A_400] : memref<3x128xi32, #tpu.memory_space<vmem>> -> memref<1x128xi32, #tpu.memory_space<vmem>>
        %dma_wait3A_402 = tpu.memref_squeeze %dma_wait3A_401 : memref<1x128xi32, #tpu.memory_space<vmem>> -> memref<128xi32, #tpu.memory_space<vmem>>
        %dma_wait3A_403 = arith.constant 0 : i32
        %dma_wait3A_404 = arith.constant 0 : i32
        %dma_wait3A_405 = tpu.memref_slice %arg2[%dma_wait3A_403, %dma_wait3A_404] : memref<10000x128xf32, #tpu.memory_space<hbm>> -> memref<10000x128xf32, #tpu.memory_space<hbm>>
        tpu.wait_indirect_dma semaphore(%arg13 : memref<!tpu.dma_semaphore, #tpu.memory_space<semaphore_mem>>) src(%dma_wait3A_405 : memref<10000x128xf32, #tpu.memory_space<hbm>>) dst(%dma_wait3A_399 : memref<128x128xf32, #tpu.memory_space<vmem>>)
        %mul3A_406 = arith.constant 128 : i32
        %mul3A_407 = arith.muli %add3A_257, %mul3A_406 : i32
        %add3A_408 = arith.constant 0 : i32
        %add3A_409 = arith.addi %mul3A_407, %add3A_408 : i32
        %get3A_410 = arith.index_cast %add3A_409 : i32 to index
        %get3A_411 = tpu.vector_load %arg6[%get3A_410] {strides = array<i32>} : memref<20480xi32, #tpu.memory_space<vmem>>, vector<16xi32>,
        %shift_right_arithmetic3A_412 = arith.constant 14 : i32
        %shift_right_arithmetic3A_413 = vector.broadcast %shift_right_arithmetic3A_412 : i32 to vector<16xi32>
        %shift_right_arithmetic3A_414 = arith.shrsi %get3A_411, %shift_right_arithmetic3A_413 : vector<16xi32>
        %swap3A_415 = arith.constant 0 : index
        %swap3A_416 = tpu.vector_load %arg8[%swap3A_415] {strides = array<i32>} : memref<128xi32, #tpu.memory_space<vmem>>, vector<16xi32>,
        tpu.vector_store %arg8[%swap3A_415], %shift_right_arithmetic3A_414 {strides = array<i32>} : memref<128xi32, #tpu.memory_space<vmem>>, vector<16xi32>,
        %mul3A_417 = arith.constant 128 : i32
        %mul3A_418 = arith.muli %add3A_257, %mul3A_417 : i32
        %add3A_419 = arith.constant 16 : i32
        %add3A_420 = arith.addi %mul3A_418, %add3A_419 : i32
        %get3A_421 = arith.index_cast %add3A_420 : i32 to index
        %get3A_422 = tpu.vector_load %arg6[%get3A_421] {strides = array<i32>} : memref<20480xi32, #tpu.memory_space<vmem>>, vector<16xi32>,
        %shift_right_arithmetic3A_423 = arith.constant 14 : i32
        %shift_right_arithmetic3A_424 = vector.broadcast %shift_right_arithmetic3A_423 : i32 to vector<16xi32>
        %shift_right_arithmetic3A_425 = arith.shrsi %get3A_422, %shift_right_arithmetic3A_424 : vector<16xi32>
        %swap3A_426 = arith.constant 16 : index
        %swap3A_427 = tpu.vector_load %arg8[%swap3A_426] {strides = array<i32>} : memref<128xi32, #tpu.memory_space<vmem>>, vector<16xi32>,
        tpu.vector_store %arg8[%swap3A_426], %shift_right_arithmetic3A_425 {strides = array<i32>} : memref<128xi32, #tpu.memory_space<vmem>>, vector<16xi32>,
        %mul3A_428 = arith.constant 128 : i32
        %mul3A_429 = arith.muli %add3A_257, %mul3A_428 : i32
        %add3A_430 = arith.constant 32 : i32
        %add3A_431 = arith.addi %mul3A_429, %add3A_430 : i32
        %get3A_432 = arith.index_cast %add3A_431 : i32 to index
        %get3A_433 = tpu.vector_load %arg6[%get3A_432] {strides = array<i32>} : memref<20480xi32, #tpu.memory_space<vmem>>, vector<16xi32>,
        %shift_right_arithmetic3A_434 = arith.constant 14 : i32
        %shift_right_arithmetic3A_435 = vector.broadcast %shift_right_arithmetic3A_434 : i32 to vector<16xi32>
        %shift_right_arithmetic3A_436 = arith.shrsi %get3A_433, %shift_right_arithmetic3A_435 : vector<16xi32>
        %swap3A_437 = arith.constant 32 : index
        %swap3A_438 = tpu.vector_load %arg8[%swap3A_437] {strides = array<i32>} : memref<128xi32, #tpu.memory_space<vmem>>, vector<16xi32>,
        tpu.vector_store %arg8[%swap3A_437], %shift_right_arithmetic3A_436 {strides = array<i32>} : memref<128xi32, #tpu.memory_space<vmem>>, vector<16xi32>,
        %mul3A_439 = arith.constant 128 : i32
        %mul3A_440 = arith.muli %add3A_257, %mul3A_439 : i32
        %add3A_441 = arith.constant 48 : i32
        %add3A_442 = arith.addi %mul3A_440, %add3A_441 : i32
        %get3A_443 = arith.index_cast %add3A_442 : i32 to index
        %get3A_444 = tpu.vector_load %arg6[%get3A_443] {strides = array<i32>} : memref<20480xi32, #tpu.memory_space<vmem>>, vector<16xi32>,
        %shift_right_arithmetic3A_445 = arith.constant 14 : i32
        %shift_right_arithmetic3A_446 = vector.broadcast %shift_right_arithmetic3A_445 : i32 to vector<16xi32>
        %shift_right_arithmetic3A_447 = arith.shrsi %get3A_444, %shift_right_arithmetic3A_446 : vector<16xi32>
        %swap3A_448 = arith.constant 48 : index
        %swap3A_449 = tpu.vector_load %arg8[%swap3A_448] {strides = array<i32>} : memref<128xi32, #tpu.memory_space<vmem>>, vector<16xi32>,
        tpu.vector_store %arg8[%swap3A_448], %shift_right_arithmetic3A_447 {strides = array<i32>} : memref<128xi32, #tpu.memory_space<vmem>>, vector<16xi32>,
        %mul3A_450 = arith.constant 128 : i32
        %mul3A_451 = arith.muli %add3A_257, %mul3A_450 : i32
        %add3A_452 = arith.constant 64 : i32
        %add3A_453 = arith.addi %mul3A_451, %add3A_452 : i32
        %get3A_454 = arith.index_cast %add3A_453 : i32 to index
        %get3A_455 = tpu.vector_load %arg6[%get3A_454] {strides = array<i32>} : memref<20480xi32, #tpu.memory_space<vmem>>, vector<16xi32>,
        %shift_right_arithmetic3A_456 = arith.constant 14 : i32
        %shift_right_arithmetic3A_457 = vector.broadcast %shift_right_arithmetic3A_456 : i32 to vector<16xi32>
        %shift_right_arithmetic3A_458 = arith.shrsi %get3A_455, %shift_right_arithmetic3A_457 : vector<16xi32>
        %swap3A_459 = arith.constant 64 : index
        %swap3A_460 = tpu.vector_load %arg8[%swap3A_459] {strides = array<i32>} : memref<128xi32, #tpu.memory_space<vmem>>, vector<16xi32>,
        tpu.vector_store %arg8[%swap3A_459], %shift_right_arithmetic3A_458 {strides = array<i32>} : memref<128xi32, #tpu.memory_space<vmem>>, vector<16xi32>,
        %mul3A_461 = arith.constant 128 : i32
        %mul3A_462 = arith.muli %add3A_257, %mul3A_461 : i32
        %add3A_463 = arith.constant 80 : i32
        %add3A_464 = arith.addi %mul3A_462, %add3A_463 : i32
        %get3A_465 = arith.index_cast %add3A_464 : i32 to index
        %get3A_466 = tpu.vector_load %arg6[%get3A_465] {strides = array<i32>} : memref<20480xi32, #tpu.memory_space<vmem>>, vector<16xi32>,
        %shift_right_arithmetic3A_467 = arith.constant 14 : i32
        %shift_right_arithmetic3A_468 = vector.broadcast %shift_right_arithmetic3A_467 : i32 to vector<16xi32>
        %shift_right_arithmetic3A_469 = arith.shrsi %get3A_466, %shift_right_arithmetic3A_468 : vector<16xi32>
        %swap3A_470 = arith.constant 80 : index
        %swap3A_471 = tpu.vector_load %arg8[%swap3A_470] {strides = array<i32>} : memref<128xi32, #tpu.memory_space<vmem>>, vector<16xi32>,
        tpu.vector_store %arg8[%swap3A_470], %shift_right_arithmetic3A_469 {strides = array<i32>} : memref<128xi32, #tpu.memory_space<vmem>>, vector<16xi32>,
        %mul3A_472 = arith.constant 128 : i32
        %mul3A_473 = arith.muli %add3A_257, %mul3A_472 : i32
        %add3A_474 = arith.constant 96 : i32
        %add3A_475 = arith.addi %mul3A_473, %add3A_474 : i32
        %get3A_476 = arith.index_cast %add3A_475 : i32 to index
        %get3A_477 = tpu.vector_load %arg6[%get3A_476] {strides = array<i32>} : memref<20480xi32, #tpu.memory_space<vmem>>, vector<16xi32>,
        %shift_right_arithmetic3A_478 = arith.constant 14 : i32
        %shift_right_arithmetic3A_479 = vector.broadcast %shift_right_arithmetic3A_478 : i32 to vector<16xi32>
        %shift_right_arithmetic3A_480 = arith.shrsi %get3A_477, %shift_right_arithmetic3A_479 : vector<16xi32>
        %swap3A_481 = arith.constant 96 : index
        %swap3A_482 = tpu.vector_load %arg8[%swap3A_481] {strides = array<i32>} : memref<128xi32, #tpu.memory_space<vmem>>, vector<16xi32>,
        tpu.vector_store %arg8[%swap3A_481], %shift_right_arithmetic3A_480 {strides = array<i32>} : memref<128xi32, #tpu.memory_space<vmem>>, vector<16xi32>,
        %mul3A_483 = arith.constant 128 : i32
        %mul3A_484 = arith.muli %add3A_257, %mul3A_483 : i32
        %add3A_485 = arith.constant 112 : i32
        %add3A_486 = arith.addi %mul3A_484, %add3A_485 : i32
        %get3A_487 = arith.index_cast %add3A_486 : i32 to index
        %get3A_488 = tpu.vector_load %arg6[%get3A_487] {strides = array<i32>} : memref<20480xi32, #tpu.memory_space<vmem>>, vector<16xi32>,
        %shift_right_arithmetic3A_489 = arith.constant 14 : i32
        %shift_right_arithmetic3A_490 = vector.broadcast %shift_right_arithmetic3A_489 : i32 to vector<16xi32>
        %shift_right_arithmetic3A_491 = arith.shrsi %get3A_488, %shift_right_arithmetic3A_490 : vector<16xi32>
        %swap3A_492 = arith.constant 112 : index
        %swap3A_493 = tpu.vector_load %arg8[%swap3A_492] {strides = array<i32>} : memref<128xi32, #tpu.memory_space<vmem>>, vector<16xi32>,
        tpu.vector_store %arg8[%swap3A_492], %shift_right_arithmetic3A_491 {strides = array<i32>} : memref<128xi32, #tpu.memory_space<vmem>>, vector<16xi32>,
        %run_scoped3A_494 = arith.constant 1 : i32
        "tpu.region"() ({
          %run_scoped3A_515 = tpu.sem_alloc : memref<!tpu.dma_semaphore, #tpu.memory_space<semaphore_mem>>
          %dma_start3A_516 = arith.constant 0 : i32
          %dma_start3A_517 = arith.constant 0 : i32
          %dma_start3A_518 = tpu.memref_slice %arg9[%run_scoped3A_494, %dma_start3A_516, %dma_start3A_517] : memref<3x128x128xf32, #tpu.memory_space<vmem>> -> memref<1x128x128xf32, #tpu.memory_space<vmem>>
          %dma_start3A_519 = tpu.memref_squeeze %dma_start3A_518 : memref<1x128x128xf32, #tpu.memory_space<vmem>> -> memref<128x128xf32, #tpu.memory_space<vmem>>
          %dma_start3A_520 = arith.constant 0 : i32
          %dma_start3A_521 = arith.constant 0 : i32
          %dma_start3A_522 = tpu.memref_slice %arg11[%dma_start3A_520, %dma_start3A_521] : memref<5120x128xf32, #tpu.memory_space<vmem_shared>> -> memref<5120x128xf32, #tpu.memory_space<vmem_shared>>
          tpu.enqueue_indirect_dma source(%dma_start3A_519 : memref<128x128xf32, #tpu.memory_space<vmem>>) target(%dma_start3A_522 : memref<5120x128xf32, #tpu.memory_space<vmem_shared>>) offsets(%arg8 : memref<128xi32, #tpu.memory_space<vmem>>) semaphore(%run_scoped3A_515 : memref<!tpu.dma_semaphore, #tpu.memory_space<semaphore_mem>>) {add = true}
          %dma_wait3A_523 = arith.constant 0 : i32
          %dma_wait3A_524 = arith.constant 0 : i32
          %dma_wait3A_525 = tpu.memref_slice %arg9[%run_scoped3A_494, %dma_wait3A_523, %dma_wait3A_524] : memref<3x128x128xf32, #tpu.memory_space<vmem>> -> memref<1x128x128xf32, #tpu.memory_space<vmem>>
          %dma_wait3A_526 = tpu.memref_squeeze %dma_wait3A_525 : memref<1x128x128xf32, #tpu.memory_space<vmem>> -> memref<128x128xf32, #tpu.memory_space<vmem>>
          %dma_wait3A_527 = arith.constant 0 : i32
          %dma_wait3A_528 = arith.constant 0 : i32
          %dma_wait3A_529 = tpu.memref_slice %arg11[%dma_wait3A_527, %dma_wait3A_528] : memref<5120x128xf32, #tpu.memory_space<vmem_shared>> -> memref<5120x128xf32, #tpu.memory_space<vmem_shared>>
          tpu.wait_indirect_dma semaphore(%run_scoped3A_515 : memref<!tpu.dma_semaphore, #tpu.memory_space<semaphore_mem>>) src(%dma_wait3A_526 : memref<128x128xf32, #tpu.memory_space<vmem>>) dst(%dma_wait3A_529 : memref<5120x128xf32, #tpu.memory_space<vmem_shared>>)
          tpu.yield
        }) : () -> ()
        %lt3A_495 = arith.cmpi slt, %add3A_263, %max3A_126 : i32
        %convert_element_type3A_496 = arith.extui %lt3A_495 : i1 to i32
        %cond3A_497 = arith.constant 0 : i32
        %cond3A_498 = arith.cmpi ne, %convert_element_type3A_496, %cond3A_497 : i32
        scf.if %cond3A_498 {
          %mul3A_515 = arith.constant 128 : i32
          %mul3A_516 = arith.muli %add3A_263, %mul3A_515 : i32
          %add3A_517 = arith.constant 0 : i32
          %add3A_518 = arith.addi %mul3A_516, %add3A_517 : i32
          %get3A_519 = arith.index_cast %add3A_518 : i32 to index
          %get3A_520 = tpu.vector_load %arg6[%get3A_519] {strides = array<i32>} : memref<20480xi32, #tpu.memory_space<vmem>>, vector<16xi32>,
          %and3A_521 = arith.constant 16383 : i32
          %and3A_522 = vector.broadcast %and3A_521 : i32 to vector<16xi32>
          %and3A_523 = arith.andi %get3A_520, %and3A_522 : vector<16xi32>
          %swap3A_524 = arith.constant 1 : i32
          %swap3A_525 = arith.index_cast %swap3A_524 : i32 to index
          %swap3A_526 = arith.constant 0 : index
          %swap3A_527 = tpu.vector_load %arg7[%swap3A_525, %swap3A_526] {strides = array<i32>} : memref<3x128xi32, #tpu.memory_space<vmem>>, vector<16xi32>,
          tpu.vector_store %arg7[%swap3A_525, %swap3A_526], %and3A_523 {strides = array<i32>} : memref<3x128xi32, #tpu.memory_space<vmem>>, vector<16xi32>,
          %mul3A_528 = arith.constant 128 : i32
          %mul3A_529 = arith.muli %add3A_263, %mul3A_528 : i32
          %add3A_530 = arith.constant 16 : i32
          %add3A_531 = arith.addi %mul3A_529, %add3A_530 : i32
          %get3A_532 = arith.index_cast %add3A_531 : i32 to index
          %get3A_533 = tpu.vector_load %arg6[%get3A_532] {strides = array<i32>} : memref<20480xi32, #tpu.memory_space<vmem>>, vector<16xi32>,
          %and3A_534 = arith.constant 16383 : i32
          %and3A_535 = vector.broadcast %and3A_534 : i32 to vector<16xi32>
          %and3A_536 = arith.andi %get3A_533, %and3A_535 : vector<16xi32>
          %swap3A_537 = arith.constant 1 : i32
          %swap3A_538 = arith.index_cast %swap3A_537 : i32 to index
          %swap3A_539 = arith.constant 16 : index
          %swap3A_540 = tpu.vector_load %arg7[%swap3A_538, %swap3A_539] {strides = array<i32>} : memref<3x128xi32, #tpu.memory_space<vmem>>, vector<16xi32>,
          tpu.vector_store %arg7[%swap3A_538, %swap3A_539], %and3A_536 {strides = array<i32>} : memref<3x128xi32, #tpu.memory_space<vmem>>, vector<16xi32>,
          %mul3A_541 = arith.constant 128 : i32
          %mul3A_542 = arith.muli %add3A_263, %mul3A_541 : i32
          %add3A_543 = arith.constant 32 : i32
          %add3A_544 = arith.addi %mul3A_542, %add3A_543 : i32
          %get3A_545 = arith.index_cast %add3A_544 : i32 to index
          %get3A_546 = tpu.vector_load %arg6[%get3A_545] {strides = array<i32>} : memref<20480xi32, #tpu.memory_space<vmem>>, vector<16xi32>,
          %and3A_547 = arith.constant 16383 : i32
          %and3A_548 = vector.broadcast %and3A_547 : i32 to vector<16xi32>
          %and3A_549 = arith.andi %get3A_546, %and3A_548 : vector<16xi32>
          %swap3A_550 = arith.constant 1 : i32
          %swap3A_551 = arith.index_cast %swap3A_550 : i32 to index
          %swap3A_552 = arith.constant 32 : index
          %swap3A_553 = tpu.vector_load %arg7[%swap3A_551, %swap3A_552] {strides = array<i32>} : memref<3x128xi32, #tpu.memory_space<vmem>>, vector<16xi32>,
          tpu.vector_store %arg7[%swap3A_551, %swap3A_552], %and3A_549 {strides = array<i32>} : memref<3x128xi32, #tpu.memory_space<vmem>>, vector<16xi32>,
          %mul3A_554 = arith.constant 128 : i32
          %mul3A_555 = arith.muli %add3A_263, %mul3A_554 : i32
          %add3A_556 = arith.constant 48 : i32
          %add3A_557 = arith.addi %mul3A_555, %add3A_556 : i32
          %get3A_558 = arith.index_cast %add3A_557 : i32 to index
          %get3A_559 = tpu.vector_load %arg6[%get3A_558] {strides = array<i32>} : memref<20480xi32, #tpu.memory_space<vmem>>, vector<16xi32>,
          %and3A_560 = arith.constant 16383 : i32
          %and3A_561 = vector.broadcast %and3A_560 : i32 to vector<16xi32>
          %and3A_562 = arith.andi %get3A_559, %and3A_561 : vector<16xi32>
          %swap3A_563 = arith.constant 1 : i32
          %swap3A_564 = arith.index_cast %swap3A_563 : i32 to index
          %swap3A_565 = arith.constant 48 : index
          %swap3A_566 = tpu.vector_load %arg7[%swap3A_564, %swap3A_565] {strides = array<i32>} : memref<3x128xi32, #tpu.memory_space<vmem>>, vector<16xi32>,
          tpu.vector_store %arg7[%swap3A_564, %swap3A_565], %and3A_562 {strides = array<i32>} : memref<3x128xi32, #tpu.memory_space<vmem>>, vector<16xi32>,
          %mul3A_567 = arith.constant 128 : i32
          %mul3A_568 = arith.muli %add3A_263, %mul3A_567 : i32
          %add3A_569 = arith.constant 64 : i32
          %add3A_570 = arith.addi %mul3A_568, %add3A_569 : i32
          %get3A_571 = arith.index_cast %add3A_570 : i32 to index
          %get3A_572 = tpu.vector_load %arg6[%get3A_571] {strides = array<i32>} : memref<20480xi32, #tpu.memory_space<vmem>>, vector<16xi32>,
          %and3A_573 = arith.constant 16383 : i32
          %and3A_574 = vector.broadcast %and3A_573 : i32 to vector<16xi32>
          %and3A_575 = arith.andi %get3A_572, %and3A_574 : vector<16xi32>
          %swap3A_576 = arith.constant 1 : i32
          %swap3A_577 = arith.index_cast %swap3A_576 : i32 to index
          %swap3A_578 = arith.constant 64 : index
          %swap3A_579 = tpu.vector_load %arg7[%swap3A_577, %swap3A_578] {strides = array<i32>} : memref<3x128xi32, #tpu.memory_space<vmem>>, vector<16xi32>,
          tpu.vector_store %arg7[%swap3A_577, %swap3A_578], %and3A_575 {strides = array<i32>} : memref<3x128xi32, #tpu.memory_space<vmem>>, vector<16xi32>,
          %mul3A_580 = arith.constant 128 : i32
          %mul3A_581 = arith.muli %add3A_263, %mul3A_580 : i32
          %add3A_582 = arith.constant 80 : i32
          %add3A_583 = arith.addi %mul3A_581, %add3A_582 : i32
          %get3A_584 = arith.index_cast %add3A_583 : i32 to index
          %get3A_585 = tpu.vector_load %arg6[%get3A_584] {strides = array<i32>} : memref<20480xi32, #tpu.memory_space<vmem>>, vector<16xi32>,
          %and3A_586 = arith.constant 16383 : i32
          %and3A_587 = vector.broadcast %and3A_586 : i32 to vector<16xi32>
          %and3A_588 = arith.andi %get3A_585, %and3A_587 : vector<16xi32>
          %swap3A_589 = arith.constant 1 : i32
          %swap3A_590 = arith.index_cast %swap3A_589 : i32 to index
          %swap3A_591 = arith.constant 80 : index
          %swap3A_592 = tpu.vector_load %arg7[%swap3A_590, %swap3A_591] {strides = array<i32>} : memref<3x128xi32, #tpu.memory_space<vmem>>, vector<16xi32>,
          tpu.vector_store %arg7[%swap3A_590, %swap3A_591], %and3A_588 {strides = array<i32>} : memref<3x128xi32, #tpu.memory_space<vmem>>, vector<16xi32>,
          %mul3A_593 = arith.constant 128 : i32
          %mul3A_594 = arith.muli %add3A_263, %mul3A_593 : i32
          %add3A_595 = arith.constant 96 : i32
          %add3A_596 = arith.addi %mul3A_594, %add3A_595 : i32
          %get3A_597 = arith.index_cast %add3A_596 : i32 to index
          %get3A_598 = tpu.vector_load %arg6[%get3A_597] {strides = array<i32>} : memref<20480xi32, #tpu.memory_space<vmem>>, vector<16xi32>,
          %and3A_599 = arith.constant 16383 : i32
          %and3A_600 = vector.broadcast %and3A_599 : i32 to vector<16xi32>
          %and3A_601 = arith.andi %get3A_598, %and3A_600 : vector<16xi32>
          %swap3A_602 = arith.constant 1 : i32
          %swap3A_603 = arith.index_cast %swap3A_602 : i32 to index
          %swap3A_604 = arith.constant 96 : index
          %swap3A_605 = tpu.vector_load %arg7[%swap3A_603, %swap3A_604] {strides = array<i32>} : memref<3x128xi32, #tpu.memory_space<vmem>>, vector<16xi32>,
          tpu.vector_store %arg7[%swap3A_603, %swap3A_604], %and3A_601 {strides = array<i32>} : memref<3x128xi32, #tpu.memory_space<vmem>>, vector<16xi32>,
          %mul3A_606 = arith.constant 128 : i32
          %mul3A_607 = arith.muli %add3A_263, %mul3A_606 : i32
          %add3A_608 = arith.constant 112 : i32
          %add3A_609 = arith.addi %mul3A_607, %add3A_608 : i32
          %get3A_610 = arith.index_cast %add3A_609 : i32 to index
          %get3A_611 = tpu.vector_load %arg6[%get3A_610] {strides = array<i32>} : memref<20480xi32, #tpu.memory_space<vmem>>, vector<16xi32>,
          %and3A_612 = arith.constant 16383 : i32
          %and3A_613 = vector.broadcast %and3A_612 : i32 to vector<16xi32>
          %and3A_614 = arith.andi %get3A_611, %and3A_613 : vector<16xi32>
          %swap3A_615 = arith.constant 1 : i32
          %swap3A_616 = arith.index_cast %swap3A_615 : i32 to index
          %swap3A_617 = arith.constant 112 : index
          %swap3A_618 = tpu.vector_load %arg7[%swap3A_616, %swap3A_617] {strides = array<i32>} : memref<3x128xi32, #tpu.memory_space<vmem>>, vector<16xi32>,
          tpu.vector_store %arg7[%swap3A_616, %swap3A_617], %and3A_614 {strides = array<i32>} : memref<3x128xi32, #tpu.memory_space<vmem>>, vector<16xi32>,
          %dma_start3A_619 = arith.constant 1 : i32
          %dma_start3A_620 = arith.constant 1 : i32
          %dma_start3A_621 = arith.constant 0 : i32
          %dma_start3A_622 = arith.constant 0 : i32
          %dma_start3A_623 = tpu.memref_slice %arg9[%dma_start3A_620, %dma_start3A_621, %dma_start3A_622] : memref<3x128x128xf32, #tpu.memory_space<vmem>> -> memref<1x128x128xf32, #tpu.memory_space<vmem>>
          %dma_start3A_624 = tpu.memref_squeeze %dma_start3A_623 : memref<1x128x128xf32, #tpu.memory_space<vmem>> -> memref<128x128xf32, #tpu.memory_space<vmem>>
          %dma_start3A_625 = arith.constant 0 : i32
          %dma_start3A_626 = tpu.memref_slice %arg7[%dma_start3A_619, %dma_start3A_625] : memref<3x128xi32, #tpu.memory_space<vmem>> -> memref<1x128xi32, #tpu.memory_space<vmem>>
          %dma_start3A_627 = tpu.memref_squeeze %dma_start3A_626 : memref<1x128xi32, #tpu.memory_space<vmem>> -> memref<128xi32, #tpu.memory_space<vmem>>
          %dma_start3A_628 = arith.constant 0 : i32
          %dma_start3A_629 = arith.constant 0 : i32
          %dma_start3A_630 = tpu.memref_slice %arg2[%dma_start3A_628, %dma_start3A_629] : memref<10000x128xf32, #tpu.memory_space<hbm>> -> memref<10000x128xf32, #tpu.memory_space<hbm>>
          tpu.enqueue_indirect_dma source(%dma_start3A_630 : memref<10000x128xf32, #tpu.memory_space<hbm>>) target(%dma_start3A_624 : memref<128x128xf32, #tpu.memory_space<vmem>>) offsets(%dma_start3A_627 : memref<128xi32, #tpu.memory_space<vmem>>) semaphore(%arg13 : memref<!tpu.dma_semaphore, #tpu.memory_space<semaphore_mem>>)
        } else {
        }
        %get3A_499 = arith.constant 0 : index
        %get3A_500 = tpu.vector_load %arg8[%get3A_499] {strides = array<i32>} : memref<128xi32, #tpu.memory_space<vmem>>, vector<16xi32>,
        tpu.vector_store_idx %arg10[%get3A_500], %broadcast_in_dim3A_5 {add = true} : memref<5120xf32, #tpu.memory_space<vmem>>[vector<16xi32>], vector<16xf32>,
        %get3A_501 = arith.constant 16 : index
        %get3A_502 = tpu.vector_load %arg8[%get3A_501] {strides = array<i32>} : memref<128xi32, #tpu.memory_space<vmem>>, vector<16xi32>,
        tpu.vector_store_idx %arg10[%get3A_502], %broadcast_in_dim3A_5 {add = true} : memref<5120xf32, #tpu.memory_space<vmem>>[vector<16xi32>], vector<16xf32>,
        %get3A_503 = arith.constant 32 : index
        %get3A_504 = tpu.vector_load %arg8[%get3A_503] {strides = array<i32>} : memref<128xi32, #tpu.memory_space<vmem>>, vector<16xi32>,
        tpu.vector_store_idx %arg10[%get3A_504], %broadcast_in_dim3A_5 {add = true} : memref<5120xf32, #tpu.memory_space<vmem>>[vector<16xi32>], vector<16xf32>,
        %get3A_505 = arith.constant 48 : index
        %get3A_506 = tpu.vector_load %arg8[%get3A_505] {strides = array<i32>} : memref<128xi32, #tpu.memory_space<vmem>>, vector<16xi32>,
        tpu.vector_store_idx %arg10[%get3A_506], %broadcast_in_dim3A_5 {add = true} : memref<5120xf32, #tpu.memory_space<vmem>>[vector<16xi32>], vector<16xf32>,
        %get3A_507 = arith.constant 64 : index
        %get3A_508 = tpu.vector_load %arg8[%get3A_507] {strides = array<i32>} : memref<128xi32, #tpu.memory_space<vmem>>, vector<16xi32>,
        tpu.vector_store_idx %arg10[%get3A_508], %broadcast_in_dim3A_5 {add = true} : memref<5120xf32, #tpu.memory_space<vmem>>[vector<16xi32>], vector<16xf32>,
        %get3A_509 = arith.constant 80 : index
        %get3A_510 = tpu.vector_load %arg8[%get3A_509] {strides = array<i32>} : memref<128xi32, #tpu.memory_space<vmem>>, vector<16xi32>,
        tpu.vector_store_idx %arg10[%get3A_510], %broadcast_in_dim3A_5 {add = true} : memref<5120xf32, #tpu.memory_space<vmem>>[vector<16xi32>], vector<16xf32>,
        %get3A_511 = arith.constant 96 : index
        %get3A_512 = tpu.vector_load %arg8[%get3A_511] {strides = array<i32>} : memref<128xi32, #tpu.memory_space<vmem>>, vector<16xi32>,
        tpu.vector_store_idx %arg10[%get3A_512], %broadcast_in_dim3A_5 {add = true} : memref<5120xf32, #tpu.memory_space<vmem>>[vector<16xi32>], vector<16xf32>,
        %get3A_513 = arith.constant 112 : index
        %get3A_514 = tpu.vector_load %arg8[%get3A_513] {strides = array<i32>} : memref<128xi32, #tpu.memory_space<vmem>>, vector<16xi32>,
        tpu.vector_store_idx %arg10[%get3A_514], %broadcast_in_dim3A_5 {add = true} : memref<5120xf32, #tpu.memory_space<vmem>>[vector<16xi32>], vector<16xf32>,
      } else {
      }
      %lt3A_390 = arith.cmpi slt, %add3A_259, %max3A_126 : i32
      %convert_element_type3A_391 = arith.extui %lt3A_390 : i1 to i32
      %cond3A_392 = arith.constant 0 : i32
      %cond3A_393 = arith.cmpi ne, %convert_element_type3A_391, %cond3A_392 : i32
      scf.if %cond3A_393 {
        %dma_wait3A_394 = arith.constant 2 : i32
        %dma_wait3A_395 = arith.constant 2 : i32
        %dma_wait3A_396 = arith.constant 0 : i32
        %dma_wait3A_397 = arith.constant 0 : i32
        %dma_wait3A_398 = tpu.memref_slice %arg9[%dma_wait3A_395, %dma_wait3A_396, %dma_wait3A_397] : memref<3x128x128xf32, #tpu.memory_space<vmem>> -> memref<1x128x128xf32, #tpu.memory_space<vmem>>
        %dma_wait3A_399 = tpu.memref_squeeze %dma_wait3A_398 : memref<1x128x128xf32, #tpu.memory_space<vmem>> -> memref<128x128xf32, #tpu.memory_space<vmem>>
        %dma_wait3A_400 = arith.constant 0 : i32
        %dma_wait3A_401 = tpu.memref_slice %arg7[%dma_wait3A_394, %dma_wait3A_400] : memref<3x128xi32, #tpu.memory_space<vmem>> -> memref<1x128xi32, #tpu.memory_space<vmem>>
        %dma_wait3A_402 = tpu.memref_squeeze %dma_wait3A_401 : memref<1x128xi32, #tpu.memory_space<vmem>> -> memref<128xi32, #tpu.memory_space<vmem>>
        %dma_wait3A_403 = arith.constant 0 : i32
        %dma_wait3A_404 = arith.constant 0 : i32
        %dma_wait3A_405 = tpu.memref_slice %arg2[%dma_wait3A_403, %dma_wait3A_404] : memref<10000x128xf32, #tpu.memory_space<hbm>> -> memref<10000x128xf32, #tpu.memory_space<hbm>>
        tpu.wait_indirect_dma semaphore(%arg14 : memref<!tpu.dma_semaphore, #tpu.memory_space<semaphore_mem>>) src(%dma_wait3A_405 : memref<10000x128xf32, #tpu.memory_space<hbm>>) dst(%dma_wait3A_399 : memref<128x128xf32, #tpu.memory_space<vmem>>)
        %mul3A_406 = arith.constant 128 : i32
        %mul3A_407 = arith.muli %add3A_259, %mul3A_406 : i32
        %add3A_408 = arith.constant 0 : i32
        %add3A_409 = arith.addi %mul3A_407, %add3A_408 : i32
        %get3A_410 = arith.index_cast %add3A_409 : i32 to index
        %get3A_411 = tpu.vector_load %arg6[%get3A_410] {strides = array<i32>} : memref<20480xi32, #tpu.memory_space<vmem>>, vector<16xi32>,
        %shift_right_arithmetic3A_412 = arith.constant 14 : i32
        %shift_right_arithmetic3A_413 = vector.broadcast %shift_right_arithmetic3A_412 : i32 to vector<16xi32>
        %shift_right_arithmetic3A_414 = arith.shrsi %get3A_411, %shift_right_arithmetic3A_413 : vector<16xi32>
        %swap3A_415 = arith.constant 0 : index
        %swap3A_416 = tpu.vector_load %arg8[%swap3A_415] {strides = array<i32>} : memref<128xi32, #tpu.memory_space<vmem>>, vector<16xi32>,
        tpu.vector_store %arg8[%swap3A_415], %shift_right_arithmetic3A_414 {strides = array<i32>} : memref<128xi32, #tpu.memory_space<vmem>>, vector<16xi32>,
        %mul3A_417 = arith.constant 128 : i32
        %mul3A_418 = arith.muli %add3A_259, %mul3A_417 : i32
        %add3A_419 = arith.constant 16 : i32
        %add3A_420 = arith.addi %mul3A_418, %add3A_419 : i32
        %get3A_421 = arith.index_cast %add3A_420 : i32 to index
        %get3A_422 = tpu.vector_load %arg6[%get3A_421] {strides = array<i32>} : memref<20480xi32, #tpu.memory_space<vmem>>, vector<16xi32>,
        %shift_right_arithmetic3A_423 = arith.constant 14 : i32
        %shift_right_arithmetic3A_424 = vector.broadcast %shift_right_arithmetic3A_423 : i32 to vector<16xi32>
        %shift_right_arithmetic3A_425 = arith.shrsi %get3A_422, %shift_right_arithmetic3A_424 : vector<16xi32>
        %swap3A_426 = arith.constant 16 : index
        %swap3A_427 = tpu.vector_load %arg8[%swap3A_426] {strides = array<i32>} : memref<128xi32, #tpu.memory_space<vmem>>, vector<16xi32>,
        tpu.vector_store %arg8[%swap3A_426], %shift_right_arithmetic3A_425 {strides = array<i32>} : memref<128xi32, #tpu.memory_space<vmem>>, vector<16xi32>,
        %mul3A_428 = arith.constant 128 : i32
        %mul3A_429 = arith.muli %add3A_259, %mul3A_428 : i32
        %add3A_430 = arith.constant 32 : i32
        %add3A_431 = arith.addi %mul3A_429, %add3A_430 : i32
        %get3A_432 = arith.index_cast %add3A_431 : i32 to index
        %get3A_433 = tpu.vector_load %arg6[%get3A_432] {strides = array<i32>} : memref<20480xi32, #tpu.memory_space<vmem>>, vector<16xi32>,
        %shift_right_arithmetic3A_434 = arith.constant 14 : i32
        %shift_right_arithmetic3A_435 = vector.broadcast %shift_right_arithmetic3A_434 : i32 to vector<16xi32>
        %shift_right_arithmetic3A_436 = arith.shrsi %get3A_433, %shift_right_arithmetic3A_435 : vector<16xi32>
        %swap3A_437 = arith.constant 32 : index
        %swap3A_438 = tpu.vector_load %arg8[%swap3A_437] {strides = array<i32>} : memref<128xi32, #tpu.memory_space<vmem>>, vector<16xi32>,
        tpu.vector_store %arg8[%swap3A_437], %shift_right_arithmetic3A_436 {strides = array<i32>} : memref<128xi32, #tpu.memory_space<vmem>>, vector<16xi32>,
        %mul3A_439 = arith.constant 128 : i32
        %mul3A_440 = arith.muli %add3A_259, %mul3A_439 : i32
        %add3A_441 = arith.constant 48 : i32
        %add3A_442 = arith.addi %mul3A_440, %add3A_441 : i32
        %get3A_443 = arith.index_cast %add3A_442 : i32 to index
        %get3A_444 = tpu.vector_load %arg6[%get3A_443] {strides = array<i32>} : memref<20480xi32, #tpu.memory_space<vmem>>, vector<16xi32>,
        %shift_right_arithmetic3A_445 = arith.constant 14 : i32
        %shift_right_arithmetic3A_446 = vector.broadcast %shift_right_arithmetic3A_445 : i32 to vector<16xi32>
        %shift_right_arithmetic3A_447 = arith.shrsi %get3A_444, %shift_right_arithmetic3A_446 : vector<16xi32>
        %swap3A_448 = arith.constant 48 : index
        %swap3A_449 = tpu.vector_load %arg8[%swap3A_448] {strides = array<i32>} : memref<128xi32, #tpu.memory_space<vmem>>, vector<16xi32>,
        tpu.vector_store %arg8[%swap3A_448], %shift_right_arithmetic3A_447 {strides = array<i32>} : memref<128xi32, #tpu.memory_space<vmem>>, vector<16xi32>,
        %mul3A_450 = arith.constant 128 : i32
        %mul3A_451 = arith.muli %add3A_259, %mul3A_450 : i32
        %add3A_452 = arith.constant 64 : i32
        %add3A_453 = arith.addi %mul3A_451, %add3A_452 : i32
        %get3A_454 = arith.index_cast %add3A_453 : i32 to index
        %get3A_455 = tpu.vector_load %arg6[%get3A_454] {strides = array<i32>} : memref<20480xi32, #tpu.memory_space<vmem>>, vector<16xi32>,
        %shift_right_arithmetic3A_456 = arith.constant 14 : i32
        %shift_right_arithmetic3A_457 = vector.broadcast %shift_right_arithmetic3A_456 : i32 to vector<16xi32>
        %shift_right_arithmetic3A_458 = arith.shrsi %get3A_455, %shift_right_arithmetic3A_457 : vector<16xi32>
        %swap3A_459 = arith.constant 64 : index
        %swap3A_460 = tpu.vector_load %arg8[%swap3A_459] {strides = array<i32>} : memref<128xi32, #tpu.memory_space<vmem>>, vector<16xi32>,
        tpu.vector_store %arg8[%swap3A_459], %shift_right_arithmetic3A_458 {strides = array<i32>} : memref<128xi32, #tpu.memory_space<vmem>>, vector<16xi32>,
        %mul3A_461 = arith.constant 128 : i32
        %mul3A_462 = arith.muli %add3A_259, %mul3A_461 : i32
        %add3A_463 = arith.constant 80 : i32
        %add3A_464 = arith.addi %mul3A_462, %add3A_463 : i32
        %get3A_465 = arith.index_cast %add3A_464 : i32 to index
        %get3A_466 = tpu.vector_load %arg6[%get3A_465] {strides = array<i32>} : memref<20480xi32, #tpu.memory_space<vmem>>, vector<16xi32>,
        %shift_right_arithmetic3A_467 = arith.constant 14 : i32
        %shift_right_arithmetic3A_468 = vector.broadcast %shift_right_arithmetic3A_467 : i32 to vector<16xi32>
        %shift_right_arithmetic3A_469 = arith.shrsi %get3A_466, %shift_right_arithmetic3A_468 : vector<16xi32>
        %swap3A_470 = arith.constant 80 : index
        %swap3A_471 = tpu.vector_load %arg8[%swap3A_470] {strides = array<i32>} : memref<128xi32, #tpu.memory_space<vmem>>, vector<16xi32>,
        tpu.vector_store %arg8[%swap3A_470], %shift_right_arithmetic3A_469 {strides = array<i32>} : memref<128xi32, #tpu.memory_space<vmem>>, vector<16xi32>,
        %mul3A_472 = arith.constant 128 : i32
        %mul3A_473 = arith.muli %add3A_259, %mul3A_472 : i32
        %add3A_474 = arith.constant 96 : i32
        %add3A_475 = arith.addi %mul3A_473, %add3A_474 : i32
        %get3A_476 = arith.index_cast %add3A_475 : i32 to index
        %get3A_477 = tpu.vector_load %arg6[%get3A_476] {strides = array<i32>} : memref<20480xi32, #tpu.memory_space<vmem>>, vector<16xi32>,
        %shift_right_arithmetic3A_478 = arith.constant 14 : i32
        %shift_right_arithmetic3A_479 = vector.broadcast %shift_right_arithmetic3A_478 : i32 to vector<16xi32>
        %shift_right_arithmetic3A_480 = arith.shrsi %get3A_477, %shift_right_arithmetic3A_479 : vector<16xi32>
        %swap3A_481 = arith.constant 96 : index
        %swap3A_482 = tpu.vector_load %arg8[%swap3A_481] {strides = array<i32>} : memref<128xi32, #tpu.memory_space<vmem>>, vector<16xi32>,
        tpu.vector_store %arg8[%swap3A_481], %shift_right_arithmetic3A_480 {strides = array<i32>} : memref<128xi32, #tpu.memory_space<vmem>>, vector<16xi32>,
        %mul3A_483 = arith.constant 128 : i32
        %mul3A_484 = arith.muli %add3A_259, %mul3A_483 : i32
        %add3A_485 = arith.constant 112 : i32
        %add3A_486 = arith.addi %mul3A_484, %add3A_485 : i32
        %get3A_487 = arith.index_cast %add3A_486 : i32 to index
        %get3A_488 = tpu.vector_load %arg6[%get3A_487] {strides = array<i32>} : memref<20480xi32, #tpu.memory_space<vmem>>, vector<16xi32>,
        %shift_right_arithmetic3A_489 = arith.constant 14 : i32
        %shift_right_arithmetic3A_490 = vector.broadcast %shift_right_arithmetic3A_489 : i32 to vector<16xi32>
        %shift_right_arithmetic3A_491 = arith.shrsi %get3A_488, %shift_right_arithmetic3A_490 : vector<16xi32>
        %swap3A_492 = arith.constant 112 : index
        %swap3A_493 = tpu.vector_load %arg8[%swap3A_492] {strides = array<i32>} : memref<128xi32, #tpu.memory_space<vmem>>, vector<16xi32>,
        tpu.vector_store %arg8[%swap3A_492], %shift_right_arithmetic3A_491 {strides = array<i32>} : memref<128xi32, #tpu.memory_space<vmem>>, vector<16xi32>,
        %run_scoped3A_494 = arith.constant 2 : i32
        "tpu.region"() ({
          %run_scoped3A_511 = tpu.sem_alloc : memref<!tpu.dma_semaphore, #tpu.memory_space<semaphore_mem>>
          %dma_start3A_512 = arith.constant 0 : i32
          %dma_start3A_513 = arith.constant 0 : i32
          %dma_start3A_514 = tpu.memref_slice %arg9[%run_scoped3A_494, %dma_start3A_512, %dma_start3A_513] : memref<3x128x128xf32, #tpu.memory_space<vmem>> -> memref<1x128x128xf32, #tpu.memory_space<vmem>>
          %dma_start3A_515 = tpu.memref_squeeze %dma_start3A_514 : memref<1x128x128xf32, #tpu.memory_space<vmem>> -> memref<128x128xf32, #tpu.memory_space<vmem>>
          %dma_start3A_516 = arith.constant 0 : i32
          %dma_start3A_517 = arith.constant 0 : i32
          %dma_start3A_518 = tpu.memref_slice %arg11[%dma_start3A_516, %dma_start3A_517] : memref<5120x128xf32, #tpu.memory_space<vmem_shared>> -> memref<5120x128xf32, #tpu.memory_space<vmem_shared>>
          tpu.enqueue_indirect_dma source(%dma_start3A_515 : memref<128x128xf32, #tpu.memory_space<vmem>>) target(%dma_start3A_518 : memref<5120x128xf32, #tpu.memory_space<vmem_shared>>) offsets(%arg8 : memref<128xi32, #tpu.memory_space<vmem>>) semaphore(%run_scoped3A_511 : memref<!tpu.dma_semaphore, #tpu.memory_space<semaphore_mem>>) {add = true}
          %dma_wait3A_519 = arith.constant 0 : i32
          %dma_wait3A_520 = arith.constant 0 : i32
          %dma_wait3A_521 = tpu.memref_slice %arg9[%run_scoped3A_494, %dma_wait3A_519, %dma_wait3A_520] : memref<3x128x128xf32, #tpu.memory_space<vmem>> -> memref<1x128x128xf32, #tpu.memory_space<vmem>>
          %dma_wait3A_522 = tpu.memref_squeeze %dma_wait3A_521 : memref<1x128x128xf32, #tpu.memory_space<vmem>> -> memref<128x128xf32, #tpu.memory_space<vmem>>
          %dma_wait3A_523 = arith.constant 0 : i32
          %dma_wait3A_524 = arith.constant 0 : i32
          %dma_wait3A_525 = tpu.memref_slice %arg11[%dma_wait3A_523, %dma_wait3A_524] : memref<5120x128xf32, #tpu.memory_space<vmem_shared>> -> memref<5120x128xf32, #tpu.memory_space<vmem_shared>>
          tpu.wait_indirect_dma semaphore(%run_scoped3A_511 : memref<!tpu.dma_semaphore, #tpu.memory_space<semaphore_mem>>) src(%dma_wait3A_522 : memref<128x128xf32, #tpu.memory_space<vmem>>) dst(%dma_wait3A_525 : memref<5120x128xf32, #tpu.memory_space<vmem_shared>>)
          tpu.yield
        }) : () -> ()
        %get3A_495 = arith.constant 0 : index
        %get3A_496 = tpu.vector_load %arg8[%get3A_495] {strides = array<i32>} : memref<128xi32, #tpu.memory_space<vmem>>, vector<16xi32>,
        tpu.vector_store_idx %arg10[%get3A_496], %broadcast_in_dim3A_5 {add = true} : memref<5120xf32, #tpu.memory_space<vmem>>[vector<16xi32>], vector<16xf32>,
        %get3A_497 = arith.constant 16 : index
        %get3A_498 = tpu.vector_load %arg8[%get3A_497] {strides = array<i32>} : memref<128xi32, #tpu.memory_space<vmem>>, vector<16xi32>,
        tpu.vector_store_idx %arg10[%get3A_498], %broadcast_in_dim3A_5 {add = true} : memref<5120xf32, #tpu.memory_space<vmem>>[vector<16xi32>], vector<16xf32>,
        %get3A_499 = arith.constant 32 : index
        %get3A_500 = tpu.vector_load %arg8[%get3A_499] {strides = array<i32>} : memref<128xi32, #tpu.memory_space<vmem>>, vector<16xi32>,
        tpu.vector_store_idx %arg10[%get3A_500], %broadcast_in_dim3A_5 {add = true} : memref<5120xf32, #tpu.memory_space<vmem>>[vector<16xi32>], vector<16xf32>,
        %get3A_501 = arith.constant 48 : index
        %get3A_502 = tpu.vector_load %arg8[%get3A_501] {strides = array<i32>} : memref<128xi32, #tpu.memory_space<vmem>>, vector<16xi32>,
        tpu.vector_store_idx %arg10[%get3A_502], %broadcast_in_dim3A_5 {add = true} : memref<5120xf32, #tpu.memory_space<vmem>>[vector<16xi32>], vector<16xf32>,
        %get3A_503 = arith.constant 64 : index
        %get3A_504 = tpu.vector_load %arg8[%get3A_503] {strides = array<i32>} : memref<128xi32, #tpu.memory_space<vmem>>, vector<16xi32>,
        tpu.vector_store_idx %arg10[%get3A_504], %broadcast_in_dim3A_5 {add = true} : memref<5120xf32, #tpu.memory_space<vmem>>[vector<16xi32>], vector<16xf32>,
        %get3A_505 = arith.constant 80 : index
        %get3A_506 = tpu.vector_load %arg8[%get3A_505] {strides = array<i32>} : memref<128xi32, #tpu.memory_space<vmem>>, vector<16xi32>,
        tpu.vector_store_idx %arg10[%get3A_506], %broadcast_in_dim3A_5 {add = true} : memref<5120xf32, #tpu.memory_space<vmem>>[vector<16xi32>], vector<16xf32>,
        %get3A_507 = arith.constant 96 : index
        %get3A_508 = tpu.vector_load %arg8[%get3A_507] {strides = array<i32>} : memref<128xi32, #tpu.memory_space<vmem>>, vector<16xi32>,
        tpu.vector_store_idx %arg10[%get3A_508], %broadcast_in_dim3A_5 {add = true} : memref<5120xf32, #tpu.memory_space<vmem>>[vector<16xi32>], vector<16xf32>,
        %get3A_509 = arith.constant 112 : index
        %get3A_510 = tpu.vector_load %arg8[%get3A_509] {strides = array<i32>} : memref<128xi32, #tpu.memory_space<vmem>>, vector<16xi32>,
        tpu.vector_store_idx %arg10[%get3A_510], %broadcast_in_dim3A_5 {add = true} : memref<5120xf32, #tpu.memory_space<vmem>>[vector<16xi32>], vector<16xf32>,
      } else {
      }
    }
    %while3A_246 = arith.constant 1 : i32
    scf.for %while3A_253 = %while3A_244 to %while3A_240 step %while3A_246  : i32 {
      %mul3A_254 = arith.constant 3 : i32
      %mul3A_255 = arith.muli %mul3A_254, %while3A_253 : i32
      %add3A_256 = arith.constant 1 : i32
      %add3A_257 = arith.addi %mul3A_255, %add3A_256 : i32
      %add3A_258 = arith.constant 2 : i32
      %add3A_259 = arith.addi %mul3A_255, %add3A_258 : i32
      %add3A_260 = arith.constant 3 : i32
      %add3A_261 = arith.addi %mul3A_255, %add3A_260 : i32
      %add3A_262 = arith.constant 4 : i32
      %add3A_263 = arith.addi %mul3A_255, %add3A_262 : i32
      %lt3A = arith.cmpi slt, %add3A_259, %max3A_126 : i32
      %convert_element_type3A_264 = arith.extui %lt3A : i1 to i32
      %cond3A_265 = arith.constant 0 : i32
      %cond3A_266 = arith.cmpi ne, %convert_element_type3A_264, %cond3A_265 : i32
      scf.if %cond3A_266 {
        %mul3A_394 = arith.constant 128 : i32
        %mul3A_395 = arith.muli %add3A_259, %mul3A_394 : i32
        %add3A_396 = arith.constant 0 : i32
        %add3A_397 = arith.addi %mul3A_395, %add3A_396 : i32
        %get3A_398 = arith.index_cast %add3A_397 : i32 to index
        %get3A_399 = tpu.vector_load %arg6[%get3A_398] {strides = array<i32>} : memref<20480xi32, #tpu.memory_space<vmem>>, vector<16xi32>,
        %and3A_400 = arith.constant 16383 : i32
        %and3A_401 = vector.broadcast %and3A_400 : i32 to vector<16xi32>
        %and3A_402 = arith.andi %get3A_399, %and3A_401 : vector<16xi32>
        %swap3A_403 = arith.constant 2 : i32
        %swap3A_404 = arith.index_cast %swap3A_403 : i32 to index
        %swap3A_405 = arith.constant 0 : index
        %swap3A_406 = tpu.vector_load %arg7[%swap3A_404, %swap3A_405] {strides = array<i32>} : memref<3x128xi32, #tpu.memory_space<vmem>>, vector<16xi32>,
        tpu.vector_store %arg7[%swap3A_404, %swap3A_405], %and3A_402 {strides = array<i32>} : memref<3x128xi32, #tpu.memory_space<vmem>>, vector<16xi32>,
        %mul3A_407 = arith.constant 128 : i32
        %mul3A_408 = arith.muli %add3A_259, %mul3A_407 : i32
        %add3A_409 = arith.constant 16 : i32
        %add3A_410 = arith.addi %mul3A_408, %add3A_409 : i32
        %get3A_411 = arith.index_cast %add3A_410 : i32 to index
        %get3A_412 = tpu.vector_load %arg6[%get3A_411] {strides = array<i32>} : memref<20480xi32, #tpu.memory_space<vmem>>, vector<16xi32>,
        %and3A_413 = arith.constant 16383 : i32
        %and3A_414 = vector.broadcast %and3A_413 : i32 to vector<16xi32>
        %and3A_415 = arith.andi %get3A_412, %and3A_414 : vector<16xi32>
        %swap3A_416 = arith.constant 2 : i32
        %swap3A_417 = arith.index_cast %swap3A_416 : i32 to index
        %swap3A_418 = arith.constant 16 : index
        %swap3A_419 = tpu.vector_load %arg7[%swap3A_417, %swap3A_418] {strides = array<i32>} : memref<3x128xi32, #tpu.memory_space<vmem>>, vector<16xi32>,
        tpu.vector_store %arg7[%swap3A_417, %swap3A_418], %and3A_415 {strides = array<i32>} : memref<3x128xi32, #tpu.memory_space<vmem>>, vector<16xi32>,
        %mul3A_420 = arith.constant 128 : i32
        %mul3A_421 = arith.muli %add3A_259, %mul3A_420 : i32
        %add3A_422 = arith.constant 32 : i32
        %add3A_423 = arith.addi %mul3A_421, %add3A_422 : i32
        %get3A_424 = arith.index_cast %add3A_423 : i32 to index
        %get3A_425 = tpu.vector_load %arg6[%get3A_424] {strides = array<i32>} : memref<20480xi32, #tpu.memory_space<vmem>>, vector<16xi32>,
        %and3A_426 = arith.constant 16383 : i32
        %and3A_427 = vector.broadcast %and3A_426 : i32 to vector<16xi32>
        %and3A_428 = arith.andi %get3A_425, %and3A_427 : vector<16xi32>
        %swap3A_429 = arith.constant 2 : i32
        %swap3A_430 = arith.index_cast %swap3A_429 : i32 to index
        %swap3A_431 = arith.constant 32 : index
        %swap3A_432 = tpu.vector_load %arg7[%swap3A_430, %swap3A_431] {strides = array<i32>} : memref<3x128xi32, #tpu.memory_space<vmem>>, vector<16xi32>,
        tpu.vector_store %arg7[%swap3A_430, %swap3A_431], %and3A_428 {strides = array<i32>} : memref<3x128xi32, #tpu.memory_space<vmem>>, vector<16xi32>,
        %mul3A_433 = arith.constant 128 : i32
        %mul3A_434 = arith.muli %add3A_259, %mul3A_433 : i32
        %add3A_435 = arith.constant 48 : i32
        %add3A_436 = arith.addi %mul3A_434, %add3A_435 : i32
        %get3A_437 = arith.index_cast %add3A_436 : i32 to index
        %get3A_438 = tpu.vector_load %arg6[%get3A_437] {strides = array<i32>} : memref<20480xi32, #tpu.memory_space<vmem>>, vector<16xi32>,
        %and3A_439 = arith.constant 16383 : i32
        %and3A_440 = vector.broadcast %and3A_439 : i32 to vector<16xi32>
        %and3A_441 = arith.andi %get3A_438, %and3A_440 : vector<16xi32>
        %swap3A_442 = arith.constant 2 : i32
        %swap3A_443 = arith.index_cast %swap3A_442 : i32 to index
        %swap3A_444 = arith.constant 48 : index
        %swap3A_445 = tpu.vector_load %arg7[%swap3A_443, %swap3A_444] {strides = array<i32>} : memref<3x128xi32, #tpu.memory_space<vmem>>, vector<16xi32>,
        tpu.vector_store %arg7[%swap3A_443, %swap3A_444], %and3A_441 {strides = array<i32>} : memref<3x128xi32, #tpu.memory_space<vmem>>, vector<16xi32>,
        %mul3A_446 = arith.constant 128 : i32
        %mul3A_447 = arith.muli %add3A_259, %mul3A_446 : i32
        %add3A_448 = arith.constant 64 : i32
        %add3A_449 = arith.addi %mul3A_447, %add3A_448 : i32
        %get3A_450 = arith.index_cast %add3A_449 : i32 to index
        %get3A_451 = tpu.vector_load %arg6[%get3A_450] {strides = array<i32>} : memref<20480xi32, #tpu.memory_space<vmem>>, vector<16xi32>,
        %and3A_452 = arith.constant 16383 : i32
        %and3A_453 = vector.broadcast %and3A_452 : i32 to vector<16xi32>
        %and3A_454 = arith.andi %get3A_451, %and3A_453 : vector<16xi32>
        %swap3A_455 = arith.constant 2 : i32
        %swap3A_456 = arith.index_cast %swap3A_455 : i32 to index
        %swap3A_457 = arith.constant 64 : index
        %swap3A_458 = tpu.vector_load %arg7[%swap3A_456, %swap3A_457] {strides = array<i32>} : memref<3x128xi32, #tpu.memory_space<vmem>>, vector<16xi32>,
        tpu.vector_store %arg7[%swap3A_456, %swap3A_457], %and3A_454 {strides = array<i32>} : memref<3x128xi32, #tpu.memory_space<vmem>>, vector<16xi32>,
        %mul3A_459 = arith.constant 128 : i32
        %mul3A_460 = arith.muli %add3A_259, %mul3A_459 : i32
        %add3A_461 = arith.constant 80 : i32
        %add3A_462 = arith.addi %mul3A_460, %add3A_461 : i32
        %get3A_463 = arith.index_cast %add3A_462 : i32 to index
        %get3A_464 = tpu.vector_load %arg6[%get3A_463] {strides = array<i32>} : memref<20480xi32, #tpu.memory_space<vmem>>, vector<16xi32>,
        %and3A_465 = arith.constant 16383 : i32
        %and3A_466 = vector.broadcast %and3A_465 : i32 to vector<16xi32>
        %and3A_467 = arith.andi %get3A_464, %and3A_466 : vector<16xi32>
        %swap3A_468 = arith.constant 2 : i32
        %swap3A_469 = arith.index_cast %swap3A_468 : i32 to index
        %swap3A_470 = arith.constant 80 : index
        %swap3A_471 = tpu.vector_load %arg7[%swap3A_469, %swap3A_470] {strides = array<i32>} : memref<3x128xi32, #tpu.memory_space<vmem>>, vector<16xi32>,
        tpu.vector_store %arg7[%swap3A_469, %swap3A_470], %and3A_467 {strides = array<i32>} : memref<3x128xi32, #tpu.memory_space<vmem>>, vector<16xi32>,
        %mul3A_472 = arith.constant 128 : i32
        %mul3A_473 = arith.muli %add3A_259, %mul3A_472 : i32
        %add3A_474 = arith.constant 96 : i32
        %add3A_475 = arith.addi %mul3A_473, %add3A_474 : i32
        %get3A_476 = arith.index_cast %add3A_475 : i32 to index
        %get3A_477 = tpu.vector_load %arg6[%get3A_476] {strides = array<i32>} : memref<20480xi32, #tpu.memory_space<vmem>>, vector<16xi32>,
        %and3A_478 = arith.constant 16383 : i32
        %and3A_479 = vector.broadcast %and3A_478 : i32 to vector<16xi32>
        %and3A_480 = arith.andi %get3A_477, %and3A_479 : vector<16xi32>
        %swap3A_481 = arith.constant 2 : i32
        %swap3A_482 = arith.index_cast %swap3A_481 : i32 to index
        %swap3A_483 = arith.constant 96 : index
        %swap3A_484 = tpu.vector_load %arg7[%swap3A_482, %swap3A_483] {strides = array<i32>} : memref<3x128xi32, #tpu.memory_space<vmem>>, vector<16xi32>,
        tpu.vector_store %arg7[%swap3A_482, %swap3A_483], %and3A_480 {strides = array<i32>} : memref<3x128xi32, #tpu.memory_space<vmem>>, vector<16xi32>,
        %mul3A_485 = arith.constant 128 : i32
        %mul3A_486 = arith.muli %add3A_259, %mul3A_485 : i32
        %add3A_487 = arith.constant 112 : i32
        %add3A_488 = arith.addi %mul3A_486, %add3A_487 : i32
        %get3A_489 = arith.index_cast %add3A_488 : i32 to index
        %get3A_490 = tpu.vector_load %arg6[%get3A_489] {strides = array<i32>} : memref<20480xi32, #tpu.memory_space<vmem>>, vector<16xi32>,
        %and3A_491 = arith.constant 16383 : i32
        %and3A_492 = vector.broadcast %and3A_491 : i32 to vector<16xi32>
        %and3A_493 = arith.andi %get3A_490, %and3A_492 : vector<16xi32>
        %swap3A_494 = arith.constant 2 : i32
        %swap3A_495 = arith.index_cast %swap3A_494 : i32 to index
        %swap3A_496 = arith.constant 112 : index
        %swap3A_497 = tpu.vector_load %arg7[%swap3A_495, %swap3A_496] {strides = array<i32>} : memref<3x128xi32, #tpu.memory_space<vmem>>, vector<16xi32>,
        tpu.vector_store %arg7[%swap3A_495, %swap3A_496], %and3A_493 {strides = array<i32>} : memref<3x128xi32, #tpu.memory_space<vmem>>, vector<16xi32>,
        %dma_start3A_498 = arith.constant 2 : i32
        %dma_start3A_499 = arith.constant 2 : i32
        %dma_start3A_500 = arith.constant 0 : i32
        %dma_start3A_501 = arith.constant 0 : i32
        %dma_start3A_502 = tpu.memref_slice %arg9[%dma_start3A_499, %dma_start3A_500, %dma_start3A_501] : memref<3x128x128xf32, #tpu.memory_space<vmem>> -> memref<1x128x128xf32, #tpu.memory_space<vmem>>
        %dma_start3A_503 = tpu.memref_squeeze %dma_start3A_502 : memref<1x128x128xf32, #tpu.memory_space<vmem>> -> memref<128x128xf32, #tpu.memory_space<vmem>>
        %dma_start3A_504 = arith.constant 0 : i32
        %dma_start3A_505 = tpu.memref_slice %arg7[%dma_start3A_498, %dma_start3A_504] : memref<3x128xi32, #tpu.memory_space<vmem>> -> memref<1x128xi32, #tpu.memory_space<vmem>>
        %dma_start3A_506 = tpu.memref_squeeze %dma_start3A_505 : memref<1x128xi32, #tpu.memory_space<vmem>> -> memref<128xi32, #tpu.memory_space<vmem>>
        %dma_start3A_507 = arith.constant 0 : i32
        %dma_start3A_508 = arith.constant 0 : i32
        %dma_start3A_509 = tpu.memref_slice %arg2[%dma_start3A_507, %dma_start3A_508] : memref<10000x128xf32, #tpu.memory_space<hbm>> -> memref<10000x128xf32, #tpu.memory_space<hbm>>
        tpu.enqueue_indirect_dma source(%dma_start3A_509 : memref<10000x128xf32, #tpu.memory_space<hbm>>) target(%dma_start3A_503 : memref<128x128xf32, #tpu.memory_space<vmem>>) offsets(%dma_start3A_506 : memref<128xi32, #tpu.memory_space<vmem>>) semaphore(%arg14 : memref<!tpu.dma_semaphore, #tpu.memory_space<semaphore_mem>>)
      } else {
      }
      %dma_wait3A = arith.constant 0 : i32
      %dma_wait3A_267 = arith.constant 0 : i32
      %dma_wait3A_268 = arith.constant 0 : i32
      %dma_wait3A_269 = arith.constant 0 : i32
      %dma_wait3A_270 = tpu.memref_slice %arg9[%dma_wait3A_267, %dma_wait3A_268, %dma_wait3A_269] : memref<3x128x128xf32, #tpu.memory_space<vmem>> -> memref<1x128x128xf32, #tpu.memory_space<vmem>>
      %dma_wait3A_271 = tpu.memref_squeeze %dma_wait3A_270 : memref<1x128x128xf32, #tpu.memory_space<vmem>> -> memref<128x128xf32, #tpu.memory_space<vmem>>
      %dma_wait3A_272 = arith.constant 0 : i32
      %dma_wait3A_273 = tpu.memref_slice %arg7[%dma_wait3A, %dma_wait3A_272] : memref<3x128xi32, #tpu.memory_space<vmem>> -> memref<1x128xi32, #tpu.memory_space<vmem>>
      %dma_wait3A_274 = tpu.memref_squeeze %dma_wait3A_273 : memref<1x128xi32, #tpu.memory_space<vmem>> -> memref<128xi32, #tpu.memory_space<vmem>>
      %dma_wait3A_275 = arith.constant 0 : i32
      %dma_wait3A_276 = arith.constant 0 : i32
      %dma_wait3A_277 = tpu.memref_slice %arg2[%dma_wait3A_275, %dma_wait3A_276] : memref<10000x128xf32, #tpu.memory_space<hbm>> -> memref<10000x128xf32, #tpu.memory_space<hbm>>
      tpu.wait_indirect_dma semaphore(%arg12 : memref<!tpu.dma_semaphore, #tpu.memory_space<semaphore_mem>>) src(%dma_wait3A_277 : memref<10000x128xf32, #tpu.memory_space<hbm>>) dst(%dma_wait3A_271 : memref<128x128xf32, #tpu.memory_space<vmem>>)
      %mul3A_278 = arith.constant 128 : i32
      %mul3A_279 = arith.muli %mul3A_255, %mul3A_278 : i32
      %add3A_280 = arith.constant 0 : i32
      %add3A_281 = arith.addi %mul3A_279, %add3A_280 : i32
      %get3A_282 = arith.index_cast %add3A_281 : i32 to index
      %get3A_283 = tpu.vector_load %arg6[%get3A_282] {strides = array<i32>} : memref<20480xi32, #tpu.memory_space<vmem>>, vector<16xi32>,
      %shift_right_arithmetic3A = arith.constant 14 : i32
      %shift_right_arithmetic3A_284 = vector.broadcast %shift_right_arithmetic3A : i32 to vector<16xi32>
      %shift_right_arithmetic3A_285 = arith.shrsi %get3A_283, %shift_right_arithmetic3A_284 : vector<16xi32>
      %swap3A_286 = arith.constant 0 : index
      %swap3A_287 = tpu.vector_load %arg8[%swap3A_286] {strides = array<i32>} : memref<128xi32, #tpu.memory_space<vmem>>, vector<16xi32>,
      tpu.vector_store %arg8[%swap3A_286], %shift_right_arithmetic3A_285 {strides = array<i32>} : memref<128xi32, #tpu.memory_space<vmem>>, vector<16xi32>,
      %mul3A_288 = arith.constant 128 : i32
      %mul3A_289 = arith.muli %mul3A_255, %mul3A_288 : i32
      %add3A_290 = arith.constant 16 : i32
      %add3A_291 = arith.addi %mul3A_289, %add3A_290 : i32
      %get3A_292 = arith.index_cast %add3A_291 : i32 to index
      %get3A_293 = tpu.vector_load %arg6[%get3A_292] {strides = array<i32>} : memref<20480xi32, #tpu.memory_space<vmem>>, vector<16xi32>,
      %shift_right_arithmetic3A_294 = arith.constant 14 : i32
      %shift_right_arithmetic3A_295 = vector.broadcast %shift_right_arithmetic3A_294 : i32 to vector<16xi32>
      %shift_right_arithmetic3A_296 = arith.shrsi %get3A_293, %shift_right_arithmetic3A_295 : vector<16xi32>
      %swap3A_297 = arith.constant 16 : index
      %swap3A_298 = tpu.vector_load %arg8[%swap3A_297] {strides = array<i32>} : memref<128xi32, #tpu.memory_space<vmem>>, vector<16xi32>,
      tpu.vector_store %arg8[%swap3A_297], %shift_right_arithmetic3A_296 {strides = array<i32>} : memref<128xi32, #tpu.memory_space<vmem>>, vector<16xi32>,
      %mul3A_299 = arith.constant 128 : i32
      %mul3A_300 = arith.muli %mul3A_255, %mul3A_299 : i32
      %add3A_301 = arith.constant 32 : i32
      %add3A_302 = arith.addi %mul3A_300, %add3A_301 : i32
      %get3A_303 = arith.index_cast %add3A_302 : i32 to index
      %get3A_304 = tpu.vector_load %arg6[%get3A_303] {strides = array<i32>} : memref<20480xi32, #tpu.memory_space<vmem>>, vector<16xi32>,
      %shift_right_arithmetic3A_305 = arith.constant 14 : i32
      %shift_right_arithmetic3A_306 = vector.broadcast %shift_right_arithmetic3A_305 : i32 to vector<16xi32>
      %shift_right_arithmetic3A_307 = arith.shrsi %get3A_304, %shift_right_arithmetic3A_306 : vector<16xi32>
      %swap3A_308 = arith.constant 32 : index
      %swap3A_309 = tpu.vector_load %arg8[%swap3A_308] {strides = array<i32>} : memref<128xi32, #tpu.memory_space<vmem>>, vector<16xi32>,
      tpu.vector_store %arg8[%swap3A_308], %shift_right_arithmetic3A_307 {strides = array<i32>} : memref<128xi32, #tpu.memory_space<vmem>>, vector<16xi32>,
      %mul3A_310 = arith.constant 128 : i32
      %mul3A_311 = arith.muli %mul3A_255, %mul3A_310 : i32
      %add3A_312 = arith.constant 48 : i32
      %add3A_313 = arith.addi %mul3A_311, %add3A_312 : i32
      %get3A_314 = arith.index_cast %add3A_313 : i32 to index
      %get3A_315 = tpu.vector_load %arg6[%get3A_314] {strides = array<i32>} : memref<20480xi32, #tpu.memory_space<vmem>>, vector<16xi32>,
      %shift_right_arithmetic3A_316 = arith.constant 14 : i32
      %shift_right_arithmetic3A_317 = vector.broadcast %shift_right_arithmetic3A_316 : i32 to vector<16xi32>
      %shift_right_arithmetic3A_318 = arith.shrsi %get3A_315, %shift_right_arithmetic3A_317 : vector<16xi32>
      %swap3A_319 = arith.constant 48 : index
      %swap3A_320 = tpu.vector_load %arg8[%swap3A_319] {strides = array<i32>} : memref<128xi32, #tpu.memory_space<vmem>>, vector<16xi32>,
      tpu.vector_store %arg8[%swap3A_319], %shift_right_arithmetic3A_318 {strides = array<i32>} : memref<128xi32, #tpu.memory_space<vmem>>, vector<16xi32>,
      %mul3A_321 = arith.constant 128 : i32
      %mul3A_322 = arith.muli %mul3A_255, %mul3A_321 : i32
      %add3A_323 = arith.constant 64 : i32
      %add3A_324 = arith.addi %mul3A_322, %add3A_323 : i32
      %get3A_325 = arith.index_cast %add3A_324 : i32 to index
      %get3A_326 = tpu.vector_load %arg6[%get3A_325] {strides = array<i32>} : memref<20480xi32, #tpu.memory_space<vmem>>, vector<16xi32>,
      %shift_right_arithmetic3A_327 = arith.constant 14 : i32
      %shift_right_arithmetic3A_328 = vector.broadcast %shift_right_arithmetic3A_327 : i32 to vector<16xi32>
      %shift_right_arithmetic3A_329 = arith.shrsi %get3A_326, %shift_right_arithmetic3A_328 : vector<16xi32>
      %swap3A_330 = arith.constant 64 : index
      %swap3A_331 = tpu.vector_load %arg8[%swap3A_330] {strides = array<i32>} : memref<128xi32, #tpu.memory_space<vmem>>, vector<16xi32>,
      tpu.vector_store %arg8[%swap3A_330], %shift_right_arithmetic3A_329 {strides = array<i32>} : memref<128xi32, #tpu.memory_space<vmem>>, vector<16xi32>,
      %mul3A_332 = arith.constant 128 : i32
      %mul3A_333 = arith.muli %mul3A_255, %mul3A_332 : i32
      %add3A_334 = arith.constant 80 : i32
      %add3A_335 = arith.addi %mul3A_333, %add3A_334 : i32
      %get3A_336 = arith.index_cast %add3A_335 : i32 to index
      %get3A_337 = tpu.vector_load %arg6[%get3A_336] {strides = array<i32>} : memref<20480xi32, #tpu.memory_space<vmem>>, vector<16xi32>,
      %shift_right_arithmetic3A_338 = arith.constant 14 : i32
      %shift_right_arithmetic3A_339 = vector.broadcast %shift_right_arithmetic3A_338 : i32 to vector<16xi32>
      %shift_right_arithmetic3A_340 = arith.shrsi %get3A_337, %shift_right_arithmetic3A_339 : vector<16xi32>
      %swap3A_341 = arith.constant 80 : index
      %swap3A_342 = tpu.vector_load %arg8[%swap3A_341] {strides = array<i32>} : memref<128xi32, #tpu.memory_space<vmem>>, vector<16xi32>,
      tpu.vector_store %arg8[%swap3A_341], %shift_right_arithmetic3A_340 {strides = array<i32>} : memref<128xi32, #tpu.memory_space<vmem>>, vector<16xi32>,
      %mul3A_343 = arith.constant 128 : i32
      %mul3A_344 = arith.muli %mul3A_255, %mul3A_343 : i32
      %add3A_345 = arith.constant 96 : i32
      %add3A_346 = arith.addi %mul3A_344, %add3A_345 : i32
      %get3A_347 = arith.index_cast %add3A_346 : i32 to index
      %get3A_348 = tpu.vector_load %arg6[%get3A_347] {strides = array<i32>} : memref<20480xi32, #tpu.memory_space<vmem>>, vector<16xi32>,
      %shift_right_arithmetic3A_349 = arith.constant 14 : i32
      %shift_right_arithmetic3A_350 = vector.broadcast %shift_right_arithmetic3A_349 : i32 to vector<16xi32>
      %shift_right_arithmetic3A_351 = arith.shrsi %get3A_348, %shift_right_arithmetic3A_350 : vector<16xi32>
      %swap3A_352 = arith.constant 96 : index
      %swap3A_353 = tpu.vector_load %arg8[%swap3A_352] {strides = array<i32>} : memref<128xi32, #tpu.memory_space<vmem>>, vector<16xi32>,
      tpu.vector_store %arg8[%swap3A_352], %shift_right_arithmetic3A_351 {strides = array<i32>} : memref<128xi32, #tpu.memory_space<vmem>>, vector<16xi32>,
      %mul3A_354 = arith.constant 128 : i32
      %mul3A_355 = arith.muli %mul3A_255, %mul3A_354 : i32
      %add3A_356 = arith.constant 112 : i32
      %add3A_357 = arith.addi %mul3A_355, %add3A_356 : i32
      %get3A_358 = arith.index_cast %add3A_357 : i32 to index
      %get3A_359 = tpu.vector_load %arg6[%get3A_358] {strides = array<i32>} : memref<20480xi32, #tpu.memory_space<vmem>>, vector<16xi32>,
      %shift_right_arithmetic3A_360 = arith.constant 14 : i32
      %shift_right_arithmetic3A_361 = vector.broadcast %shift_right_arithmetic3A_360 : i32 to vector<16xi32>
      %shift_right_arithmetic3A_362 = arith.shrsi %get3A_359, %shift_right_arithmetic3A_361 : vector<16xi32>
      %swap3A_363 = arith.constant 112 : index
      %swap3A_364 = tpu.vector_load %arg8[%swap3A_363] {strides = array<i32>} : memref<128xi32, #tpu.memory_space<vmem>>, vector<16xi32>,
      tpu.vector_store %arg8[%swap3A_363], %shift_right_arithmetic3A_362 {strides = array<i32>} : memref<128xi32, #tpu.memory_space<vmem>>, vector<16xi32>,
      %run_scoped3A_365 = arith.constant 0 : i32
      "tpu.region"() ({
        %run_scoped3A_394 = tpu.sem_alloc : memref<!tpu.dma_semaphore, #tpu.memory_space<semaphore_mem>>
        %dma_start3A_395 = arith.constant 0 : i32
        %dma_start3A_396 = arith.constant 0 : i32
        %dma_start3A_397 = tpu.memref_slice %arg9[%run_scoped3A_365, %dma_start3A_395, %dma_start3A_396] : memref<3x128x128xf32, #tpu.memory_space<vmem>> -> memref<1x128x128xf32, #tpu.memory_space<vmem>>
        %dma_start3A_398 = tpu.memref_squeeze %dma_start3A_397 : memref<1x128x128xf32, #tpu.memory_space<vmem>> -> memref<128x128xf32, #tpu.memory_space<vmem>>
        %dma_start3A_399 = arith.constant 0 : i32
        %dma_start3A_400 = arith.constant 0 : i32
        %dma_start3A_401 = tpu.memref_slice %arg11[%dma_start3A_399, %dma_start3A_400] : memref<5120x128xf32, #tpu.memory_space<vmem_shared>> -> memref<5120x128xf32, #tpu.memory_space<vmem_shared>>
        tpu.enqueue_indirect_dma source(%dma_start3A_398 : memref<128x128xf32, #tpu.memory_space<vmem>>) target(%dma_start3A_401 : memref<5120x128xf32, #tpu.memory_space<vmem_shared>>) offsets(%arg8 : memref<128xi32, #tpu.memory_space<vmem>>) semaphore(%run_scoped3A_394 : memref<!tpu.dma_semaphore, #tpu.memory_space<semaphore_mem>>) {add = true}
        %dma_wait3A_402 = arith.constant 0 : i32
        %dma_wait3A_403 = arith.constant 0 : i32
        %dma_wait3A_404 = tpu.memref_slice %arg9[%run_scoped3A_365, %dma_wait3A_402, %dma_wait3A_403] : memref<3x128x128xf32, #tpu.memory_space<vmem>> -> memref<1x128x128xf32, #tpu.memory_space<vmem>>
        %dma_wait3A_405 = tpu.memref_squeeze %dma_wait3A_404 : memref<1x128x128xf32, #tpu.memory_space<vmem>> -> memref<128x128xf32, #tpu.memory_space<vmem>>
        %dma_wait3A_406 = arith.constant 0 : i32
        %dma_wait3A_407 = arith.constant 0 : i32
        %dma_wait3A_408 = tpu.memref_slice %arg11[%dma_wait3A_406, %dma_wait3A_407] : memref<5120x128xf32, #tpu.memory_space<vmem_shared>> -> memref<5120x128xf32, #tpu.memory_space<vmem_shared>>
        tpu.wait_indirect_dma semaphore(%run_scoped3A_394 : memref<!tpu.dma_semaphore, #tpu.memory_space<semaphore_mem>>) src(%dma_wait3A_405 : memref<128x128xf32, #tpu.memory_space<vmem>>) dst(%dma_wait3A_408 : memref<5120x128xf32, #tpu.memory_space<vmem_shared>>)
        tpu.yield
      }) : () -> ()
      %lt3A_366 = arith.cmpi slt, %add3A_261, %max3A_126 : i32
      %convert_element_type3A_367 = arith.extui %lt3A_366 : i1 to i32
      %cond3A_368 = arith.constant 0 : i32
      %cond3A_369 = arith.cmpi ne, %convert_element_type3A_367, %cond3A_368 : i32
      scf.if %cond3A_369 {
        %mul3A_394 = arith.constant 128 : i32
        %mul3A_395 = arith.muli %add3A_261, %mul3A_394 : i32
        %add3A_396 = arith.constant 0 : i32
        %add3A_397 = arith.addi %mul3A_395, %add3A_396 : i32
        %get3A_398 = arith.index_cast %add3A_397 : i32 to index
        %get3A_399 = tpu.vector_load %arg6[%get3A_398] {strides = array<i32>} : memref<20480xi32, #tpu.memory_space<vmem>>, vector<16xi32>,
        %and3A_400 = arith.constant 16383 : i32
        %and3A_401 = vector.broadcast %and3A_400 : i32 to vector<16xi32>
        %and3A_402 = arith.andi %get3A_399, %and3A_401 : vector<16xi32>
        %swap3A_403 = arith.constant 0 : i32
        %swap3A_404 = arith.index_cast %swap3A_403 : i32 to index
        %swap3A_405 = arith.constant 0 : index
        %swap3A_406 = tpu.vector_load %arg7[%swap3A_404, %swap3A_405] {strides = array<i32>} : memref<3x128xi32, #tpu.memory_space<vmem>>, vector<16xi32>,
        tpu.vector_store %arg7[%swap3A_404, %swap3A_405], %and3A_402 {strides = array<i32>} : memref<3x128xi32, #tpu.memory_space<vmem>>, vector<16xi32>,
        %mul3A_407 = arith.constant 128 : i32
        %mul3A_408 = arith.muli %add3A_261, %mul3A_407 : i32
        %add3A_409 = arith.constant 16 : i32
        %add3A_410 = arith.addi %mul3A_408, %add3A_409 : i32
        %get3A_411 = arith.index_cast %add3A_410 : i32 to index
        %get3A_412 = tpu.vector_load %arg6[%get3A_411] {strides = array<i32>} : memref<20480xi32, #tpu.memory_space<vmem>>, vector<16xi32>,
        %and3A_413 = arith.constant 16383 : i32
        %and3A_414 = vector.broadcast %and3A_413 : i32 to vector<16xi32>
        %and3A_415 = arith.andi %get3A_412, %and3A_414 : vector<16xi32>
        %swap3A_416 = arith.constant 0 : i32
        %swap3A_417 = arith.index_cast %swap3A_416 : i32 to index
        %swap3A_418 = arith.constant 16 : index
        %swap3A_419 = tpu.vector_load %arg7[%swap3A_417, %swap3A_418] {strides = array<i32>} : memref<3x128xi32, #tpu.memory_space<vmem>>, vector<16xi32>,
        tpu.vector_store %arg7[%swap3A_417, %swap3A_418], %and3A_415 {strides = array<i32>} : memref<3x128xi32, #tpu.memory_space<vmem>>, vector<16xi32>,
        %mul3A_420 = arith.constant 128 : i32
        %mul3A_421 = arith.muli %add3A_261, %mul3A_420 : i32
        %add3A_422 = arith.constant 32 : i32
        %add3A_423 = arith.addi %mul3A_421, %add3A_422 : i32
        %get3A_424 = arith.index_cast %add3A_423 : i32 to index
        %get3A_425 = tpu.vector_load %arg6[%get3A_424] {strides = array<i32>} : memref<20480xi32, #tpu.memory_space<vmem>>, vector<16xi32>,
        %and3A_426 = arith.constant 16383 : i32
        %and3A_427 = vector.broadcast %and3A_426 : i32 to vector<16xi32>
        %and3A_428 = arith.andi %get3A_425, %and3A_427 : vector<16xi32>
        %swap3A_429 = arith.constant 0 : i32
        %swap3A_430 = arith.index_cast %swap3A_429 : i32 to index
        %swap3A_431 = arith.constant 32 : index
        %swap3A_432 = tpu.vector_load %arg7[%swap3A_430, %swap3A_431] {strides = array<i32>} : memref<3x128xi32, #tpu.memory_space<vmem>>, vector<16xi32>,
        tpu.vector_store %arg7[%swap3A_430, %swap3A_431], %and3A_428 {strides = array<i32>} : memref<3x128xi32, #tpu.memory_space<vmem>>, vector<16xi32>,
        %mul3A_433 = arith.constant 128 : i32
        %mul3A_434 = arith.muli %add3A_261, %mul3A_433 : i32
        %add3A_435 = arith.constant 48 : i32
        %add3A_436 = arith.addi %mul3A_434, %add3A_435 : i32
        %get3A_437 = arith.index_cast %add3A_436 : i32 to index
        %get3A_438 = tpu.vector_load %arg6[%get3A_437] {strides = array<i32>} : memref<20480xi32, #tpu.memory_space<vmem>>, vector<16xi32>,
        %and3A_439 = arith.constant 16383 : i32
        %and3A_440 = vector.broadcast %and3A_439 : i32 to vector<16xi32>
        %and3A_441 = arith.andi %get3A_438, %and3A_440 : vector<16xi32>
        %swap3A_442 = arith.constant 0 : i32
        %swap3A_443 = arith.index_cast %swap3A_442 : i32 to index
        %swap3A_444 = arith.constant 48 : index
        %swap3A_445 = tpu.vector_load %arg7[%swap3A_443, %swap3A_444] {strides = array<i32>} : memref<3x128xi32, #tpu.memory_space<vmem>>, vector<16xi32>,
        tpu.vector_store %arg7[%swap3A_443, %swap3A_444], %and3A_441 {strides = array<i32>} : memref<3x128xi32, #tpu.memory_space<vmem>>, vector<16xi32>,
        %mul3A_446 = arith.constant 128 : i32
        %mul3A_447 = arith.muli %add3A_261, %mul3A_446 : i32
        %add3A_448 = arith.constant 64 : i32
        %add3A_449 = arith.addi %mul3A_447, %add3A_448 : i32
        %get3A_450 = arith.index_cast %add3A_449 : i32 to index
        %get3A_451 = tpu.vector_load %arg6[%get3A_450] {strides = array<i32>} : memref<20480xi32, #tpu.memory_space<vmem>>, vector<16xi32>,
        %and3A_452 = arith.constant 16383 : i32
        %and3A_453 = vector.broadcast %and3A_452 : i32 to vector<16xi32>
        %and3A_454 = arith.andi %get3A_451, %and3A_453 : vector<16xi32>
        %swap3A_455 = arith.constant 0 : i32
        %swap3A_456 = arith.index_cast %swap3A_455 : i32 to index
        %swap3A_457 = arith.constant 64 : index
        %swap3A_458 = tpu.vector_load %arg7[%swap3A_456, %swap3A_457] {strides = array<i32>} : memref<3x128xi32, #tpu.memory_space<vmem>>, vector<16xi32>,
        tpu.vector_store %arg7[%swap3A_456, %swap3A_457], %and3A_454 {strides = array<i32>} : memref<3x128xi32, #tpu.memory_space<vmem>>, vector<16xi32>,
        %mul3A_459 = arith.constant 128 : i32
        %mul3A_460 = arith.muli %add3A_261, %mul3A_459 : i32
        %add3A_461 = arith.constant 80 : i32
        %add3A_462 = arith.addi %mul3A_460, %add3A_461 : i32
        %get3A_463 = arith.index_cast %add3A_462 : i32 to index
        %get3A_464 = tpu.vector_load %arg6[%get3A_463] {strides = array<i32>} : memref<20480xi32, #tpu.memory_space<vmem>>, vector<16xi32>,
        %and3A_465 = arith.constant 16383 : i32
        %and3A_466 = vector.broadcast %and3A_465 : i32 to vector<16xi32>
        %and3A_467 = arith.andi %get3A_464, %and3A_466 : vector<16xi32>
        %swap3A_468 = arith.constant 0 : i32
        %swap3A_469 = arith.index_cast %swap3A_468 : i32 to index
        %swap3A_470 = arith.constant 80 : index
        %swap3A_471 = tpu.vector_load %arg7[%swap3A_469, %swap3A_470] {strides = array<i32>} : memref<3x128xi32, #tpu.memory_space<vmem>>, vector<16xi32>,
        tpu.vector_store %arg7[%swap3A_469, %swap3A_470], %and3A_467 {strides = array<i32>} : memref<3x128xi32, #tpu.memory_space<vmem>>, vector<16xi32>,
        %mul3A_472 = arith.constant 128 : i32
        %mul3A_473 = arith.muli %add3A_261, %mul3A_472 : i32
        %add3A_474 = arith.constant 96 : i32
        %add3A_475 = arith.addi %mul3A_473, %add3A_474 : i32
        %get3A_476 = arith.index_cast %add3A_475 : i32 to index
        %get3A_477 = tpu.vector_load %arg6[%get3A_476] {strides = array<i32>} : memref<20480xi32, #tpu.memory_space<vmem>>, vector<16xi32>,
        %and3A_478 = arith.constant 16383 : i32
        %and3A_479 = vector.broadcast %and3A_478 : i32 to vector<16xi32>
        %and3A_480 = arith.andi %get3A_477, %and3A_479 : vector<16xi32>
        %swap3A_481 = arith.constant 0 : i32
        %swap3A_482 = arith.index_cast %swap3A_481 : i32 to index
        %swap3A_483 = arith.constant 96 : index
        %swap3A_484 = tpu.vector_load %arg7[%swap3A_482, %swap3A_483] {strides = array<i32>} : memref<3x128xi32, #tpu.memory_space<vmem>>, vector<16xi32>,
        tpu.vector_store %arg7[%swap3A_482, %swap3A_483], %and3A_480 {strides = array<i32>} : memref<3x128xi32, #tpu.memory_space<vmem>>, vector<16xi32>,
        %mul3A_485 = arith.constant 128 : i32
        %mul3A_486 = arith.muli %add3A_261, %mul3A_485 : i32
        %add3A_487 = arith.constant 112 : i32
        %add3A_488 = arith.addi %mul3A_486, %add3A_487 : i32
        %get3A_489 = arith.index_cast %add3A_488 : i32 to index
        %get3A_490 = tpu.vector_load %arg6[%get3A_489] {strides = array<i32>} : memref<20480xi32, #tpu.memory_space<vmem>>, vector<16xi32>,
        %and3A_491 = arith.constant 16383 : i32
        %and3A_492 = vector.broadcast %and3A_491 : i32 to vector<16xi32>
        %and3A_493 = arith.andi %get3A_490, %and3A_492 : vector<16xi32>
        %swap3A_494 = arith.constant 0 : i32
        %swap3A_495 = arith.index_cast %swap3A_494 : i32 to index
        %swap3A_496 = arith.constant 112 : index
        %swap3A_497 = tpu.vector_load %arg7[%swap3A_495, %swap3A_496] {strides = array<i32>} : memref<3x128xi32, #tpu.memory_space<vmem>>, vector<16xi32>,
        tpu.vector_store %arg7[%swap3A_495, %swap3A_496], %and3A_493 {strides = array<i32>} : memref<3x128xi32, #tpu.memory_space<vmem>>, vector<16xi32>,
        %dma_start3A_498 = arith.constant 0 : i32
        %dma_start3A_499 = arith.constant 0 : i32
        %dma_start3A_500 = arith.constant 0 : i32
        %dma_start3A_501 = arith.constant 0 : i32
        %dma_start3A_502 = tpu.memref_slice %arg9[%dma_start3A_499, %dma_start3A_500, %dma_start3A_501] : memref<3x128x128xf32, #tpu.memory_space<vmem>> -> memref<1x128x128xf32, #tpu.memory_space<vmem>>
        %dma_start3A_503 = tpu.memref_squeeze %dma_start3A_502 : memref<1x128x128xf32, #tpu.memory_space<vmem>> -> memref<128x128xf32, #tpu.memory_space<vmem>>
        %dma_start3A_504 = arith.constant 0 : i32
        %dma_start3A_505 = tpu.memref_slice %arg7[%dma_start3A_498, %dma_start3A_504] : memref<3x128xi32, #tpu.memory_space<vmem>> -> memref<1x128xi32, #tpu.memory_space<vmem>>
        %dma_start3A_506 = tpu.memref_squeeze %dma_start3A_505 : memref<1x128xi32, #tpu.memory_space<vmem>> -> memref<128xi32, #tpu.memory_space<vmem>>
        %dma_start3A_507 = arith.constant 0 : i32
        %dma_start3A_508 = arith.constant 0 : i32
        %dma_start3A_509 = tpu.memref_slice %arg2[%dma_start3A_507, %dma_start3A_508] : memref<10000x128xf32, #tpu.memory_space<hbm>> -> memref<10000x128xf32, #tpu.memory_space<hbm>>
        tpu.enqueue_indirect_dma source(%dma_start3A_509 : memref<10000x128xf32, #tpu.memory_space<hbm>>) target(%dma_start3A_503 : memref<128x128xf32, #tpu.memory_space<vmem>>) offsets(%dma_start3A_506 : memref<128xi32, #tpu.memory_space<vmem>>) semaphore(%arg12 : memref<!tpu.dma_semaphore, #tpu.memory_space<semaphore_mem>>)
      } else {
      }
      %get3A_370 = arith.constant 0 : index
      %get3A_371 = tpu.vector_load %arg8[%get3A_370] {strides = array<i32>} : memref<128xi32, #tpu.memory_space<vmem>>, vector<16xi32>,
      tpu.vector_store_idx %arg10[%get3A_371], %broadcast_in_dim3A_5 {add = true} : memref<5120xf32, #tpu.memory_space<vmem>>[vector<16xi32>], vector<16xf32>,
      %get3A_372 = arith.constant 16 : index
      %get3A_373 = tpu.vector_load %arg8[%get3A_372] {strides = array<i32>} : memref<128xi32, #tpu.memory_space<vmem>>, vector<16xi32>,
      tpu.vector_store_idx %arg10[%get3A_373], %broadcast_in_dim3A_5 {add = true} : memref<5120xf32, #tpu.memory_space<vmem>>[vector<16xi32>], vector<16xf32>,
      %get3A_374 = arith.constant 32 : index
      %get3A_375 = tpu.vector_load %arg8[%get3A_374] {strides = array<i32>} : memref<128xi32, #tpu.memory_space<vmem>>, vector<16xi32>,
      tpu.vector_store_idx %arg10[%get3A_375], %broadcast_in_dim3A_5 {add = true} : memref<5120xf32, #tpu.memory_space<vmem>>[vector<16xi32>], vector<16xf32>,
      %get3A_376 = arith.constant 48 : index
      %get3A_377 = tpu.vector_load %arg8[%get3A_376] {strides = array<i32>} : memref<128xi32, #tpu.memory_space<vmem>>, vector<16xi32>,
      tpu.vector_store_idx %arg10[%get3A_377], %broadcast_in_dim3A_5 {add = true} : memref<5120xf32, #tpu.memory_space<vmem>>[vector<16xi32>], vector<16xf32>,
      %get3A_378 = arith.constant 64 : index
      %get3A_379 = tpu.vector_load %arg8[%get3A_378] {strides = array<i32>} : memref<128xi32, #tpu.memory_space<vmem>>, vector<16xi32>,
      tpu.vector_store_idx %arg10[%get3A_379], %broadcast_in_dim3A_5 {add = true} : memref<5120xf32, #tpu.memory_space<vmem>>[vector<16xi32>], vector<16xf32>,
      %get3A_380 = arith.constant 80 : index
      %get3A_381 = tpu.vector_load %arg8[%get3A_380] {strides = array<i32>} : memref<128xi32, #tpu.memory_space<vmem>>, vector<16xi32>,
      tpu.vector_store_idx %arg10[%get3A_381], %broadcast_in_dim3A_5 {add = true} : memref<5120xf32, #tpu.memory_space<vmem>>[vector<16xi32>], vector<16xf32>,
      %get3A_382 = arith.constant 96 : index
      %get3A_383 = tpu.vector_load %arg8[%get3A_382] {strides = array<i32>} : memref<128xi32, #tpu.memory_space<vmem>>, vector<16xi32>,
      tpu.vector_store_idx %arg10[%get3A_383], %broadcast_in_dim3A_5 {add = true} : memref<5120xf32, #tpu.memory_space<vmem>>[vector<16xi32>], vector<16xf32>,
      %get3A_384 = arith.constant 112 : index
      %get3A_385 = tpu.vector_load %arg8[%get3A_384] {strides = array<i32>} : memref<128xi32, #tpu.memory_space<vmem>>, vector<16xi32>,
      tpu.vector_store_idx %arg10[%get3A_385], %broadcast_in_dim3A_5 {add = true} : memref<5120xf32, #tpu.memory_space<vmem>>[vector<16xi32>], vector<16xf32>,
      %lt3A_386 = arith.cmpi slt, %add3A_257, %max3A_126 : i32
      %convert_element_type3A_387 = arith.extui %lt3A_386 : i1 to i32
      %cond3A_388 = arith.constant 0 : i32
      %cond3A_389 = arith.cmpi ne, %convert_element_type3A_387, %cond3A_388 : i32
      scf.if %cond3A_389 {
        %dma_wait3A_394 = arith.constant 1 : i32
        %dma_wait3A_395 = arith.constant 1 : i32
        %dma_wait3A_396 = arith.constant 0 : i32
        %dma_wait3A_397 = arith.constant 0 : i32
        %dma_wait3A_398 = tpu.memref_slice %arg9[%dma_wait3A_395, %dma_wait3A_396, %dma_wait3A_397] : memref<3x128x128xf32, #tpu.memory_space<vmem>> -> memref<1x128x128xf32, #tpu.memory_space<vmem>>
        %dma_wait3A_399 = tpu.memref_squeeze %dma_wait3A_398 : memref<1x128x128xf32, #tpu.memory_space<vmem>> -> memref<128x128xf32, #tpu.memory_space<vmem>>
        %dma_wait3A_400 = arith.constant 0 : i32
        %dma_wait3A_401 = tpu.memref_slice %arg7[%dma_wait3A_394, %dma_wait3A_400] : memref<3x128xi32, #tpu.memory_space<vmem>> -> memref<1x128xi32, #tpu.memory_space<vmem>>
        %dma_wait3A_402 = tpu.memref_squeeze %dma_wait3A_401 : memref<1x128xi32, #tpu.memory_space<vmem>> -> memref<128xi32, #tpu.memory_space<vmem>>
        %dma_wait3A_403 = arith.constant 0 : i32
        %dma_wait3A_404 = arith.constant 0 : i32
        %dma_wait3A_405 = tpu.memref_slice %arg2[%dma_wait3A_403, %dma_wait3A_404] : memref<10000x128xf32, #tpu.memory_space<hbm>> -> memref<10000x128xf32, #tpu.memory_space<hbm>>
        tpu.wait_indirect_dma semaphore(%arg13 : memref<!tpu.dma_semaphore, #tpu.memory_space<semaphore_mem>>) src(%dma_wait3A_405 : memref<10000x128xf32, #tpu.memory_space<hbm>>) dst(%dma_wait3A_399 : memref<128x128xf32, #tpu.memory_space<vmem>>)
        %mul3A_406 = arith.constant 128 : i32
        %mul3A_407 = arith.muli %add3A_257, %mul3A_406 : i32
        %add3A_408 = arith.constant 0 : i32
        %add3A_409 = arith.addi %mul3A_407, %add3A_408 : i32
        %get3A_410 = arith.index_cast %add3A_409 : i32 to index
        %get3A_411 = tpu.vector_load %arg6[%get3A_410] {strides = array<i32>} : memref<20480xi32, #tpu.memory_space<vmem>>, vector<16xi32>,
        %shift_right_arithmetic3A_412 = arith.constant 14 : i32
        %shift_right_arithmetic3A_413 = vector.broadcast %shift_right_arithmetic3A_412 : i32 to vector<16xi32>
        %shift_right_arithmetic3A_414 = arith.shrsi %get3A_411, %shift_right_arithmetic3A_413 : vector<16xi32>
        %swap3A_415 = arith.constant 0 : index
        %swap3A_416 = tpu.vector_load %arg8[%swap3A_415] {strides = array<i32>} : memref<128xi32, #tpu.memory_space<vmem>>, vector<16xi32>,
        tpu.vector_store %arg8[%swap3A_415], %shift_right_arithmetic3A_414 {strides = array<i32>} : memref<128xi32, #tpu.memory_space<vmem>>, vector<16xi32>,
        %mul3A_417 = arith.constant 128 : i32
        %mul3A_418 = arith.muli %add3A_257, %mul3A_417 : i32
        %add3A_419 = arith.constant 16 : i32
        %add3A_420 = arith.addi %mul3A_418, %add3A_419 : i32
        %get3A_421 = arith.index_cast %add3A_420 : i32 to index
        %get3A_422 = tpu.vector_load %arg6[%get3A_421] {strides = array<i32>} : memref<20480xi32, #tpu.memory_space<vmem>>, vector<16xi32>,
        %shift_right_arithmetic3A_423 = arith.constant 14 : i32
        %shift_right_arithmetic3A_424 = vector.broadcast %shift_right_arithmetic3A_423 : i32 to vector<16xi32>
        %shift_right_arithmetic3A_425 = arith.shrsi %get3A_422, %shift_right_arithmetic3A_424 : vector<16xi32>
        %swap3A_426 = arith.constant 16 : index
        %swap3A_427 = tpu.vector_load %arg8[%swap3A_426] {strides = array<i32>} : memref<128xi32, #tpu.memory_space<vmem>>, vector<16xi32>,
        tpu.vector_store %arg8[%swap3A_426], %shift_right_arithmetic3A_425 {strides = array<i32>} : memref<128xi32, #tpu.memory_space<vmem>>, vector<16xi32>,
        %mul3A_428 = arith.constant 128 : i32
        %mul3A_429 = arith.muli %add3A_257, %mul3A_428 : i32
        %add3A_430 = arith.constant 32 : i32
        %add3A_431 = arith.addi %mul3A_429, %add3A_430 : i32
        %get3A_432 = arith.index_cast %add3A_431 : i32 to index
        %get3A_433 = tpu.vector_load %arg6[%get3A_432] {strides = array<i32>} : memref<20480xi32, #tpu.memory_space<vmem>>, vector<16xi32>,
        %shift_right_arithmetic3A_434 = arith.constant 14 : i32
        %shift_right_arithmetic3A_435 = vector.broadcast %shift_right_arithmetic3A_434 : i32 to vector<16xi32>
        %shift_right_arithmetic3A_436 = arith.shrsi %get3A_433, %shift_right_arithmetic3A_435 : vector<16xi32>
        %swap3A_437 = arith.constant 32 : index
        %swap3A_438 = tpu.vector_load %arg8[%swap3A_437] {strides = array<i32>} : memref<128xi32, #tpu.memory_space<vmem>>, vector<16xi32>,
        tpu.vector_store %arg8[%swap3A_437], %shift_right_arithmetic3A_436 {strides = array<i32>} : memref<128xi32, #tpu.memory_space<vmem>>, vector<16xi32>,
        %mul3A_439 = arith.constant 128 : i32
        %mul3A_440 = arith.muli %add3A_257, %mul3A_439 : i32
        %add3A_441 = arith.constant 48 : i32
        %add3A_442 = arith.addi %mul3A_440, %add3A_441 : i32
        %get3A_443 = arith.index_cast %add3A_442 : i32 to index
        %get3A_444 = tpu.vector_load %arg6[%get3A_443] {strides = array<i32>} : memref<20480xi32, #tpu.memory_space<vmem>>, vector<16xi32>,
        %shift_right_arithmetic3A_445 = arith.constant 14 : i32
        %shift_right_arithmetic3A_446 = vector.broadcast %shift_right_arithmetic3A_445 : i32 to vector<16xi32>
        %shift_right_arithmetic3A_447 = arith.shrsi %get3A_444, %shift_right_arithmetic3A_446 : vector<16xi32>
        %swap3A_448 = arith.constant 48 : index
        %swap3A_449 = tpu.vector_load %arg8[%swap3A_448] {strides = array<i32>} : memref<128xi32, #tpu.memory_space<vmem>>, vector<16xi32>,
        tpu.vector_store %arg8[%swap3A_448], %shift_right_arithmetic3A_447 {strides = array<i32>} : memref<128xi32, #tpu.memory_space<vmem>>, vector<16xi32>,
        %mul3A_450 = arith.constant 128 : i32
        %mul3A_451 = arith.muli %add3A_257, %mul3A_450 : i32
        %add3A_452 = arith.constant 64 : i32
        %add3A_453 = arith.addi %mul3A_451, %add3A_452 : i32
        %get3A_454 = arith.index_cast %add3A_453 : i32 to index
        %get3A_455 = tpu.vector_load %arg6[%get3A_454] {strides = array<i32>} : memref<20480xi32, #tpu.memory_space<vmem>>, vector<16xi32>,
        %shift_right_arithmetic3A_456 = arith.constant 14 : i32
        %shift_right_arithmetic3A_457 = vector.broadcast %shift_right_arithmetic3A_456 : i32 to vector<16xi32>
        %shift_right_arithmetic3A_458 = arith.shrsi %get3A_455, %shift_right_arithmetic3A_457 : vector<16xi32>
        %swap3A_459 = arith.constant 64 : index
        %swap3A_460 = tpu.vector_load %arg8[%swap3A_459] {strides = array<i32>} : memref<128xi32, #tpu.memory_space<vmem>>, vector<16xi32>,
        tpu.vector_store %arg8[%swap3A_459], %shift_right_arithmetic3A_458 {strides = array<i32>} : memref<128xi32, #tpu.memory_space<vmem>>, vector<16xi32>,
        %mul3A_461 = arith.constant 128 : i32
        %mul3A_462 = arith.muli %add3A_257, %mul3A_461 : i32
        %add3A_463 = arith.constant 80 : i32
        %add3A_464 = arith.addi %mul3A_462, %add3A_463 : i32
        %get3A_465 = arith.index_cast %add3A_464 : i32 to index
        %get3A_466 = tpu.vector_load %arg6[%get3A_465] {strides = array<i32>} : memref<20480xi32, #tpu.memory_space<vmem>>, vector<16xi32>,
        %shift_right_arithmetic3A_467 = arith.constant 14 : i32
        %shift_right_arithmetic3A_468 = vector.broadcast %shift_right_arithmetic3A_467 : i32 to vector<16xi32>
        %shift_right_arithmetic3A_469 = arith.shrsi %get3A_466, %shift_right_arithmetic3A_468 : vector<16xi32>
        %swap3A_470 = arith.constant 80 : index
        %swap3A_471 = tpu.vector_load %arg8[%swap3A_470] {strides = array<i32>} : memref<128xi32, #tpu.memory_space<vmem>>, vector<16xi32>,
        tpu.vector_store %arg8[%swap3A_470], %shift_right_arithmetic3A_469 {strides = array<i32>} : memref<128xi32, #tpu.memory_space<vmem>>, vector<16xi32>,
        %mul3A_472 = arith.constant 128 : i32
        %mul3A_473 = arith.muli %add3A_257, %mul3A_472 : i32
        %add3A_474 = arith.constant 96 : i32
        %add3A_475 = arith.addi %mul3A_473, %add3A_474 : i32
        %get3A_476 = arith.index_cast %add3A_475 : i32 to index
        %get3A_477 = tpu.vector_load %arg6[%get3A_476] {strides = array<i32>} : memref<20480xi32, #tpu.memory_space<vmem>>, vector<16xi32>,
        %shift_right_arithmetic3A_478 = arith.constant 14 : i32
        %shift_right_arithmetic3A_479 = vector.broadcast %shift_right_arithmetic3A_478 : i32 to vector<16xi32>
        %shift_right_arithmetic3A_480 = arith.shrsi %get3A_477, %shift_right_arithmetic3A_479 : vector<16xi32>
        %swap3A_481 = arith.constant 96 : index
        %swap3A_482 = tpu.vector_load %arg8[%swap3A_481] {strides = array<i32>} : memref<128xi32, #tpu.memory_space<vmem>>, vector<16xi32>,
        tpu.vector_store %arg8[%swap3A_481], %shift_right_arithmetic3A_480 {strides = array<i32>} : memref<128xi32, #tpu.memory_space<vmem>>, vector<16xi32>,
        %mul3A_483 = arith.constant 128 : i32
        %mul3A_484 = arith.muli %add3A_257, %mul3A_483 : i32
        %add3A_485 = arith.constant 112 : i32
        %add3A_486 = arith.addi %mul3A_484, %add3A_485 : i32
        %get3A_487 = arith.index_cast %add3A_486 : i32 to index
        %get3A_488 = tpu.vector_load %arg6[%get3A_487] {strides = array<i32>} : memref<20480xi32, #tpu.memory_space<vmem>>, vector<16xi32>,
        %shift_right_arithmetic3A_489 = arith.constant 14 : i32
        %shift_right_arithmetic3A_490 = vector.broadcast %shift_right_arithmetic3A_489 : i32 to vector<16xi32>
        %shift_right_arithmetic3A_491 = arith.shrsi %get3A_488, %shift_right_arithmetic3A_490 : vector<16xi32>
        %swap3A_492 = arith.constant 112 : index
        %swap3A_493 = tpu.vector_load %arg8[%swap3A_492] {strides = array<i32>} : memref<128xi32, #tpu.memory_space<vmem>>, vector<16xi32>,
        tpu.vector_store %arg8[%swap3A_492], %shift_right_arithmetic3A_491 {strides = array<i32>} : memref<128xi32, #tpu.memory_space<vmem>>, vector<16xi32>,
        %run_scoped3A_494 = arith.constant 1 : i32
        "tpu.region"() ({
          %run_scoped3A_515 = tpu.sem_alloc : memref<!tpu.dma_semaphore, #tpu.memory_space<semaphore_mem>>
          %dma_start3A_516 = arith.constant 0 : i32
          %dma_start3A_517 = arith.constant 0 : i32
          %dma_start3A_518 = tpu.memref_slice %arg9[%run_scoped3A_494, %dma_start3A_516, %dma_start3A_517] : memref<3x128x128xf32, #tpu.memory_space<vmem>> -> memref<1x128x128xf32, #tpu.memory_space<vmem>>
          %dma_start3A_519 = tpu.memref_squeeze %dma_start3A_518 : memref<1x128x128xf32, #tpu.memory_space<vmem>> -> memref<128x128xf32, #tpu.memory_space<vmem>>
          %dma_start3A_520 = arith.constant 0 : i32
          %dma_start3A_521 = arith.constant 0 : i32
          %dma_start3A_522 = tpu.memref_slice %arg11[%dma_start3A_520, %dma_start3A_521] : memref<5120x128xf32, #tpu.memory_space<vmem_shared>> -> memref<5120x128xf32, #tpu.memory_space<vmem_shared>>
          tpu.enqueue_indirect_dma source(%dma_start3A_519 : memref<128x128xf32, #tpu.memory_space<vmem>>) target(%dma_start3A_522 : memref<5120x128xf32, #tpu.memory_space<vmem_shared>>) offsets(%arg8 : memref<128xi32, #tpu.memory_space<vmem>>) semaphore(%run_scoped3A_515 : memref<!tpu.dma_semaphore, #tpu.memory_space<semaphore_mem>>) {add = true}
          %dma_wait3A_523 = arith.constant 0 : i32
          %dma_wait3A_524 = arith.constant 0 : i32
          %dma_wait3A_525 = tpu.memref_slice %arg9[%run_scoped3A_494, %dma_wait3A_523, %dma_wait3A_524] : memref<3x128x128xf32, #tpu.memory_space<vmem>> -> memref<1x128x128xf32, #tpu.memory_space<vmem>>
          %dma_wait3A_526 = tpu.memref_squeeze %dma_wait3A_525 : memref<1x128x128xf32, #tpu.memory_space<vmem>> -> memref<128x128xf32, #tpu.memory_space<vmem>>
          %dma_wait3A_527 = arith.constant 0 : i32
          %dma_wait3A_528 = arith.constant 0 : i32
          %dma_wait3A_529 = tpu.memref_slice %arg11[%dma_wait3A_527, %dma_wait3A_528] : memref<5120x128xf32, #tpu.memory_space<vmem_shared>> -> memref<5120x128xf32, #tpu.memory_space<vmem_shared>>
          tpu.wait_indirect_dma semaphore(%run_scoped3A_515 : memref<!tpu.dma_semaphore, #tpu.memory_space<semaphore_mem>>) src(%dma_wait3A_526 : memref<128x128xf32, #tpu.memory_space<vmem>>) dst(%dma_wait3A_529 : memref<5120x128xf32, #tpu.memory_space<vmem_shared>>)
          tpu.yield
        }) : () -> ()
        %lt3A_495 = arith.cmpi slt, %add3A_263, %max3A_126 : i32
        %convert_element_type3A_496 = arith.extui %lt3A_495 : i1 to i32
        %cond3A_497 = arith.constant 0 : i32
        %cond3A_498 = arith.cmpi ne, %convert_element_type3A_496, %cond3A_497 : i32
        scf.if %cond3A_498 {
          %mul3A_515 = arith.constant 128 : i32
          %mul3A_516 = arith.muli %add3A_263, %mul3A_515 : i32
          %add3A_517 = arith.constant 0 : i32
          %add3A_518 = arith.addi %mul3A_516, %add3A_517 : i32
          %get3A_519 = arith.index_cast %add3A_518 : i32 to index
          %get3A_520 = tpu.vector_load %arg6[%get3A_519] {strides = array<i32>} : memref<20480xi32, #tpu.memory_space<vmem>>, vector<16xi32>,
          %and3A_521 = arith.constant 16383 : i32
          %and3A_522 = vector.broadcast %and3A_521 : i32 to vector<16xi32>
          %and3A_523 = arith.andi %get3A_520, %and3A_522 : vector<16xi32>
          %swap3A_524 = arith.constant 1 : i32
          %swap3A_525 = arith.index_cast %swap3A_524 : i32 to index
          %swap3A_526 = arith.constant 0 : index
          %swap3A_527 = tpu.vector_load %arg7[%swap3A_525, %swap3A_526] {strides = array<i32>} : memref<3x128xi32, #tpu.memory_space<vmem>>, vector<16xi32>,
          tpu.vector_store %arg7[%swap3A_525, %swap3A_526], %and3A_523 {strides = array<i32>} : memref<3x128xi32, #tpu.memory_space<vmem>>, vector<16xi32>,
          %mul3A_528 = arith.constant 128 : i32
          %mul3A_529 = arith.muli %add3A_263, %mul3A_528 : i32
          %add3A_530 = arith.constant 16 : i32
          %add3A_531 = arith.addi %mul3A_529, %add3A_530 : i32
          %get3A_532 = arith.index_cast %add3A_531 : i32 to index
          %get3A_533 = tpu.vector_load %arg6[%get3A_532] {strides = array<i32>} : memref<20480xi32, #tpu.memory_space<vmem>>, vector<16xi32>,
          %and3A_534 = arith.constant 16383 : i32
          %and3A_535 = vector.broadcast %and3A_534 : i32 to vector<16xi32>
          %and3A_536 = arith.andi %get3A_533, %and3A_535 : vector<16xi32>
          %swap3A_537 = arith.constant 1 : i32
          %swap3A_538 = arith.index_cast %swap3A_537 : i32 to index
          %swap3A_539 = arith.constant 16 : index
          %swap3A_540 = tpu.vector_load %arg7[%swap3A_538, %swap3A_539] {strides = array<i32>} : memref<3x128xi32, #tpu.memory_space<vmem>>, vector<16xi32>,
          tpu.vector_store %arg7[%swap3A_538, %swap3A_539], %and3A_536 {strides = array<i32>} : memref<3x128xi32, #tpu.memory_space<vmem>>, vector<16xi32>,
          %mul3A_541 = arith.constant 128 : i32
          %mul3A_542 = arith.muli %add3A_263, %mul3A_541 : i32
          %add3A_543 = arith.constant 32 : i32
          %add3A_544 = arith.addi %mul3A_542, %add3A_543 : i32
          %get3A_545 = arith.index_cast %add3A_544 : i32 to index
          %get3A_546 = tpu.vector_load %arg6[%get3A_545] {strides = array<i32>} : memref<20480xi32, #tpu.memory_space<vmem>>, vector<16xi32>,
          %and3A_547 = arith.constant 16383 : i32
          %and3A_548 = vector.broadcast %and3A_547 : i32 to vector<16xi32>
          %and3A_549 = arith.andi %get3A_546, %and3A_548 : vector<16xi32>
          %swap3A_550 = arith.constant 1 : i32
          %swap3A_551 = arith.index_cast %swap3A_550 : i32 to index
          %swap3A_552 = arith.constant 32 : index
          %swap3A_553 = tpu.vector_load %arg7[%swap3A_551, %swap3A_552] {strides = array<i32>} : memref<3x128xi32, #tpu.memory_space<vmem>>, vector<16xi32>,
          tpu.vector_store %arg7[%swap3A_551, %swap3A_552], %and3A_549 {strides = array<i32>} : memref<3x128xi32, #tpu.memory_space<vmem>>, vector<16xi32>,
          %mul3A_554 = arith.constant 128 : i32
          %mul3A_555 = arith.muli %add3A_263, %mul3A_554 : i32
          %add3A_556 = arith.constant 48 : i32
          %add3A_557 = arith.addi %mul3A_555, %add3A_556 : i32
          %get3A_558 = arith.index_cast %add3A_557 : i32 to index
          %get3A_559 = tpu.vector_load %arg6[%get3A_558] {strides = array<i32>} : memref<20480xi32, #tpu.memory_space<vmem>>, vector<16xi32>,
          %and3A_560 = arith.constant 16383 : i32
          %and3A_561 = vector.broadcast %and3A_560 : i32 to vector<16xi32>
          %and3A_562 = arith.andi %get3A_559, %and3A_561 : vector<16xi32>
          %swap3A_563 = arith.constant 1 : i32
          %swap3A_564 = arith.index_cast %swap3A_563 : i32 to index
          %swap3A_565 = arith.constant 48 : index
          %swap3A_566 = tpu.vector_load %arg7[%swap3A_564, %swap3A_565] {strides = array<i32>} : memref<3x128xi32, #tpu.memory_space<vmem>>, vector<16xi32>,
          tpu.vector_store %arg7[%swap3A_564, %swap3A_565], %and3A_562 {strides = array<i32>} : memref<3x128xi32, #tpu.memory_space<vmem>>, vector<16xi32>,
          %mul3A_567 = arith.constant 128 : i32
          %mul3A_568 = arith.muli %add3A_263, %mul3A_567 : i32
          %add3A_569 = arith.constant 64 : i32
          %add3A_570 = arith.addi %mul3A_568, %add3A_569 : i32
          %get3A_571 = arith.index_cast %add3A_570 : i32 to index
          %get3A_572 = tpu.vector_load %arg6[%get3A_571] {strides = array<i32>} : memref<20480xi32, #tpu.memory_space<vmem>>, vector<16xi32>,
          %and3A_573 = arith.constant 16383 : i32
          %and3A_574 = vector.broadcast %and3A_573 : i32 to vector<16xi32>
          %and3A_575 = arith.andi %get3A_572, %and3A_574 : vector<16xi32>
          %swap3A_576 = arith.constant 1 : i32
          %swap3A_577 = arith.index_cast %swap3A_576 : i32 to index
          %swap3A_578 = arith.constant 64 : index
          %swap3A_579 = tpu.vector_load %arg7[%swap3A_577, %swap3A_578] {strides = array<i32>} : memref<3x128xi32, #tpu.memory_space<vmem>>, vector<16xi32>,
          tpu.vector_store %arg7[%swap3A_577, %swap3A_578], %and3A_575 {strides = array<i32>} : memref<3x128xi32, #tpu.memory_space<vmem>>, vector<16xi32>,
          %mul3A_580 = arith.constant 128 : i32
          %mul3A_581 = arith.muli %add3A_263, %mul3A_580 : i32
          %add3A_582 = arith.constant 80 : i32
          %add3A_583 = arith.addi %mul3A_581, %add3A_582 : i32
          %get3A_584 = arith.index_cast %add3A_583 : i32 to index
          %get3A_585 = tpu.vector_load %arg6[%get3A_584] {strides = array<i32>} : memref<20480xi32, #tpu.memory_space<vmem>>, vector<16xi32>,
          %and3A_586 = arith.constant 16383 : i32
          %and3A_587 = vector.broadcast %and3A_586 : i32 to vector<16xi32>
          %and3A_588 = arith.andi %get3A_585, %and3A_587 : vector<16xi32>
          %swap3A_589 = arith.constant 1 : i32
          %swap3A_590 = arith.index_cast %swap3A_589 : i32 to index
          %swap3A_591 = arith.constant 80 : index
          %swap3A_592 = tpu.vector_load %arg7[%swap3A_590, %swap3A_591] {strides = array<i32>} : memref<3x128xi32, #tpu.memory_space<vmem>>, vector<16xi32>,
          tpu.vector_store %arg7[%swap3A_590, %swap3A_591], %and3A_588 {strides = array<i32>} : memref<3x128xi32, #tpu.memory_space<vmem>>, vector<16xi32>,
          %mul3A_593 = arith.constant 128 : i32
          %mul3A_594 = arith.muli %add3A_263, %mul3A_593 : i32
          %add3A_595 = arith.constant 96 : i32
          %add3A_596 = arith.addi %mul3A_594, %add3A_595 : i32
          %get3A_597 = arith.index_cast %add3A_596 : i32 to index
          %get3A_598 = tpu.vector_load %arg6[%get3A_597] {strides = array<i32>} : memref<20480xi32, #tpu.memory_space<vmem>>, vector<16xi32>,
          %and3A_599 = arith.constant 16383 : i32
          %and3A_600 = vector.broadcast %and3A_599 : i32 to vector<16xi32>
          %and3A_601 = arith.andi %get3A_598, %and3A_600 : vector<16xi32>
          %swap3A_602 = arith.constant 1 : i32
          %swap3A_603 = arith.index_cast %swap3A_602 : i32 to index
          %swap3A_604 = arith.constant 96 : index
          %swap3A_605 = tpu.vector_load %arg7[%swap3A_603, %swap3A_604] {strides = array<i32>} : memref<3x128xi32, #tpu.memory_space<vmem>>, vector<16xi32>,
          tpu.vector_store %arg7[%swap3A_603, %swap3A_604], %and3A_601 {strides = array<i32>} : memref<3x128xi32, #tpu.memory_space<vmem>>, vector<16xi32>,
          %mul3A_606 = arith.constant 128 : i32
          %mul3A_607 = arith.muli %add3A_263, %mul3A_606 : i32
          %add3A_608 = arith.constant 112 : i32
          %add3A_609 = arith.addi %mul3A_607, %add3A_608 : i32
          %get3A_610 = arith.index_cast %add3A_609 : i32 to index
          %get3A_611 = tpu.vector_load %arg6[%get3A_610] {strides = array<i32>} : memref<20480xi32, #tpu.memory_space<vmem>>, vector<16xi32>,
          %and3A_612 = arith.constant 16383 : i32
          %and3A_613 = vector.broadcast %and3A_612 : i32 to vector<16xi32>
          %and3A_614 = arith.andi %get3A_611, %and3A_613 : vector<16xi32>
          %swap3A_615 = arith.constant 1 : i32
          %swap3A_616 = arith.index_cast %swap3A_615 : i32 to index
          %swap3A_617 = arith.constant 112 : index
          %swap3A_618 = tpu.vector_load %arg7[%swap3A_616, %swap3A_617] {strides = array<i32>} : memref<3x128xi32, #tpu.memory_space<vmem>>, vector<16xi32>,
          tpu.vector_store %arg7[%swap3A_616, %swap3A_617], %and3A_614 {strides = array<i32>} : memref<3x128xi32, #tpu.memory_space<vmem>>, vector<16xi32>,
          %dma_start3A_619 = arith.constant 1 : i32
          %dma_start3A_620 = arith.constant 1 : i32
          %dma_start3A_621 = arith.constant 0 : i32
          %dma_start3A_622 = arith.constant 0 : i32
          %dma_start3A_623 = tpu.memref_slice %arg9[%dma_start3A_620, %dma_start3A_621, %dma_start3A_622] : memref<3x128x128xf32, #tpu.memory_space<vmem>> -> memref<1x128x128xf32, #tpu.memory_space<vmem>>
          %dma_start3A_624 = tpu.memref_squeeze %dma_start3A_623 : memref<1x128x128xf32, #tpu.memory_space<vmem>> -> memref<128x128xf32, #tpu.memory_space<vmem>>
          %dma_start3A_625 = arith.constant 0 : i32
          %dma_start3A_626 = tpu.memref_slice %arg7[%dma_start3A_619, %dma_start3A_625] : memref<3x128xi32, #tpu.memory_space<vmem>> -> memref<1x128xi32, #tpu.memory_space<vmem>>
          %dma_start3A_627 = tpu.memref_squeeze %dma_start3A_626 : memref<1x128xi32, #tpu.memory_space<vmem>> -> memref<128xi32, #tpu.memory_space<vmem>>
          %dma_start3A_628 = arith.constant 0 : i32
          %dma_start3A_629 = arith.constant 0 : i32
          %dma_start3A_630 = tpu.memref_slice %arg2[%dma_start3A_628, %dma_start3A_629] : memref<10000x128xf32, #tpu.memory_space<hbm>> -> memref<10000x128xf32, #tpu.memory_space<hbm>>
          tpu.enqueue_indirect_dma source(%dma_start3A_630 : memref<10000x128xf32, #tpu.memory_space<hbm>>) target(%dma_start3A_624 : memref<128x128xf32, #tpu.memory_space<vmem>>) offsets(%dma_start3A_627 : memref<128xi32, #tpu.memory_space<vmem>>) semaphore(%arg13 : memref<!tpu.dma_semaphore, #tpu.memory_space<semaphore_mem>>)
        } else {
        }
        %get3A_499 = arith.constant 0 : index
        %get3A_500 = tpu.vector_load %arg8[%get3A_499] {strides = array<i32>} : memref<128xi32, #tpu.memory_space<vmem>>, vector<16xi32>,
        tpu.vector_store_idx %arg10[%get3A_500], %broadcast_in_dim3A_5 {add = true} : memref<5120xf32, #tpu.memory_space<vmem>>[vector<16xi32>], vector<16xf32>,
        %get3A_501 = arith.constant 16 : index
        %get3A_502 = tpu.vector_load %arg8[%get3A_501] {strides = array<i32>} : memref<128xi32, #tpu.memory_space<vmem>>, vector<16xi32>,
        tpu.vector_store_idx %arg10[%get3A_502], %broadcast_in_dim3A_5 {add = true} : memref<5120xf32, #tpu.memory_space<vmem>>[vector<16xi32>], vector<16xf32>,
        %get3A_503 = arith.constant 32 : index
        %get3A_504 = tpu.vector_load %arg8[%get3A_503] {strides = array<i32>} : memref<128xi32, #tpu.memory_space<vmem>>, vector<16xi32>,
        tpu.vector_store_idx %arg10[%get3A_504], %broadcast_in_dim3A_5 {add = true} : memref<5120xf32, #tpu.memory_space<vmem>>[vector<16xi32>], vector<16xf32>,
        %get3A_505 = arith.constant 48 : index
        %get3A_506 = tpu.vector_load %arg8[%get3A_505] {strides = array<i32>} : memref<128xi32, #tpu.memory_space<vmem>>, vector<16xi32>,
        tpu.vector_store_idx %arg10[%get3A_506], %broadcast_in_dim3A_5 {add = true} : memref<5120xf32, #tpu.memory_space<vmem>>[vector<16xi32>], vector<16xf32>,
        %get3A_507 = arith.constant 64 : index
        %get3A_508 = tpu.vector_load %arg8[%get3A_507] {strides = array<i32>} : memref<128xi32, #tpu.memory_space<vmem>>, vector<16xi32>,
        tpu.vector_store_idx %arg10[%get3A_508], %broadcast_in_dim3A_5 {add = true} : memref<5120xf32, #tpu.memory_space<vmem>>[vector<16xi32>], vector<16xf32>,
        %get3A_509 = arith.constant 80 : index
        %get3A_510 = tpu.vector_load %arg8[%get3A_509] {strides = array<i32>} : memref<128xi32, #tpu.memory_space<vmem>>, vector<16xi32>,
        tpu.vector_store_idx %arg10[%get3A_510], %broadcast_in_dim3A_5 {add = true} : memref<5120xf32, #tpu.memory_space<vmem>>[vector<16xi32>], vector<16xf32>,
        %get3A_511 = arith.constant 96 : index
        %get3A_512 = tpu.vector_load %arg8[%get3A_511] {strides = array<i32>} : memref<128xi32, #tpu.memory_space<vmem>>, vector<16xi32>,
        tpu.vector_store_idx %arg10[%get3A_512], %broadcast_in_dim3A_5 {add = true} : memref<5120xf32, #tpu.memory_space<vmem>>[vector<16xi32>], vector<16xf32>,
        %get3A_513 = arith.constant 112 : index
        %get3A_514 = tpu.vector_load %arg8[%get3A_513] {strides = array<i32>} : memref<128xi32, #tpu.memory_space<vmem>>, vector<16xi32>,
        tpu.vector_store_idx %arg10[%get3A_514], %broadcast_in_dim3A_5 {add = true} : memref<5120xf32, #tpu.memory_space<vmem>>[vector<16xi32>], vector<16xf32>,
      } else {
      }
      %lt3A_390 = arith.cmpi slt, %add3A_259, %max3A_126 : i32
      %convert_element_type3A_391 = arith.extui %lt3A_390 : i1 to i32
      %cond3A_392 = arith.constant 0 : i32
      %cond3A_393 = arith.cmpi ne, %convert_element_type3A_391, %cond3A_392 : i32
      scf.if %cond3A_393 {
        %dma_wait3A_394 = arith.constant 2 : i32
        %dma_wait3A_395 = arith.constant 2 : i32
        %dma_wait3A_396 = arith.constant 0 : i32
        %dma_wait3A_397 = arith.constant 0 : i32
        %dma_wait3A_398 = tpu.memref_slice %arg9[%dma_wait3A_395, %dma_wait3A_396, %dma_wait3A_397] : memref<3x128x128xf32, #tpu.memory_space<vmem>> -> memref<1x128x128xf32, #tpu.memory_space<vmem>>
        %dma_wait3A_399 = tpu.memref_squeeze %dma_wait3A_398 : memref<1x128x128xf32, #tpu.memory_space<vmem>> -> memref<128x128xf32, #tpu.memory_space<vmem>>
        %dma_wait3A_400 = arith.constant 0 : i32
        %dma_wait3A_401 = tpu.memref_slice %arg7[%dma_wait3A_394, %dma_wait3A_400] : memref<3x128xi32, #tpu.memory_space<vmem>> -> memref<1x128xi32, #tpu.memory_space<vmem>>
        %dma_wait3A_402 = tpu.memref_squeeze %dma_wait3A_401 : memref<1x128xi32, #tpu.memory_space<vmem>> -> memref<128xi32, #tpu.memory_space<vmem>>
        %dma_wait3A_403 = arith.constant 0 : i32
        %dma_wait3A_404 = arith.constant 0 : i32
        %dma_wait3A_405 = tpu.memref_slice %arg2[%dma_wait3A_403, %dma_wait3A_404] : memref<10000x128xf32, #tpu.memory_space<hbm>> -> memref<10000x128xf32, #tpu.memory_space<hbm>>
        tpu.wait_indirect_dma semaphore(%arg14 : memref<!tpu.dma_semaphore, #tpu.memory_space<semaphore_mem>>) src(%dma_wait3A_405 : memref<10000x128xf32, #tpu.memory_space<hbm>>) dst(%dma_wait3A_399 : memref<128x128xf32, #tpu.memory_space<vmem>>)
        %mul3A_406 = arith.constant 128 : i32
        %mul3A_407 = arith.muli %add3A_259, %mul3A_406 : i32
        %add3A_408 = arith.constant 0 : i32
        %add3A_409 = arith.addi %mul3A_407, %add3A_408 : i32
        %get3A_410 = arith.index_cast %add3A_409 : i32 to index
        %get3A_411 = tpu.vector_load %arg6[%get3A_410] {strides = array<i32>} : memref<20480xi32, #tpu.memory_space<vmem>>, vector<16xi32>,
        %shift_right_arithmetic3A_412 = arith.constant 14 : i32
        %shift_right_arithmetic3A_413 = vector.broadcast %shift_right_arithmetic3A_412 : i32 to vector<16xi32>
        %shift_right_arithmetic3A_414 = arith.shrsi %get3A_411, %shift_right_arithmetic3A_413 : vector<16xi32>
        %swap3A_415 = arith.constant 0 : index
        %swap3A_416 = tpu.vector_load %arg8[%swap3A_415] {strides = array<i32>} : memref<128xi32, #tpu.memory_space<vmem>>, vector<16xi32>,
        tpu.vector_store %arg8[%swap3A_415], %shift_right_arithmetic3A_414 {strides = array<i32>} : memref<128xi32, #tpu.memory_space<vmem>>, vector<16xi32>,
        %mul3A_417 = arith.constant 128 : i32
        %mul3A_418 = arith.muli %add3A_259, %mul3A_417 : i32
        %add3A_419 = arith.constant 16 : i32
        %add3A_420 = arith.addi %mul3A_418, %add3A_419 : i32
        %get3A_421 = arith.index_cast %add3A_420 : i32 to index
        %get3A_422 = tpu.vector_load %arg6[%get3A_421] {strides = array<i32>} : memref<20480xi32, #tpu.memory_space<vmem>>, vector<16xi32>,
        %shift_right_arithmetic3A_423 = arith.constant 14 : i32
        %shift_right_arithmetic3A_424 = vector.broadcast %shift_right_arithmetic3A_423 : i32 to vector<16xi32>
        %shift_right_arithmetic3A_425 = arith.shrsi %get3A_422, %shift_right_arithmetic3A_424 : vector<16xi32>
        %swap3A_426 = arith.constant 16 : index
        %swap3A_427 = tpu.vector_load %arg8[%swap3A_426] {strides = array<i32>} : memref<128xi32, #tpu.memory_space<vmem>>, vector<16xi32>,
        tpu.vector_store %arg8[%swap3A_426], %shift_right_arithmetic3A_425 {strides = array<i32>} : memref<128xi32, #tpu.memory_space<vmem>>, vector<16xi32>,
        %mul3A_428 = arith.constant 128 : i32
        %mul3A_429 = arith.muli %add3A_259, %mul3A_428 : i32
        %add3A_430 = arith.constant 32 : i32
        %add3A_431 = arith.addi %mul3A_429, %add3A_430 : i32
        %get3A_432 = arith.index_cast %add3A_431 : i32 to index
        %get3A_433 = tpu.vector_load %arg6[%get3A_432] {strides = array<i32>} : memref<20480xi32, #tpu.memory_space<vmem>>, vector<16xi32>,
        %shift_right_arithmetic3A_434 = arith.constant 14 : i32
        %shift_right_arithmetic3A_435 = vector.broadcast %shift_right_arithmetic3A_434 : i32 to vector<16xi32>
        %shift_right_arithmetic3A_436 = arith.shrsi %get3A_433, %shift_right_arithmetic3A_435 : vector<16xi32>
        %swap3A_437 = arith.constant 32 : index
        %swap3A_438 = tpu.vector_load %arg8[%swap3A_437] {strides = array<i32>} : memref<128xi32, #tpu.memory_space<vmem>>, vector<16xi32>,
        tpu.vector_store %arg8[%swap3A_437], %shift_right_arithmetic3A_436 {strides = array<i32>} : memref<128xi32, #tpu.memory_space<vmem>>, vector<16xi32>,
        %mul3A_439 = arith.constant 128 : i32
        %mul3A_440 = arith.muli %add3A_259, %mul3A_439 : i32
        %add3A_441 = arith.constant 48 : i32
        %add3A_442 = arith.addi %mul3A_440, %add3A_441 : i32
        %get3A_443 = arith.index_cast %add3A_442 : i32 to index
        %get3A_444 = tpu.vector_load %arg6[%get3A_443] {strides = array<i32>} : memref<20480xi32, #tpu.memory_space<vmem>>, vector<16xi32>,
        %shift_right_arithmetic3A_445 = arith.constant 14 : i32
        %shift_right_arithmetic3A_446 = vector.broadcast %shift_right_arithmetic3A_445 : i32 to vector<16xi32>
        %shift_right_arithmetic3A_447 = arith.shrsi %get3A_444, %shift_right_arithmetic3A_446 : vector<16xi32>
        %swap3A_448 = arith.constant 48 : index
        %swap3A_449 = tpu.vector_load %arg8[%swap3A_448] {strides = array<i32>} : memref<128xi32, #tpu.memory_space<vmem>>, vector<16xi32>,
        tpu.vector_store %arg8[%swap3A_448], %shift_right_arithmetic3A_447 {strides = array<i32>} : memref<128xi32, #tpu.memory_space<vmem>>, vector<16xi32>,
        %mul3A_450 = arith.constant 128 : i32
        %mul3A_451 = arith.muli %add3A_259, %mul3A_450 : i32
        %add3A_452 = arith.constant 64 : i32
        %add3A_453 = arith.addi %mul3A_451, %add3A_452 : i32
        %get3A_454 = arith.index_cast %add3A_453 : i32 to index
        %get3A_455 = tpu.vector_load %arg6[%get3A_454] {strides = array<i32>} : memref<20480xi32, #tpu.memory_space<vmem>>, vector<16xi32>,
        %shift_right_arithmetic3A_456 = arith.constant 14 : i32
        %shift_right_arithmetic3A_457 = vector.broadcast %shift_right_arithmetic3A_456 : i32 to vector<16xi32>
        %shift_right_arithmetic3A_458 = arith.shrsi %get3A_455, %shift_right_arithmetic3A_457 : vector<16xi32>
        %swap3A_459 = arith.constant 64 : index
        %swap3A_460 = tpu.vector_load %arg8[%swap3A_459] {strides = array<i32>} : memref<128xi32, #tpu.memory_space<vmem>>, vector<16xi32>,
        tpu.vector_store %arg8[%swap3A_459], %shift_right_arithmetic3A_458 {strides = array<i32>} : memref<128xi32, #tpu.memory_space<vmem>>, vector<16xi32>,
        %mul3A_461 = arith.constant 128 : i32
        %mul3A_462 = arith.muli %add3A_259, %mul3A_461 : i32
        %add3A_463 = arith.constant 80 : i32
        %add3A_464 = arith.addi %mul3A_462, %add3A_463 : i32
        %get3A_465 = arith.index_cast %add3A_464 : i32 to index
        %get3A_466 = tpu.vector_load %arg6[%get3A_465] {strides = array<i32>} : memref<20480xi32, #tpu.memory_space<vmem>>, vector<16xi32>,
        %shift_right_arithmetic3A_467 = arith.constant 14 : i32
        %shift_right_arithmetic3A_468 = vector.broadcast %shift_right_arithmetic3A_467 : i32 to vector<16xi32>
        %shift_right_arithmetic3A_469 = arith.shrsi %get3A_466, %shift_right_arithmetic3A_468 : vector<16xi32>
        %swap3A_470 = arith.constant 80 : index
        %swap3A_471 = tpu.vector_load %arg8[%swap3A_470] {strides = array<i32>} : memref<128xi32, #tpu.memory_space<vmem>>, vector<16xi32>,
        tpu.vector_store %arg8[%swap3A_470], %shift_right_arithmetic3A_469 {strides = array<i32>} : memref<128xi32, #tpu.memory_space<vmem>>, vector<16xi32>,
        %mul3A_472 = arith.constant 128 : i32
        %mul3A_473 = arith.muli %add3A_259, %mul3A_472 : i32
        %add3A_474 = arith.constant 96 : i32
        %add3A_475 = arith.addi %mul3A_473, %add3A_474 : i32
        %get3A_476 = arith.index_cast %add3A_475 : i32 to index
        %get3A_477 = tpu.vector_load %arg6[%get3A_476] {strides = array<i32>} : memref<20480xi32, #tpu.memory_space<vmem>>, vector<16xi32>,
        %shift_right_arithmetic3A_478 = arith.constant 14 : i32
        %shift_right_arithmetic3A_479 = vector.broadcast %shift_right_arithmetic3A_478 : i32 to vector<16xi32>
        %shift_right_arithmetic3A_480 = arith.shrsi %get3A_477, %shift_right_arithmetic3A_479 : vector<16xi32>
        %swap3A_481 = arith.constant 96 : index
        %swap3A_482 = tpu.vector_load %arg8[%swap3A_481] {strides = array<i32>} : memref<128xi32, #tpu.memory_space<vmem>>, vector<16xi32>,
        tpu.vector_store %arg8[%swap3A_481], %shift_right_arithmetic3A_480 {strides = array<i32>} : memref<128xi32, #tpu.memory_space<vmem>>, vector<16xi32>,
        %mul3A_483 = arith.constant 128 : i32
        %mul3A_484 = arith.muli %add3A_259, %mul3A_483 : i32
        %add3A_485 = arith.constant 112 : i32
        %add3A_486 = arith.addi %mul3A_484, %add3A_485 : i32
        %get3A_487 = arith.index_cast %add3A_486 : i32 to index
        %get3A_488 = tpu.vector_load %arg6[%get3A_487] {strides = array<i32>} : memref<20480xi32, #tpu.memory_space<vmem>>, vector<16xi32>,
        %shift_right_arithmetic3A_489 = arith.constant 14 : i32
        %shift_right_arithmetic3A_490 = vector.broadcast %shift_right_arithmetic3A_489 : i32 to vector<16xi32>
        %shift_right_arithmetic3A_491 = arith.shrsi %get3A_488, %shift_right_arithmetic3A_490 : vector<16xi32>
        %swap3A_492 = arith.constant 112 : index
        %swap3A_493 = tpu.vector_load %arg8[%swap3A_492] {strides = array<i32>} : memref<128xi32, #tpu.memory_space<vmem>>, vector<16xi32>,
        tpu.vector_store %arg8[%swap3A_492], %shift_right_arithmetic3A_491 {strides = array<i32>} : memref<128xi32, #tpu.memory_space<vmem>>, vector<16xi32>,
        %run_scoped3A_494 = arith.constant 2 : i32
        "tpu.region"() ({
          %run_scoped3A_511 = tpu.sem_alloc : memref<!tpu.dma_semaphore, #tpu.memory_space<semaphore_mem>>
          %dma_start3A_512 = arith.constant 0 : i32
          %dma_start3A_513 = arith.constant 0 : i32
          %dma_start3A_514 = tpu.memref_slice %arg9[%run_scoped3A_494, %dma_start3A_512, %dma_start3A_513] : memref<3x128x128xf32, #tpu.memory_space<vmem>> -> memref<1x128x128xf32, #tpu.memory_space<vmem>>
          %dma_start3A_515 = tpu.memref_squeeze %dma_start3A_514 : memref<1x128x128xf32, #tpu.memory_space<vmem>> -> memref<128x128xf32, #tpu.memory_space<vmem>>
          %dma_start3A_516 = arith.constant 0 : i32
          %dma_start3A_517 = arith.constant 0 : i32
          %dma_start3A_518 = tpu.memref_slice %arg11[%dma_start3A_516, %dma_start3A_517] : memref<5120x128xf32, #tpu.memory_space<vmem_shared>> -> memref<5120x128xf32, #tpu.memory_space<vmem_shared>>
          tpu.enqueue_indirect_dma source(%dma_start3A_515 : memref<128x128xf32, #tpu.memory_space<vmem>>) target(%dma_start3A_518 : memref<5120x128xf32, #tpu.memory_space<vmem_shared>>) offsets(%arg8 : memref<128xi32, #tpu.memory_space<vmem>>) semaphore(%run_scoped3A_511 : memref<!tpu.dma_semaphore, #tpu.memory_space<semaphore_mem>>) {add = true}
          %dma_wait3A_519 = arith.constant 0 : i32
          %dma_wait3A_520 = arith.constant 0 : i32
          %dma_wait3A_521 = tpu.memref_slice %arg9[%run_scoped3A_494, %dma_wait3A_519, %dma_wait3A_520] : memref<3x128x128xf32, #tpu.memory_space<vmem>> -> memref<1x128x128xf32, #tpu.memory_space<vmem>>
          %dma_wait3A_522 = tpu.memref_squeeze %dma_wait3A_521 : memref<1x128x128xf32, #tpu.memory_space<vmem>> -> memref<128x128xf32, #tpu.memory_space<vmem>>
          %dma_wait3A_523 = arith.constant 0 : i32
          %dma_wait3A_524 = arith.constant 0 : i32
          %dma_wait3A_525 = tpu.memref_slice %arg11[%dma_wait3A_523, %dma_wait3A_524] : memref<5120x128xf32, #tpu.memory_space<vmem_shared>> -> memref<5120x128xf32, #tpu.memory_space<vmem_shared>>
          tpu.wait_indirect_dma semaphore(%run_scoped3A_511 : memref<!tpu.dma_semaphore, #tpu.memory_space<semaphore_mem>>) src(%dma_wait3A_522 : memref<128x128xf32, #tpu.memory_space<vmem>>) dst(%dma_wait3A_525 : memref<5120x128xf32, #tpu.memory_space<vmem_shared>>)
          tpu.yield
        }) : () -> ()
        %get3A_495 = arith.constant 0 : index
        %get3A_496 = tpu.vector_load %arg8[%get3A_495] {strides = array<i32>} : memref<128xi32, #tpu.memory_space<vmem>>, vector<16xi32>,
        tpu.vector_store_idx %arg10[%get3A_496], %broadcast_in_dim3A_5 {add = true} : memref<5120xf32, #tpu.memory_space<vmem>>[vector<16xi32>], vector<16xf32>,
        %get3A_497 = arith.constant 16 : index
        %get3A_498 = tpu.vector_load %arg8[%get3A_497] {strides = array<i32>} : memref<128xi32, #tpu.memory_space<vmem>>, vector<16xi32>,
        tpu.vector_store_idx %arg10[%get3A_498], %broadcast_in_dim3A_5 {add = true} : memref<5120xf32, #tpu.memory_space<vmem>>[vector<16xi32>], vector<16xf32>,
        %get3A_499 = arith.constant 32 : index
        %get3A_500 = tpu.vector_load %arg8[%get3A_499] {strides = array<i32>} : memref<128xi32, #tpu.memory_space<vmem>>, vector<16xi32>,
        tpu.vector_store_idx %arg10[%get3A_500], %broadcast_in_dim3A_5 {add = true} : memref<5120xf32, #tpu.memory_space<vmem>>[vector<16xi32>], vector<16xf32>,
        %get3A_501 = arith.constant 48 : index
        %get3A_502 = tpu.vector_load %arg8[%get3A_501] {strides = array<i32>} : memref<128xi32, #tpu.memory_space<vmem>>, vector<16xi32>,
        tpu.vector_store_idx %arg10[%get3A_502], %broadcast_in_dim3A_5 {add = true} : memref<5120xf32, #tpu.memory_space<vmem>>[vector<16xi32>], vector<16xf32>,
        %get3A_503 = arith.constant 64 : index
        %get3A_504 = tpu.vector_load %arg8[%get3A_503] {strides = array<i32>} : memref<128xi32, #tpu.memory_space<vmem>>, vector<16xi32>,
        tpu.vector_store_idx %arg10[%get3A_504], %broadcast_in_dim3A_5 {add = true} : memref<5120xf32, #tpu.memory_space<vmem>>[vector<16xi32>], vector<16xf32>,
        %get3A_505 = arith.constant 80 : index
        %get3A_506 = tpu.vector_load %arg8[%get3A_505] {strides = array<i32>} : memref<128xi32, #tpu.memory_space<vmem>>, vector<16xi32>,
        tpu.vector_store_idx %arg10[%get3A_506], %broadcast_in_dim3A_5 {add = true} : memref<5120xf32, #tpu.memory_space<vmem>>[vector<16xi32>], vector<16xf32>,
        %get3A_507 = arith.constant 96 : index
        %get3A_508 = tpu.vector_load %arg8[%get3A_507] {strides = array<i32>} : memref<128xi32, #tpu.memory_space<vmem>>, vector<16xi32>,
        tpu.vector_store_idx %arg10[%get3A_508], %broadcast_in_dim3A_5 {add = true} : memref<5120xf32, #tpu.memory_space<vmem>>[vector<16xi32>], vector<16xf32>,
        %get3A_509 = arith.constant 112 : index
        %get3A_510 = tpu.vector_load %arg8[%get3A_509] {strides = array<i32>} : memref<128xi32, #tpu.memory_space<vmem>>, vector<16xi32>,
        tpu.vector_store_idx %arg10[%get3A_510], %broadcast_in_dim3A_5 {add = true} : memref<5120xf32, #tpu.memory_space<vmem>>[vector<16xi32>], vector<16xf32>,
      } else {
      }
    }
    %barrier3A_247 = arith.constant 0 : index
    tpu.barrier barrier_id(%barrier3A_247)
    %mul3A_248 = arith.constant 16 : i32
    %mul3A_249 = arith.muli %arg0, %mul3A_248 : i32
    %add3A_250 = arith.addi %mul3A_249, %arg1 : i32
    %mul3A_251 = arith.constant 5120 : i32
    %mul3A_252 = arith.muli %add3A_250, %mul3A_251 : i32
    "tpu.region"() ({
      %run_scoped3A_253 = tpu.sem_alloc : memref<!tpu.dma_semaphore, #tpu.memory_space<semaphore_mem>>
      %dma_start3A_254 = tpu.memref_slice %arg5[%mul3A_252] : memref<163840xf32, #tpu.memory_space<hbm>> -> memref<5120xf32, #tpu.memory_space<hbm>>
      %dma_start3A_255 = tpu.memref_slice %arg5[%mul3A_252] : memref<163840xf32, #tpu.memory_space<hbm>> -> memref<5120xf32, #tpu.memory_space<hbm>>
      tpu.enqueue_dma source(%arg10 : memref<5120xf32, #tpu.memory_space<vmem>>) target(%dma_start3A_255 : memref<5120xf32, #tpu.memory_space<hbm>>) target_semaphore(%run_scoped3A_253 : memref<!tpu.dma_semaphore, #tpu.memory_space<semaphore_mem>>)
      %dma_wait3A = tpu.memref_slice %arg5[%mul3A_252] : memref<163840xf32, #tpu.memory_space<hbm>> -> memref<5120xf32, #tpu.memory_space<hbm>>
      %dma_wait3A_256 = tpu.memref_slice %arg5[%mul3A_252] : memref<163840xf32, #tpu.memory_space<hbm>> -> memref<5120xf32, #tpu.memory_space<hbm>>
      tpu.wait_dma2 semaphore(%run_scoped3A_253 : memref<!tpu.dma_semaphore, #tpu.memory_space<semaphore_mem>>) src(%arg10 : memref<5120xf32, #tpu.memory_space<vmem>>) dst(%dma_wait3A_256 : memref<5120xf32, #tpu.memory_space<hbm>>)
      tpu.yield
    }) : () -> ()
    "tpu.region"() ({
      %run_scoped3A_253 = tpu.sem_alloc : memref<!tpu.dma_semaphore, #tpu.memory_space<semaphore_mem>>
      %dma_start3A_254 = arith.constant 0 : i32
      %dma_start3A_255 = tpu.memref_slice %arg4[%arg0, %mul3A_0, %dma_start3A_254] : memref<2x5120x128xf32, #tpu.memory_space<hbm>> -> memref<1x320x128xf32, #tpu.memory_space<hbm>>
      %dma_start3A_256 = tpu.memref_squeeze %dma_start3A_255 : memref<1x320x128xf32, #tpu.memory_space<hbm>> -> memref<320x128xf32, #tpu.memory_space<hbm>>
      %dma_start3A_257 = arith.constant 0 : i32
      %dma_start3A_258 = tpu.memref_slice %arg11[%mul3A_0, %dma_start3A_257] : memref<5120x128xf32, #tpu.memory_space<vmem_shared>> -> memref<320x128xf32, #tpu.memory_space<vmem_shared>>
      tpu.enqueue_dma source(%dma_start3A_258 : memref<320x128xf32, #tpu.memory_space<vmem_shared>>) target(%dma_start3A_256 : memref<320x128xf32, #tpu.memory_space<hbm>>) target_semaphore(%run_scoped3A_253 : memref<!tpu.dma_semaphore, #tpu.memory_space<semaphore_mem>>)
      %dma_wait3A = arith.constant 0 : i32
      %dma_wait3A_259 = tpu.memref_slice %arg4[%arg0, %mul3A_0, %dma_wait3A] : memref<2x5120x128xf32, #tpu.memory_space<hbm>> -> memref<1x320x128xf32, #tpu.memory_space<hbm>>
      %dma_wait3A_260 = tpu.memref_squeeze %dma_wait3A_259 : memref<1x320x128xf32, #tpu.memory_space<hbm>> -> memref<320x128xf32, #tpu.memory_space<hbm>>
      %dma_wait3A_261 = arith.constant 0 : i32
      %dma_wait3A_262 = tpu.memref_slice %arg11[%mul3A_0, %dma_wait3A_261] : memref<5120x128xf32, #tpu.memory_space<vmem_shared>> -> memref<320x128xf32, #tpu.memory_space<vmem_shared>>
      tpu.wait_dma2 semaphore(%run_scoped3A_253 : memref<!tpu.dma_semaphore, #tpu.memory_space<semaphore_mem>>) src(%dma_wait3A_262 : memref<320x128xf32, #tpu.memory_space<vmem_shared>>) dst(%dma_wait3A_260 : memref<320x128xf32, #tpu.memory_space<hbm>>)
      tpu.yield
    }) : () -> ()
    return
  }
}

</mosaic_0001>

<sc_bundles>
// kernel: _sc_scatter.3.cloned.1.call-start
scs
__scs_entry_jumppad:
0x0: {  	(pc) =	sbr.rel $0x88, $3  }
0x1: {  	(tag) =	ssettag $0x0;
	lr =	simm.s32 $0x1  }
0x2: {  	[smem:$0x3F9F] =	sst lr;
	_ =	strace $0xD0000000  }
0x3: {  	_ = 	snop  }
0x4: {  	_ = 	snop  }
0x5: {  	_ = 	snop  }
0x6: {  	_ = 	snop  }
0x7: {  	_ = 	snop  }
__scs_overlays_trampoline_lowered:
0x8: {  	[smem:$0x3FAE] =	sst s0  }
0x9: {  	[smem:$0x3FAF] =	sst s1  }
0xa: {  	[smem:$0x3FB0] =	sst s2  }
0xb: {  	[smem:$0x3FB1] =	sst s3  }
0xc: {  	[smem:$0x3FB2] =	sst s4  }
0xd: {  	[smem:$0x3FB3] =	sst s5  }
0xe: {  	[smem:$0x3FB4] =	sst s6  }
0xf: {  	[smem:$0x3FB5] =	sst s7  }
0x10: {  	[smem:$0x3FB6] =	sst s8  }
0x11: {  	[smem:$0x3FB7] =	sst s9;
	s0 =	simm.s32 @!p0 $0x0  }
0x12: {  	s1 =	sld [smem:$0x3F9D];
	s0 =	simm.s32 @p0 $0x1  }
0x13: {  	[smem:$0x3FB8] =	sst s0;
	s0 =	simm.s32 @!p1 $0x0  }
0x14: {  	s2 =	sld [smem:$0x3F9C];
	s0 =	simm.s32 @p1 $0x1  }
0x15: {  	[smem:$0x3FB9] =	sst s0;
	s0 =	simm.s32 @!p2 $0x0  }
0x16: {  	s3 =	sld [smem:$0x3FDB];
	s0 =	simm.s32 @p2 $0x1  }
0x17: {  	s4 =	simm.s32 $0x1BF5;
	[smem:$0x3FBB] =	sst s0  }
0x18: {  	s0 =	sld [smem:$0x3F9E];
	_ =	swait.ge [sflag:s4], $0x0  }
0x19: {  	s7 =	sld [smem:$0x3F9F]  }
0x1a: {  	s8 =	sadd.s32 $0xFFFFE003, lr  }
0x1b: {  	s9 =	sadd.s32 $0xFFFFFEF7, lr;
	s5 =	simm.s32 $0xFFFFFFFF;
	p2 =	slt.u32 s8, $0xFFFFF086  }
0x1c: {  	p1 =	slt.u32 s9, $0xF7A;
	s5 =	simm.s32 @!p2 $0x0  }
0x1d: {  	s5 =	simm.s32 @p1 $0x1;
	p0 =	seq.s32 s7, s2  }
0x1e: {  	s7 =	smul.u32 @!p0 $0xF7A, s2;
	p2 =	seq.s32 @!p0 s5, $0x0  }
0x1f: {  	s9 =	smul.u32 $0xF7A, s1;
	s8 =	simm.s32 @!p0 $0x1BF5;
	p2 =	por !p2, p0  }
0x20: {  	[sflag:s8] =	ssyncset.s32 @!p0 $0xFFFFF086;
	s6 =	sadd.s32 @!p0 s3, s7;
	s7 =	simm.s32 @!p0 $0x108  }
0x21: {  	s3 =	sadd.s32 s3, s9;
	s6 =	sadd.s32 @!p0 $0x88, s6;
	s7 =	simm.s32 @p2 $0x1082  }
0x22: {  	[simem:s7], [sflag:s8] =	dma.local @!p0 [hbm:s6], $0xF7A  }
0x23: {  	s9 =	sor.u32 $0xD0000000, s2;
	s6 =	simm.s32 $0x108;
	_ =	swait.ge @!p0 [sflag:s8], $0x0  }
0x24: {  	s3 =	sadd.s32 $0x88, s3;
	s6 =	simm.s32 @!p1 $0x1082;
	[sflag:s4] =	ssyncset.s32 $0xFFFFF086  }
0x25: {  	[simem:s6], [sflag:s4] =	dma.local [hbm:s3], $0xF7A  }
0x26: {  	[smem:$0x3F9F] =	sst s1;
	(tag) =	ssettag s2;
	_ =	strace s9  }
0x27: {  	s1 =	sld [smem:$0x3FAF]  }
0x28: {  	s2 =	sld [smem:$0x3FB0]  }
0x29: {  	s4 =	sld [smem:$0x3FB2]  }
0x2a: {  	p0 =	seq.s32 s5, $0x0;
	s5 =	sld [smem:$0x3FB3]  }
0x2b: {  	s6 =	sld [smem:$0x3FB4]  }
0x2c: {  	s7 =	sld [smem:$0x3FB5]  }
0x2d: {  	s3 =	simm.s32 $0x108;
	s8 =	sld [smem:$0x3FB6]  }
0x2e: {  	s3 =	simm.s32 @!p0 $0x1082;
	s9 =	sld [smem:$0x3FB7]  }
0x2f: {  	lr =	sadd.s32 s0, s3;
	s0 =	sld [smem:$0x3FAE]  }
0x30: {  	s3 =	sld [smem:$0x3FB1]  }
0x31: {  	[smem:$0x3FBA] =	sst s10  }
0x32: {  	s10 =	sld [smem:$0x3FB8];
	_ =	sdelay $0x3  }
0x33: {  	p0 =	seq.s32 s10, $0x1;
	s10 =	sld [smem:$0x3FBA];
	_ =	sdelay $0x3  }
0x34: {  	[smem:$0x3FBA] =	sst s10  }
0x35: {  	s10 =	sld [smem:$0x3FB9];
	_ =	sdelay $0x3  }
0x36: {  	p1 =	seq.s32 s10, $0x1;
	s10 =	sld [smem:$0x3FBA];
	_ =	sdelay $0x3  }
0x37: {  	[smem:$0x3FBA] =	sst s10  }
0x38: {  	s10 =	sld [smem:$0x3FBB]  }
0x39: {  	_ = 	snop;
	(pc) =	sbr.ind lr, $3  }
0x3a: {  	_ = 	snop  }
0x3b: {  	_ = 	snop  }
0x3c: {  	p2 =	seq.s32 s10, $0x1;
	s10 =	sld [smem:$0x3FBA]  }
0x3d: {  	_ =	shalt  }
0x3e: {  	_ =	shalt  }
0x3f: {  	_ =	shalt  }
0x40: {  	_ =	shalt  }
0x41: {  	_ =	shalt  }
0x42: {  	_ =	shalt  }
0x43: {  	_ =	shalt  }
0x44: {  	_ =	shalt  }
0x45: {  	_ =	shalt  }
0x46: {  	_ =	shalt  }
0x47: {  	_ =	shalt  }
0x48: {  	_ =	shalt  }
0x49: {  	_ =	shalt  }
0x4a: {  	_ =	shalt  }
0x4b: {  	_ =	shalt  }
0x4c: {  	_ =	shalt  }
0x4d: {  	_ =	shalt  }
0x4e: {  	_ =	shalt  }
0x4f: {  	_ =	shalt  }
0x50: {  	_ =	shalt  }
0x51: {  	_ =	shalt  }
0x52: {  	_ =	shalt  }
0x53: {  	_ =	shalt  }
0x54: {  	_ =	shalt  }
0x55: {  	_ =	shalt  }
0x56: {  	_ =	shalt  }
0x57: {  	_ =	shalt  }
0x58: {  	_ =	shalt  }
0x59: {  	_ =	shalt  }
0x5a: {  	_ =	shalt  }
0x5b: {  	_ =	shalt  }
0x5c: {  	_ =	shalt  }
0x5d: {  	_ =	shalt  }
0x5e: {  	_ =	shalt  }
0x5f: {  	_ =	shalt  }
0x60: {  	_ =	shalt  }
0x61: {  	_ =	shalt  }
0x62: {  	_ =	shalt  }
0x63: {  	_ =	shalt  }
0x64: {  	_ =	shalt  }
0x65: {  	_ =	shalt  }
0x66: {  	_ =	shalt  }
0x67: {  	_ =	shalt  }
0x68: {  	_ =	shalt  }
0x69: {  	_ =	shalt  }
0x6a: {  	_ =	shalt  }
0x6b: {  	_ =	shalt  }
0x6c: {  	_ =	shalt  }
0x6d: {  	_ =	shalt  }
0x6e: {  	_ =	shalt  }
0x6f: {  	_ =	shalt  }
0x70: {  	_ =	shalt  }
0x71: {  	_ =	shalt  }
0x72: {  	_ =	shalt  }
0x73: {  	_ =	shalt  }
0x74: {  	_ =	shalt  }
0x75: {  	_ =	shalt  }
0x76: {  	_ =	shalt  }
0x77: {  	_ =	shalt  }
0x78: {  	_ =	shalt  }
0x79: {  	_ =	shalt  }
0x7a: {  	_ =	shalt  }
0x7b: {  	_ =	shalt  }
0x7c: {  	_ =	shalt  }
0x7d: {  	_ =	shalt  }
0x7e: {  	_ =	shalt  }
0x7f: {  	_ =	shalt  }
0x80: {  	_ =	shalt  }
0x81: {  	_ =	shalt  }
0x82: {  	_ =	shalt  }
0x83: {  	_ =	shalt  }
0x84: {  	_ =	shalt  }
0x85: {  	_ =	shalt  }
0x86: {  	_ =	shalt  }
0x87: {  	_ =	shalt  }
.Lfunc_end0:
.L_simem_size_0:
called_computation_lowered:
.L_overlay_start_0:
0x88: {  	s2 =	sld [smem:$0x3FD9]  }
0x89: {  	s3 =	sld [smem:$0x3FFE];
	_ =	sdelay $0x1  }
0x8a: {  	s1 =	srdreg.scid  }
0x8b: {  	s0 =	sand.u32 $0x1, s1  }
0x8c: {  	s15 =	sshll.u32 s0, $0xA;
	s2 =	sadd.s32 s3, s2  }
0x8d: {  	s2 =	sadd.s32 s2, s15  }
0x8e: {  	[smem:$0x3FC6] =	sst s2  }
0x8f: {  	_ = 	snop  }
0x90: {  	s2 =	sld [smem:$0x3FD0];
	_ =	sdelay $0x1  }
0x91: {  	s16 =	sld [smem:$0x3FC9]  }
0x92: {  	s5 =	simm.s32 $0xA;
	s6 =	simm.s32 $0x10;
	s4 =	sld [smem:$0x3FC8]  }
0x93: {  	[smem:s6], [sflag:s5] =	dma.local [hbm:s2], $0x1  }
0x94: {  	_ =	swait.eq [sflag:s5], $0x1  }
0x95: {  	[sflag:s5] =	ssyncset.done $0x0  }
0x96: {  	s17 =	sld [smem:$0x10];
	[sflag:s5] =	ssyncadd.s32 $0xFFFFFFFF  }
0x97: {  	s18 =	sld [smem:$0x11];
	(tm) =	ssettm $0x1  }
0x98: {  	s19 =	sld [smem:$0x3FFB];
	_ =	sdelay $0x3  }
0x99: {  	_ =	strace s19  }
0x9a: {  	s6 =	sld [smem:$0x3FFC];
	_ =	sdelay $0x3  }
0x9b: {  	_ =	strace s6  }
0x9c: {  	s6 =	sld [smem:$0x3FFD];
	_ =	sdelay $0x3  }
0x9d: {  	_ =	strace s6  }
0x9e: {  	_ =	strace $0x8FFFFFFF  }
0x9f: {  	s20 =	sld [smem:$0x3FDB];
	_ =	sdelay $0x1  }
0xa0: {  	s7 =	simm.s32 $_scs_section_size  }
0xa1: {  	s8 =	simm.s32 $_size__tile_overlayer_lowered;
	s9 =	simm.s32 $_tile_overlayer_lowered  }
0xa2: {  	s23 =	simm.s32 $0x1BFF;
	s22 =	sshll.u32 s9, $0x1;
	s6 =	sadd.s32 s7, s20  }
0xa3: {  	s10 =	simm.s32 $0x0;
	s21 =	sshll.u32 s8, $0x1;
	s8 =	sadd.s32 s22, s6  }
0xa4: {  	[timem:s10], [sflag:s23] =	dma.local [hbm:s8], s21  }
0xa5: {  	_ =	swait.ge [sflag:s23], s21  }
0xa6: {  	s7 =	ssub.s32 $0x0, s21;
	[sflag:s23] =	ssyncset.done $0x0  }
0xa7: {  	[sflag:s23] =	ssyncadd.s32 s7;
	_ =	sdelay $0x1  }
0xa8: {  	s24 =	simm.s32 $0x1B8B  }
0xa9: {  	_ =	swait.ge [sflag:s24], $0x1  }
0xaa: {  	[sflag:s24] =	ssyncset.done $0x0  }
0xab: {  	s25 =	simm.s32 $0x1B8E;
	[sflag:s24] =	ssyncadd.s32 $0xFFFFFFFF  }
0xac: {  	s26 =	simm.s32 $execute0_lowered;
	[smem:$0x3FD2] =	sst s25  }
0xad: {  	s7 =	sshll.u32 s26, $0x1;
	_ =	strace $0x80000046;
	[dreg:$0x1] =	wrdreg $0xFFFFFFFF  }
0xae: {  	s28 =	simm.s32 $_size_execute0_lowered;
	s6 =	sadd.s32 s6, s7;
	[dreg:$0x0] =	wrdreg $0x0  }
0xaf: {  	s7 =	sshll.u32 s28, $0x1;
	[dreg:$0x2] =	wrdreg s6  }
0xb0: {  	[dreg:$0x3] =	wrdreg s7  }
0xb1: {  	[dreg:$0x4] =	wrdreg $0xC0  }
0xb2: {  	_ =	task [dreg:s10], $0x5FFFF  }
0xb3: {  	[dreg:$0x1] =	wrdreg $0xFFFFFFFF  }
0xb4: {  	[dreg:$0x0] =	wrdreg $0x60  }
0xb5: {  	[dreg:$0x2] =	wrdreg s16  }
0xb6: {  	[dreg:$0x3] =	wrdreg s4  }
0xb7: {  	[dreg:$0x4] =	wrdreg s17  }
0xb8: {  	[dreg:$0x5] =	wrdreg s18  }
0xb9: {  	[dreg:$0x6] =	wrdreg $0x126800  }
0xba: {  	[dreg:$0x7] =	wrdreg $0x9  }
0xbb: {  	_ =	task.clear_ibuf [dreg:s10], $0x8FFFF;
	_ =	strace $0x90000046  }
0xbc: {  	s29 =	simm.s32 $0x9;
	_ =	strace $0x80000048  }
0xbd: {  	_ =	swait.ge [sflag:s29], $0x1  }
0xbe: {  	[sflag:s29] =	ssyncadd.s32 $0xFFFFFFFF  }
0xbf: {  	_ =	strace $0x90000048  }
0xc0: {  	_ =	sfence  }
0xc1: {  	s30 =	sld [smem:$0x0];
	_ =	sdelay $0x2  }
0xc2: {  	s31 =	sshll.u32 s1, $0xD;
	s1 =	sshrl.u32 s1, $0x2  }
0xc3: {  	s3 =	sand.u32 $0x4000, s31;
	s1 =	sadd.s32 s1, s30  }
0xc4: {  	s0 =	sor.u32 s3, s0;
	s1 =	sshll.u32 s1, $0x11  }
0xc5: {  	s0 =	sor.u32 s1, s0  }
0xc6: {  	s0 =	sadd.s32 $0x8F2B, s0  }
0xc7: {  	[sflag:s0] =	ssyncadd.remote.s32 $0x1  }
0xc8: {  	_ =	sfence.sel $0xFFFF  }
0xc9: {  	[dreg:$0x0] =	wrdreg $0xFFFFFFFF;
	(pc) =	sbr.abs _section_cstart, $3  }
0xca: {  	[dreg:$0x1] =	wrdreg $0xFFFFFFFF  }
0xcb: {  	_ =	task.clear_ibuf [dreg:s10], $0x2FFFF;
	_ =	strace $0x9FFFFFFF  }
0xcc: {  	(tm) =	ssettm $0x7FFFFFFF  }
0xcd: {  	_ =	shalt  }
tec
execute0_lowered:
.L_overlay_start_1:
0x0: {  	(tag) =	ssettag $0x1  }
0x1: {  	s1 =	rddreg [dreg:$0x0]  }
0x2: {  	s5 =	rddreg [dreg:$0x1]  }
0x3: {  	s10 =	rddreg [dreg:$0x2]  }
0x4: {  	s9 =	rddreg [dreg:$0x3]  }
0x5: {  	s3 =	rddreg [dreg:$0x4]  }
0x6: {  	s6 =	srdreg.scid;
	s2 =	stileid.u32;
	s4 =	simm.s32 $0x0  }
0x7: {  	s17 =	simm.s32 $0x5200;
	s18 =	simm.s32 $0x11280;
	s7 =	smul.u32 $0x9D0, s2  }
0x8: {  	s19 =	simm.s32 $0x2;
	s20 =	simm.s32 $0x9280;
	s11 =	smul.u32 $0x28000, s2  }
0x9: {  	s21 =	simm.s32 $0x0;
	s6 =	sand.u32 $0x1, s6;
	s31 =	smul.u32 $0xA000, s2  }
0xa: {  	[smem:$0x7FF] =	sst s4;
	s8 =	ssub.s32 $0x2, s6;
	s13 =	smul.u32 $0x1388, s6  }
0xb: {  	_ =	strace $0x80000047;
	s29 =	sshll.u32 s6, $0x4;
	s14 =	smul.u32 $0xA0000, s6  }
0xc: {  	s12 =	sshrl.u32 s8, $0x1;
	s30 =	sshrl.u32 s11, $0x2;
	s5 =	sadd.s32 s5, s7  }
0xd: {  	s12 =	ssub.s32 s8, s12;
	s8 =	sor.u32 s2, s29;
	s6 =	sadd.s32 s30, s3  }
.Ltmp0:
0xe: {  	s11 =	sadd.s32 s31, s14;
	s16 =	sor.u32 $0x1, s13;
	(pc) =	sbr.rel .LBB2_1-.Ltmp0, $4  }
0xf: {  	s13 =	simm.s32 $0x5280;
	s14 =	simm.s32 $0x1;
	s15 =	smul.u32 $0x280, s8  }
0x10: {  	s7 =	sadd.s32 $0x4000, s6;
	s8 =	sadd.s32 $0x8000, s6;
	s11 =	sshrl.u32 s11, $0x3  }
0x11: {  	v1 =	vimm.f32 $0.0e+00;
	v2 =	vlaneseq.u32;
	v0 =	vmov s16;
	s16 =	simm.s32 $0x5000;
	s10 =	sadd.s32 s10, s11;
	s11 =	smax.u32 s12, $0x1  }
0x12: {  	v3 =	vimm.s32 $0x4E20000;
	v4 =	vimm.f32 $1.000000000e+00;
	v2 =	vadd.s32 $0x1, v2;
	s12 =	simm.s32 $0x4;
	s9 =	sadd.s32 s9, s15;
	s15 =	simm.s32 $0x80  }
.LBB2_11:
0x13: {  	[bflag:$0x0] =	sbarrier.arrive $0xFFFF  }
0x14: {  	[hbm4b:s9+s4] =	stream.linear.scatter [tilespmem:s18], [sflag:$0x4], $0x1400, $0x38;
	[tilespmem:$0x1C680] =	vst v63  }
0x15: {  	s0 =	sshll.u32 s2, $0x6;
	s21 =	sadd.s32 $0x1, s21;
	_ =	swait.ge [sflag:s12], $0x1400  }
0x16: {  	s22 =	sshrl.u32 s6, $0x3;
	p0 =	sne.s32 s21, s11;
	[sflag:s12] =	ssyncset.done $0x0  }
.Ltmp1:
0x17: {  	s0 =	sor.u32 $0x1C04, s0;
	[sflag:s12] =	ssyncadd.s32 $0xFFFFEC00;
	(pc) =	sbr.rel @!p0 .LBB2_12-.Ltmp1, $4  }
0x18: {  	[hbm:s10], [sflag:s0] =	dma.local [spmem:s22], $0x1400  }
0x19: {  	_ =	swait.ge [sflag:s12], $0x1400  }
0x1a: {  	[sflag:s12] =	ssyncset.done $0x0  }
0x1b: {  	[sflag:s12] =	ssyncadd.s32 $0xFFFFEC00  }
.LBB2_1:
0x1c: {  	[tilespmem:s4], [sflag:$0x4] =	stream.linear.gather [hbm4b:s5+s4], $0x4E80, $0x38;
	[tilespmem:$0x1C680] =	vst v63  }
0x1d: {  	_ =	swait.ge [sflag:s12], $0x4E80  }
0x1e: {  	[sflag:s12] =	ssyncset.done $0x0  }
0x1f: {  	s22 =	simm.s32 $0x0;
	s23 =	simm.s32 $0x200;
	[sflag:s12] =	ssyncadd.s32 $0xFFFFB180  }
.LBB2_2:
0x20: {  	p0 =	sne.s32 s23, $0xFE00;
	[tilespmem:s22+$0x52F0] =	vst v1  }
0x21: {  	[tilespmem:s22+$0x5280] =	vst v1  }
0x22: {  	[tilespmem:s22+$0x5290] =	vst v1  }
.Ltmp2:
0x23: {  	[tilespmem:s22+$0x52A0] =	vst v1;
	(pc) =	sbr.rel @p0 .LBB2_2-.Ltmp2, $4  }
0x24: {  	[tilespmem:s22+$0x52B0] =	vst v1  }
0x25: {  	[tilespmem:s22+$0x52C0] =	vst v1  }
0x26: {  	[tilespmem:s22+$0x52D0] =	vst v1  }
0x27: {  	[tilespmem:s22+$0x52E0] =	vst v1;
	s22 =	sshra.s32 s23, $0x2;
	s23 =	sadd.s32 $0x200, s23  }
0x28: {  	[tilespmem:s22+$0x52F0] =	vst v1  }
0x29: {  	[tilespmem:s22+$0x5280] =	vst v1  }
0x2a: {  	[tilespmem:s22+$0x5290] =	vst v1  }
0x2b: {  	[tilespmem:s22+$0x52A0] =	vst v1  }
0x2c: {  	[tilespmem:s22+$0x52B0] =	vst v1  }
0x2d: {  	[tilespmem:s22+$0x52C0] =	vst v1  }
0x2e: {  	[tilespmem:s22+$0x52D0] =	vst v1  }
0x2f: {  	[tilespmem:s22+$0x52E0] =	vst v1;
	s22 =	simm.s32 $0x40;
	s23 =	simm.s32 $0x0  }
.LBB2_4:
0x30: {  	p0 =	sne.s32 s22, $0x4FC0;
	[tilespmem:s23+$0x11280] =	vst v1;
	s23 =	smov.u32 s22;
	s22 =	sadd.s32 $0x40, s22  }
.Ltmp3:
0x31: {  	(pc) =	sbr.rel @p0 .LBB2_4-.Ltmp3, $2  }
0x32: {  	_ =	sdelay $0x2  }
0x33: {  	s23 =	sshra.s32 s23, $0x2  }
0x34: {  	[tilespmem:s23+$0x11280] =	vst v1  }
0x35: {  	[spmem:s6] =	stream.linear.scatter [tilespmem:s13], [sflag:$0x4], $0x4000, $0x38;
	[tilespmem:$0x1C680] =	vst v63  }
0x36: {  	_ =	swait.ge [sflag:s12], $0x4000  }
0x37: {  	[sflag:s12] =	ssyncset.done $0x0  }
0x38: {  	[sflag:s12] =	ssyncadd.s32 $0xFFFFC000  }
0x39: {  	[spmem:s7] =	stream.linear.scatter [tilespmem:s13], [sflag:$0x4], $0x4000, $0x38;
	[tilespmem:$0x1C680] =	vst v63  }
0x3a: {  	_ =	swait.ge [sflag:s12], $0x4000  }
0x3b: {  	[sflag:s12] =	ssyncset.done $0x0  }
0x3c: {  	[sflag:s12] =	ssyncadd.s32 $0xFFFFC000  }
0x3d: {  	[spmem:s8] =	stream.linear.scatter [tilespmem:s13], [sflag:$0x4], $0x2000, $0x38;
	[tilespmem:$0x1C680] =	vst v63  }
0x3e: {  	_ =	swait.ge [sflag:s12], $0x2000  }
0x3f: {  	[sflag:s12] =	ssyncset.done $0x0  }
0x40: {  	[sflag:s12] =	ssyncadd.s32 $0xFFFFE000  }
0x41: {  	s22 =	simm.s32 $0x0;
	[bflag:$0x0] =	sbarrier.arrive $0xFFFF  }
0x42: {  	v5 =	vld [tilespmem:s22+$0x0];
	_ =	sdelay $0x4  }
0x43: {  	v6 =	vshra.s32 v5, $0xE  }
0x44: {  	v6 =	vsub.s32 v6, v0  }
0x45: {  	v5 =	vand.u32 $0x3FFF, v5;
	vm0 =	vlt.u32 v6, $0x1388;
	v6 =	vshll.u32 v6, $0xE  }
0x46: {  	s30 =	simm.s32 $0x0;
	v5 =	vor.u32 v5, v6;
	v6 =	vmpcnt.ones.xlane vm0  }
0x47: {  	[tilespmem:s30+$0x0] =	vst.msk vm0, v5  }
0x48: {  	v5 =	vld [tilespmem:s22+$0x10];
	(v2sf) =	vpush v6, $0x0;
	_ =	sdelay $0x4  }
0x49: {  	v6 =	vshra.s32 v5, $0xE  }
0x4a: {  	v6 =	vsub.s32 v6, v0  }
0x4b: {  	vm0 =	vlt.u32 v6, $0x1388  }
0x4c: {  	v7 =	vmpcnt.ones.xlane vm0;
	_ =	sdelay $0x1  }
0x4d: {  	(v2sf) =	vpush v7, $0x0;
	_ =	sdelay $0x4  }
0x4e: {  	v5 =	vand.u32 $0x3FFF, v5;
	v6 =	vshll.u32 v6, $0xE;
	s31 =	spop (v2sf)  }
0x4f: {  	v5 =	vor.u32 v5, v6;
	s24 =	sadd.s32 $0x0, s31  }
0x50: {  	s23 =	simm.s32 $0x20;
	[tilespmem:s24+$0x0] =	vst.msk vm0, v5  }
0x51: {  	v5 =	vld [tilespmem:s23+$0x0];
	_ =	sdelay $0x4  }
0x52: {  	v6 =	vshra.s32 v5, $0xE  }
0x53: {  	v6 =	vsub.s32 v6, v0  }
0x54: {  	s22 =	simm.s32 $0x100;
	v5 =	vand.u32 $0x3FFF, v5;
	vm0 =	vlt.u32 v6, $0x1388;
	v6 =	vshll.u32 v6, $0xE;
	s25 =	spop (v2sf)  }
.LBB2_6:
0x55: {  	p0 =	sne.s32 s22, $0x13980  }
0x56: {  	v5 =	vor.u32 v5, v6;
	v6 =	vmpcnt.ones.xlane vm0;
	s24 =	sadd.s32 s24, s25;
	s25 =	smov.u32 s22;
	s22 =	sadd.s32 $0x80, s22  }
0x57: {  	[tilespmem:s24+$0x0] =	vst.msk vm0, v5  }
0x58: {  	v5 =	vld [tilespmem:s23+$0x10];
	(v2sf) =	vpush v6, $0x0;
	_ =	sdelay $0x4  }
0x59: {  	v6 =	vshra.s32 v5, $0xE  }
0x5a: {  	v6 =	vsub.s32 v6, v0  }
0x5b: {  	vm0 =	vlt.u32 v6, $0x1388;
	v6 =	vshll.u32 v6, $0xE  }
0x5c: {  	v7 =	vmpcnt.ones.xlane vm0;
	_ =	sdelay $0x1  }
0x5d: {  	(v2sf) =	vpush v7, $0x0;
	_ =	sdelay $0x4  }
0x5e: {  	v5 =	vand.u32 $0x3FFF, v5;
	s23 =	spop (v2sf)  }
0x5f: {  	v5 =	vor.u32 v5, v6;
	s24 =	sadd.s32 s24, s23  }
0x60: {  	s23 =	sshra.s32 s25, $0x2;
	[tilespmem:s24+$0x0] =	vst.msk vm0, v5  }
0x61: {  	v5 =	vld [tilespmem:s23+$0x0];
	_ =	sdelay $0x2  }
.Ltmp4:
0x62: {  	(pc) =	sbr.rel @p0 .LBB2_6-.Ltmp4, $4  }
0x63: {  	_ = 	snop  }
0x64: {  	v6 =	vshra.s32 v5, $0xE  }
0x65: {  	v6 =	vsub.s32 v6, v0  }
0x66: {  	v5 =	vand.u32 $0x3FFF, v5;
	vm0 =	vlt.u32 v6, $0x1388;
	v6 =	vshll.u32 v6, $0xE;
	s25 =	spop (v2sf)  }
0x67: {  	v5 =	vor.u32 v5, v6;
	s22 =	sadd.s32 s24, s25  }
0x68: {  	[tilespmem:s22+$0x0] =	vst.msk vm0, v5  }
0x69: {  	v5 =	vld [tilespmem:s23+$0x10];
	_ =	sdelay $0x4  }
0x6a: {  	v6 =	vshra.s32 v5, $0xE  }
0x6b: {  	v6 =	vsub.s32 v6, v0  }
0x6c: {  	v7 =	vmpcnt.ones.xlane vm0;
	vm14 =	vlt.u32 v6, $0x1388  }
0x6d: {  	v8 =	vmpcnt.ones.xlane vm14  }
0x6e: {  	(v2sf) =	vpush v7, $0x0  }
0x6f: {  	(v2sf) =	vpush v8, $0x0;
	_ =	sdelay $0xd  }
0x70: {  	s0 =	spop (v2sf)  }
0x71: {  	v5 =	vand.u32 $0x3FFF, v5;
	v6 =	vshll.u32 v6, $0xE;
	s22 =	sadd.s32 s22, s0;
	s24 =	spop (v2sf)  }
0x72: {  	v5 =	vor.u32 v5, v6;
	s23 =	sadd.s32 s22, s24  }
0x73: {  	[tilespmem:s22+$0x0] =	vst.msk vm14, v5;
	s25 =	sand.u32 $0xFFFFFFF0, s23  }
0x74: {  	[tilespmem:s25+$0x10] =	vst v3  }
0x75: {  	[tilespmem:s25+$0x20] =	vst v3  }
0x76: {  	[tilespmem:s25+$0x30] =	vst v3  }
0x77: {  	[tilespmem:s25+$0x40] =	vst v3  }
0x78: {  	[tilespmem:s25+$0x50] =	vst v3  }
0x79: {  	[tilespmem:s25+$0x60] =	vst v3  }
0x7a: {  	[tilespmem:s25+$0x70] =	vst v3  }
0x7b: {  	[tilespmem:s25+$0x80] =	vst v3  }
0x7c: {  	[tilespmem:s25+$0x90] =	vst v3  }
0x7d: {  	[tilespmem:s25+$0xA0] =	vst v3  }
0x7e: {  	v5 =	vld [tilespmem:s25+$0x0];
	[tilespmem:s25+$0xB0] =	vst v3  }
0x7f: {  	[tilespmem:s25+$0xC0] =	vst v3  }
0x80: {  	s26 =	sand.u32 $0xF, s23;
	[tilespmem:s25+$0xD0] =	vst v3  }
0x81: {  	v6 =	vmov s26;
	[tilespmem:s25+$0xE0] =	vst v3  }
0x82: {  	[tilespmem:s25+$0xF0] =	vst v3;
	vm15 =	vlt.u32 v6, v2  }
0x83: {  	[tilespmem:s25+$0x100] =	vst v3;
	v5 =	vsel vm15, $0x4E20000, v5  }
0x84: {  	[tilespmem:s25+$0x0] =	vst v5  }
0x85: {  	v5 =	vld [tilespmem:$0x0]  }
0x86: {  	v6 =	vld [tilespmem:$0x10]  }
0x87: {  	v7 =	vld [tilespmem:$0x20]  }
0x88: {  	v63 =	vld [tilespmem:$0x30]  }
0x89: {  	v9 =	vld [tilespmem:$0x40]  }
0x8a: {  	v10 =	vld [tilespmem:$0x50];
	v5 =	vand.u32 $0x3FFF, v5  }
0x8b: {  	s28 =	sadd.s32 $0x7F, s23;
	[tilespmem:$0x5000] =	vst v5;
	v5 =	vand.u32 $0x3FFF, v6;
	v6 =	vld [tilespmem:$0x60]  }
0x8c: {  	s23 =	sand.u32 $0x7F, s28;
	[tilespmem:$0x5010] =	vst v5;
	v5 =	vand.u32 $0x3FFF, v7;
	v7 =	vld [tilespmem:$0x70]  }
0x8d: {  	s30 =	sshra.s32 s28, $0x1F;
	p0 =	slt.s32 s28, $0x1;
	p1 =	sne.s32 s23, $0x0;
	[tilespmem:$0x5020] =	vst v5;
	v5 =	vand.u32 $0x3FFF, v63  }
0x8e: {  	s31 =	sshrl.u32 s30, $0x19;
	p0 =	por !p0, !p1;
	[tilespmem:$0x5030] =	vst v5;
	v5 =	vand.u32 $0x3FFF, v9  }
0x8f: {  	s23 =	simm.s32 $0x1;
	s22 =	sadd.s32 s31, s28;
	p0 =	por !p0, !p0;
	[tilespmem:$0x5040] =	vst v5;
	v5 =	vand.u32 $0x3FFF, v10  }
0x90: {  	s22 =	sshra.s32 s22, $0x7;
	s23 =	simm.s32 @!p0 $0x0;
	[tilespmem:$0x5050] =	vst v5;
	v5 =	vand.u32 $0x3FFF, v6  }
0x91: {  	s22 =	ssub.s32 s22, s23;
	[tilespmem:$0x5060] =	vst v5;
	v5 =	vand.u32 $0x3FFF, v7  }
0x92: {  	p0 =	slt.s32 s22, $0x2;
	[tilespmem:$0x5070] =	vst v5  }
0x93: {  	[tilespmem:s13], [sflag:$0x1] =	stream.indirect.gather [hbm4b:s1+s15], $0x80, s16, s15, $0xb8;
	[tilespmem:$0x1C680] =	vst v63  }
0x94: {  	v5 =	vld @!p0 [tilespmem:$0x80]  }
0x95: {  	v6 =	vld @!p0 [tilespmem:$0x90]  }
0x96: {  	v7 =	vld @!p0 [tilespmem:$0xA0]  }
0x97: {  	v8 =	vld @!p0 [tilespmem:$0xB0]  }
0x98: {  	v9 =	vld @!p0 [tilespmem:$0xC0]  }
0x99: {  	v10 =	vld @!p0 [tilespmem:$0xD0];
	v5 =	vand.u32 @!p0 $0x3FFF, v5  }
0x9a: {  	[tilespmem:$0x5080] =	vst @!p0 v5;
	v5 =	vand.u32 @!p0 $0x3FFF, v6;
	v6 =	vld @!p0 [tilespmem:$0xE0]  }
0x9b: {  	p1 =	sgt.s32 s22, $0x1;
	s23 =	smov.u32 s22;
	[tilespmem:$0x5090] =	vst @!p0 v5;
	v5 =	vand.u32 @!p0 $0x3FFF, v7;
	v7 =	vld @!p0 [tilespmem:$0xF0]  }
0x9c: {  	s23 =	simm.s32 @!p1 $0x1;
	[tilespmem:$0x50A0] =	vst @!p0 v5;
	v5 =	vand.u32 @!p0 $0x3FFF, v8  }
0x9d: {  	s23 =	sadd.s32 $0x2, s23;
	[tilespmem:$0x50B0] =	vst @!p0 v5;
	v5 =	vand.u32 @!p0 $0x3FFF, v9  }
0x9e: {  	s23 =	smulhi.u32 $0xAAAAAAAB, s23;
	[tilespmem:$0x50C0] =	vst @!p0 v5;
	v5 =	vand.u32 @!p0 $0x3FFF, v10  }
.Ltmp5:
0x9f: {  	[tilespmem:$0x50D0] =	vst @!p0 v5;
	v5 =	vand.u32 @!p0 $0x3FFF, v6;
	(pc) =	sbr.rel .LBB2_8-.Ltmp5, $4  }
0xa0: {  	s24 =	simm.s32 @!p0 $0x80;
	[tilespmem:$0x50E0] =	vst @!p0 v5;
	v5 =	vand.u32 @!p0 $0x3FFF, v7  }
0xa1: {  	s25 =	simm.s32 @!p0 $0x5080;
	s26 =	simm.s32 @!p0 $0x9280;
	s23 =	sshrl.u32 s23, $0x1;
	[tilespmem:$0x50F0] =	vst @!p0 v5  }
0xa2: {  	[tilespmem:s26], [sflag:$0x2] =	stream.indirect.gather @!p0 [hbm4b:s1+s24], $0x80, s25, s24, $0xb8;
	[tilespmem:$0x1C680] =	vst v63  }
0xa3: {  	s29 =	simm.s32 $0x0;
	s23 =	smul.u32 $0x3, s23;
	s24 =	simm.s32 $0x140  }
.LBB2_10:
0xa4: {  	s0 =	simm.s32 @!p0 $0x3  }
0xa5: {  	_ =	swait.ge @!p0 [sflag:s0], $0x4000  }
0xa6: {  	[sflag:s0] =	ssyncset.done @!p0 $0x0  }
0xa7: {  	[sflag:s0] =	ssyncadd.s32 @!p0 $0xFFFFC000  }
0xa8: {  	v5 =	vld @!p0 [tilespmem:s24+$0xFFFFFFC0];
	_ =	sdelay $0x4  }
0xa9: {  	v5 =	vshra.s32 @!p0 v5, $0xE  }
0xaa: {  	[tilespmem:$0x5200] =	vst @!p0 v5  }
0xab: {  	v5 =	vld @!p0 [tilespmem:s24+$0xFFFFFFD0];
	_ =	sdelay $0x4  }
0xac: {  	v5 =	vshra.s32 @!p0 v5, $0xE  }
0xad: {  	[tilespmem:$0x5210] =	vst @!p0 v5  }
0xae: {  	v5 =	vld @!p0 [tilespmem:s24+$0xFFFFFFE0];
	_ =	sdelay $0x4  }
0xaf: {  	v5 =	vshra.s32 @!p0 v5, $0xE  }
0xb0: {  	[tilespmem:$0x5220] =	vst @!p0 v5  }
0xb1: {  	v5 =	vld @!p0 [tilespmem:s24+$0xFFFFFFF0];
	_ =	sdelay $0x4  }
0xb2: {  	v5 =	vshra.s32 @!p0 v5, $0xE  }
0xb3: {  	[tilespmem:$0x5230] =	vst @!p0 v5  }
0xb4: {  	v5 =	vld @!p0 [tilespmem:s24+$0x0];
	_ =	sdelay $0x4  }
0xb5: {  	v5 =	vshra.s32 @!p0 v5, $0xE  }
0xb6: {  	[tilespmem:$0x5240] =	vst @!p0 v5  }
0xb7: {  	v5 =	vld @!p0 [tilespmem:s24+$0x10];
	_ =	sdelay $0x4  }
0xb8: {  	v5 =	vshra.s32 @!p0 v5, $0xE  }
0xb9: {  	[tilespmem:$0x5250] =	vst @!p0 v5  }
0xba: {  	v5 =	vld @!p0 [tilespmem:s24+$0x20];
	_ =	sdelay $0x4  }
0xbb: {  	v5 =	vshra.s32 @!p0 v5, $0xE  }
0xbc: {  	[tilespmem:$0x5260] =	vst @!p0 v5  }
0xbd: {  	v5 =	vld @!p0 [tilespmem:s24+$0x30];
	_ =	sdelay $0x4  }
0xbe: {  	v5 =	vshra.s32 @!p0 v5, $0xE  }
0xbf: {  	s0 =	simm.s32 @!p0 $0x5200;
	[tilespmem:$0x5270] =	vst @!p0 v5  }
0xc0: {  	[spmem:s3] =	stream.indirect.scatter.add.f32 @!p0 [tilespmem:s26], [sflag:$0x4], $0x80, s0, s25, $0xb8;
	[tilespmem:$0x1C680] =	vst v63  }
0xc1: {  	s0 =	simm.s32 @!p0 $0x4  }
0xc2: {  	_ =	swait.ge @!p0 [sflag:s0], $0x4000  }
0xc3: {  	[sflag:s0] =	ssyncset.done @!p0 $0x0  }
0xc4: {  	[sflag:s0] =	ssyncadd.s32 @!p0 $0xFFFFC000  }
0xc5: {  	v5 =	vld @!p0 [tilespmem:$0x5200];
	_ =	sdelay $0x6  }
0xc6: {  	v6 =	vimm.f32 @!p0 $1.000000000e+00;
	s0 =	simm.s32 @!p0 $0x11280  }
0xc7: {  	[tilespmem:v5+s0+$0x0] =	vst.idx.add.f32.msk @!p0 $0xffff, v6  }
0xc8: {  	v5 =	vld @!p0 [tilespmem:$0x5210];
	_ =	sdelay $0x7  }
0xc9: {  	[tilespmem:v5+s0+$0x0] =	vst.idx.add.f32.msk @!p0 $0xffff, v6  }
0xca: {  	v5 =	vld @!p0 [tilespmem:$0x5220];
	_ =	sdelay $0x7  }
0xcb: {  	[tilespmem:v5+s0+$0x0] =	vst.idx.add.f32.msk @!p0 $0xffff, v6  }
0xcc: {  	v5 =	vld @!p0 [tilespmem:$0x5230];
	_ =	sdelay $0x7  }
0xcd: {  	[tilespmem:v5+s0+$0x0] =	vst.idx.add.f32.msk @!p0 $0xffff, v6  }
0xce: {  	v5 =	vld @!p0 [tilespmem:$0x5240];
	_ =	sdelay $0x7  }
0xcf: {  	[tilespmem:v5+s0+$0x0] =	vst.idx.add.f32.msk @!p0 $0xffff, v6  }
0xd0: {  	v5 =	vld @!p0 [tilespmem:$0x5250];
	_ =	sdelay $0x7  }
0xd1: {  	[tilespmem:v5+s0+$0x0] =	vst.idx.add.f32.msk @!p0 $0xffff, v6  }
0xd2: {  	v5 =	vld @!p0 [tilespmem:$0x5260];
	_ =	sdelay $0x7  }
0xd3: {  	[tilespmem:v5+s0+$0x0] =	vst.idx.add.f32.msk @!p0 $0xffff, v6  }
0xd4: {  	v5 =	vld @!p0 [tilespmem:$0x5270];
	_ =	sdelay $0x2  }
0xd5: {  	p1 =	sne.s32 s23, s28  }
.Ltmp6:
0xd6: {  	_ = 	snop;
	(pc) =	sbr.rel @!p1 .LBB2_11-.Ltmp6, $2  }
0xd7: {  	_ =	sdelay $0x2  }
0xd8: {  	s29 =	smov.u32 s28;
	s24 =	sadd.s32 $0x180, s24;
	[tilespmem:v5+s0+$0x0] =	vst.idx.add.f32.msk @!p0 $0xffff, v6  }
.LBB2_8:
0xd9: {  	s25 =	sadd.s32 $0x2, s29  }
0xda: {  	p0 =	sle.s32 s22, s25  }
0xdb: {  	v5 =	vld @!p0 [tilespmem:s24+$0xFFFFFFC0];
	_ =	sdelay $0x4  }
0xdc: {  	v5 =	vand.u32 @!p0 $0x3FFF, v5  }
0xdd: {  	[tilespmem:$0x5100] =	vst @!p0 v5  }
0xde: {  	v5 =	vld @!p0 [tilespmem:s24+$0xFFFFFFD0];
	_ =	sdelay $0x4  }
0xdf: {  	v5 =	vand.u32 @!p0 $0x3FFF, v5  }
0xe0: {  	[tilespmem:$0x5110] =	vst @!p0 v5  }
0xe1: {  	v5 =	vld @!p0 [tilespmem:s24+$0xFFFFFFE0];
	_ =	sdelay $0x4  }
0xe2: {  	v5 =	vand.u32 @!p0 $0x3FFF, v5  }
0xe3: {  	[tilespmem:$0x5120] =	vst @!p0 v5  }
0xe4: {  	v5 =	vld @!p0 [tilespmem:s24+$0xFFFFFFF0];
	_ =	sdelay $0x4  }
0xe5: {  	v5 =	vand.u32 @!p0 $0x3FFF, v5  }
0xe6: {  	[tilespmem:$0x5130] =	vst @!p0 v5  }
0xe7: {  	v5 =	vld @!p0 [tilespmem:s24+$0x0];
	_ =	sdelay $0x4  }
0xe8: {  	v5 =	vand.u32 @!p0 $0x3FFF, v5  }
0xe9: {  	[tilespmem:$0x5140] =	vst @!p0 v5  }
0xea: {  	v5 =	vld @!p0 [tilespmem:s24+$0x10];
	_ =	sdelay $0x4  }
0xeb: {  	v5 =	vand.u32 @!p0 $0x3FFF, v5  }
0xec: {  	[tilespmem:$0x5150] =	vst @!p0 v5  }
0xed: {  	v5 =	vld @!p0 [tilespmem:s24+$0x20];
	_ =	sdelay $0x4  }
0xee: {  	v5 =	vand.u32 @!p0 $0x3FFF, v5  }
0xef: {  	[tilespmem:$0x5160] =	vst @!p0 v5  }
0xf0: {  	v5 =	vld @!p0 [tilespmem:s24+$0x30];
	_ =	sdelay $0x4  }
0xf1: {  	v5 =	vand.u32 @!p0 $0x3FFF, v5  }
0xf2: {  	s25 =	simm.s32 @!p0 $0x80;
	s28 =	simm.s32 @!p0 $0x5100;
	s26 =	simm.s32 @!p0 $0xD280;
	[tilespmem:$0x5170] =	vst @!p0 v5  }
0xf3: {  	[tilespmem:s26], [sflag:$0x3] =	stream.indirect.gather @!p0 [hbm4b:s1+s25], $0x80, s28, s25, $0xb8;
	[tilespmem:$0x1C680] =	vst v63  }
0xf4: {  	_ =	swait.ge [sflag:s14], $0x4000  }
0xf5: {  	[sflag:s14] =	ssyncset.done $0x0  }
0xf6: {  	[sflag:s14] =	ssyncadd.s32 $0xFFFFC000  }
0xf7: {  	v5 =	vld [tilespmem:s24+$0xFFFFFEC0];
	_ =	sdelay $0x4  }
0xf8: {  	v5 =	vshra.s32 v5, $0xE  }
0xf9: {  	[tilespmem:$0x5200] =	vst v5  }
0xfa: {  	v5 =	vld [tilespmem:s24+$0xFFFFFED0];
	_ =	sdelay $0x4  }
0xfb: {  	v5 =	vshra.s32 v5, $0xE  }
0xfc: {  	[tilespmem:$0x5210] =	vst v5  }
0xfd: {  	v5 =	vld [tilespmem:s24+$0xFFFFFEE0];
	_ =	sdelay $0x4  }
0xfe: {  	v5 =	vshra.s32 v5, $0xE  }
0xff: {  	[tilespmem:$0x5220] =	vst v5  }
0x100: {  	v5 =	vld [tilespmem:s24+$0xFFFFFEF0];
	_ =	sdelay $0x4  }
0x101: {  	v5 =	vshra.s32 v5, $0xE  }
0x102: {  	[tilespmem:$0x5230] =	vst v5  }
0x103: {  	v5 =	vld [tilespmem:s24+$0xFFFFFF00];
	_ =	sdelay $0x4  }
0x104: {  	v5 =	vshra.s32 v5, $0xE  }
0x105: {  	[tilespmem:$0x5240] =	vst v5  }
0x106: {  	v5 =	vld [tilespmem:s24+$0xFFFFFF10];
	_ =	sdelay $0x4  }
0x107: {  	v5 =	vshra.s32 v5, $0xE  }
0x108: {  	[tilespmem:$0x5250] =	vst v5  }
0x109: {  	v5 =	vld [tilespmem:s24+$0xFFFFFF20];
	_ =	sdelay $0x4  }
0x10a: {  	v5 =	vshra.s32 v5, $0xE  }
0x10b: {  	[tilespmem:$0x5260] =	vst v5  }
0x10c: {  	v5 =	vld [tilespmem:s24+$0xFFFFFF30];
	_ =	sdelay $0x4  }
0x10d: {  	v5 =	vshra.s32 v5, $0xE  }
0x10e: {  	[tilespmem:$0x5270] =	vst v5  }
0x10f: {  	[spmem:s3] =	stream.indirect.scatter.add.f32 [tilespmem:s13], [sflag:$0x4], $0x80, s17, s15, $0xb8;
	[tilespmem:$0x1C680] =	vst v63  }
0x110: {  	_ =	swait.ge [sflag:s12], $0x4000  }
0x111: {  	s28 =	sadd.s32 $0x3, s29;
	[sflag:s12] =	ssyncset.done $0x0  }
0x112: {  	p1 =	sle.s32 s22, s28;
	[sflag:s12] =	ssyncadd.s32 $0xFFFFC000  }
0x113: {  	v5 =	vld @!p1 [tilespmem:s24+$0x40];
	_ =	sdelay $0x4  }
0x114: {  	v5 =	vand.u32 @!p1 $0x3FFF, v5  }
0x115: {  	[tilespmem:$0x5000] =	vst @!p1 v5  }
0x116: {  	v5 =	vld @!p1 [tilespmem:s24+$0x50];
	_ =	sdelay $0x4  }
0x117: {  	v5 =	vand.u32 @!p1 $0x3FFF, v5  }
0x118: {  	[tilespmem:$0x5010] =	vst @!p1 v5  }
0x119: {  	v5 =	vld @!p1 [tilespmem:s24+$0x60];
	_ =	sdelay $0x4  }
0x11a: {  	v5 =	vand.u32 @!p1 $0x3FFF, v5  }
0x11b: {  	[tilespmem:$0x5020] =	vst @!p1 v5  }
0x11c: {  	v5 =	vld @!p1 [tilespmem:s24+$0x70];
	_ =	sdelay $0x4  }
0x11d: {  	v5 =	vand.u32 @!p1 $0x3FFF, v5  }
0x11e: {  	[tilespmem:$0x5030] =	vst @!p1 v5  }
0x11f: {  	v5 =	vld @!p1 [tilespmem:s24+$0x80];
	_ =	sdelay $0x4  }
0x120: {  	v5 =	vand.u32 @!p1 $0x3FFF, v5  }
0x121: {  	[tilespmem:$0x5040] =	vst @!p1 v5  }
0x122: {  	v5 =	vld @!p1 [tilespmem:s24+$0x90];
	_ =	sdelay $0x4  }
0x123: {  	v5 =	vand.u32 @!p1 $0x3FFF, v5  }
0x124: {  	[tilespmem:$0x5050] =	vst @!p1 v5  }
0x125: {  	v5 =	vld @!p1 [tilespmem:s24+$0xA0];
	_ =	sdelay $0x4  }
0x126: {  	v5 =	vand.u32 @!p1 $0x3FFF, v5  }
0x127: {  	[tilespmem:$0x5060] =	vst @!p1 v5  }
0x128: {  	v5 =	vld @!p1 [tilespmem:s24+$0xB0];
	_ =	sdelay $0x4  }
0x129: {  	v5 =	vand.u32 @!p1 $0x3FFF, v5  }
0x12a: {  	s30 =	simm.s32 @!p1 $0x80;
	s31 =	simm.s32 @!p1 $0x5000;
	s0 =	simm.s32 @!p1 $0x5280;
	[tilespmem:$0x5070] =	vst @!p1 v5  }
0x12b: {  	[tilespmem:s0], [sflag:$0x1] =	stream.indirect.gather @!p1 [hbm4b:s1+s30], $0x80, s31, s30, $0xb8;
	[tilespmem:$0x1C680] =	vst v63  }
0x12c: {  	v5 =	vld [tilespmem:$0x5200];
	_ =	sdelay $0x7  }
0x12d: {  	[tilespmem:v5+s18+$0x0] =	vst.idx.add.f32.msk $0xffff, v4  }
0x12e: {  	v5 =	vld [tilespmem:$0x5210];
	_ =	sdelay $0x7  }
0x12f: {  	[tilespmem:v5+s18+$0x0] =	vst.idx.add.f32.msk $0xffff, v4  }
0x130: {  	v5 =	vld [tilespmem:$0x5220];
	_ =	sdelay $0x7  }
0x131: {  	[tilespmem:v5+s18+$0x0] =	vst.idx.add.f32.msk $0xffff, v4  }
0x132: {  	v5 =	vld [tilespmem:$0x5230];
	_ =	sdelay $0x7  }
0x133: {  	[tilespmem:v5+s18+$0x0] =	vst.idx.add.f32.msk $0xffff, v4  }
0x134: {  	v5 =	vld [tilespmem:$0x5240];
	_ =	sdelay $0x7  }
0x135: {  	[tilespmem:v5+s18+$0x0] =	vst.idx.add.f32.msk $0xffff, v4  }
0x136: {  	v5 =	vld [tilespmem:$0x5250];
	_ =	sdelay $0x7  }
0x137: {  	[tilespmem:v5+s18+$0x0] =	vst.idx.add.f32.msk $0xffff, v4  }
0x138: {  	v5 =	vld [tilespmem:$0x5260];
	_ =	sdelay $0x7  }
0x139: {  	[tilespmem:v5+s18+$0x0] =	vst.idx.add.f32.msk $0xffff, v4  }
0x13a: {  	v5 =	vld [tilespmem:$0x5270];
	_ =	sdelay $0x1  }
0x13b: {  	s31 =	sadd.s32 $0x1, s29  }
0x13c: {  	p1 =	sle.s32 s22, s31  }
.Ltmp7:
0x13d: {  	_ = 	snop;
	(pc) =	sbr.rel @p1 .LBB2_10-.Ltmp7, $2  }
0x13e: {  	_ =	sdelay $0x2  }
0x13f: {  	[tilespmem:v5+s18+$0x0] =	vst.idx.add.f32.msk $0xffff, v4  }
0x140: {  	_ =	swait.ge [sflag:s19], $0x4000  }
0x141: {  	[sflag:s19] =	ssyncset.done $0x0  }
0x142: {  	[sflag:s19] =	ssyncadd.s32 $0xFFFFC000  }
0x143: {  	v5 =	vld [tilespmem:s24+$0xFFFFFF40];
	_ =	sdelay $0x4  }
0x144: {  	v5 =	vshra.s32 v5, $0xE  }
0x145: {  	[tilespmem:$0x5200] =	vst v5  }
0x146: {  	v5 =	vld [tilespmem:s24+$0xFFFFFF50];
	_ =	sdelay $0x4  }
0x147: {  	v5 =	vshra.s32 v5, $0xE  }
0x148: {  	[tilespmem:$0x5210] =	vst v5  }
0x149: {  	v5 =	vld [tilespmem:s24+$0xFFFFFF60];
	_ =	sdelay $0x4  }
0x14a: {  	v5 =	vshra.s32 v5, $0xE  }
0x14b: {  	[tilespmem:$0x5220] =	vst v5  }
0x14c: {  	v5 =	vld [tilespmem:s24+$0xFFFFFF70];
	_ =	sdelay $0x4  }
0x14d: {  	v5 =	vshra.s32 v5, $0xE  }
0x14e: {  	[tilespmem:$0x5230] =	vst v5  }
0x14f: {  	v5 =	vld [tilespmem:s24+$0xFFFFFF80];
	_ =	sdelay $0x4  }
0x150: {  	v5 =	vshra.s32 v5, $0xE  }
0x151: {  	[tilespmem:$0x5240] =	vst v5  }
0x152: {  	v5 =	vld [tilespmem:s24+$0xFFFFFF90];
	_ =	sdelay $0x4  }
0x153: {  	v5 =	vshra.s32 v5, $0xE  }
0x154: {  	[tilespmem:$0x5250] =	vst v5  }
0x155: {  	v5 =	vld [tilespmem:s24+$0xFFFFFFA0];
	_ =	sdelay $0x4  }
0x156: {  	v5 =	vshra.s32 v5, $0xE  }
0x157: {  	[tilespmem:$0x5260] =	vst v5  }
0x158: {  	v5 =	vld [tilespmem:s24+$0xFFFFFFB0];
	_ =	sdelay $0x4  }
0x159: {  	v5 =	vshra.s32 v5, $0xE  }
0x15a: {  	[tilespmem:$0x5270] =	vst v5  }
0x15b: {  	[spmem:s3] =	stream.indirect.scatter.add.f32 [tilespmem:s20], [sflag:$0x4], $0x80, s17, s15, $0xb8;
	[tilespmem:$0x1C680] =	vst v63  }
0x15c: {  	_ =	swait.ge [sflag:s12], $0x4000  }
0x15d: {  	s0 =	sadd.s32 $0x4, s29;
	[sflag:s12] =	ssyncset.done $0x0  }
0x15e: {  	p1 =	sle.u32 s22, s0;
	[sflag:s12] =	ssyncadd.s32 $0xFFFFC000  }
0x15f: {  	v5 =	vld @!p1 [tilespmem:s24+$0xC0];
	_ =	sdelay $0x4  }
0x160: {  	v5 =	vand.u32 @!p1 $0x3FFF, v5  }
0x161: {  	[tilespmem:$0x5080] =	vst @!p1 v5  }
0x162: {  	v5 =	vld @!p1 [tilespmem:s24+$0xD0];
	_ =	sdelay $0x4  }
0x163: {  	v5 =	vand.u32 @!p1 $0x3FFF, v5  }
0x164: {  	[tilespmem:$0x5090] =	vst @!p1 v5  }
0x165: {  	v5 =	vld @!p1 [tilespmem:s24+$0xE0];
	_ =	sdelay $0x4  }
0x166: {  	v5 =	vand.u32 @!p1 $0x3FFF, v5  }
0x167: {  	[tilespmem:$0x50A0] =	vst @!p1 v5  }
0x168: {  	v5 =	vld @!p1 [tilespmem:s24+$0xF0];
	_ =	sdelay $0x4  }
0x169: {  	v5 =	vand.u32 @!p1 $0x3FFF, v5  }
0x16a: {  	[tilespmem:$0x50B0] =	vst @!p1 v5  }
0x16b: {  	v5 =	vld @!p1 [tilespmem:s24+$0x100];
	_ =	sdelay $0x4  }
0x16c: {  	v5 =	vand.u32 @!p1 $0x3FFF, v5  }
0x16d: {  	[tilespmem:$0x50C0] =	vst @!p1 v5  }
0x16e: {  	v5 =	vld @!p1 [tilespmem:s24+$0x110];
	_ =	sdelay $0x4  }
0x16f: {  	v5 =	vand.u32 @!p1 $0x3FFF, v5  }
0x170: {  	[tilespmem:$0x50D0] =	vst @!p1 v5  }
0x171: {  	v5 =	vld @!p1 [tilespmem:s24+$0x120];
	_ =	sdelay $0x4  }
0x172: {  	v5 =	vand.u32 @!p1 $0x3FFF, v5  }
0x173: {  	[tilespmem:$0x50E0] =	vst @!p1 v5  }
0x174: {  	v5 =	vld @!p1 [tilespmem:s24+$0x130];
	_ =	sdelay $0x4  }
0x175: {  	v5 =	vand.u32 @!p1 $0x3FFF, v5  }
0x176: {  	s0 =	simm.s32 @!p1 $0x80;
	s29 =	simm.s32 @!p1 $0x5080;
	s30 =	simm.s32 @!p1 $0x9280;
	[tilespmem:$0x50F0] =	vst @!p1 v5  }
0x177: {  	[tilespmem:s30], [sflag:$0x2] =	stream.indirect.gather @!p1 [hbm4b:s1+s0], $0x80, s29, s0, $0xb8;
	[tilespmem:$0x1C680] =	vst v63  }
0x178: {  	v5 =	vld [tilespmem:$0x5200];
	_ =	sdelay $0x7  }
0x179: {  	[tilespmem:v5+s18+$0x0] =	vst.idx.add.f32.msk $0xffff, v4  }
0x17a: {  	v5 =	vld [tilespmem:$0x5210];
	_ =	sdelay $0x7  }
0x17b: {  	[tilespmem:v5+s18+$0x0] =	vst.idx.add.f32.msk $0xffff, v4  }
0x17c: {  	v5 =	vld [tilespmem:$0x5220];
	_ =	sdelay $0x7  }
0x17d: {  	[tilespmem:v5+s18+$0x0] =	vst.idx.add.f32.msk $0xffff, v4  }
0x17e: {  	v5 =	vld [tilespmem:$0x5230];
	_ =	sdelay $0x7  }
0x17f: {  	[tilespmem:v5+s18+$0x0] =	vst.idx.add.f32.msk $0xffff, v4  }
0x180: {  	v5 =	vld [tilespmem:$0x5240];
	_ =	sdelay $0x7  }
0x181: {  	[tilespmem:v5+s18+$0x0] =	vst.idx.add.f32.msk $0xffff, v4  }
0x182: {  	v5 =	vld [tilespmem:$0x5250];
	_ =	sdelay $0x7  }
0x183: {  	[tilespmem:v5+s18+$0x0] =	vst.idx.add.f32.msk $0xffff, v4  }
0x184: {  	v5 =	vld [tilespmem:$0x5260];
	_ =	sdelay $0x7  }
0x185: {  	[tilespmem:v5+s18+$0x0] =	vst.idx.add.f32.msk $0xffff, v4  }
0x186: {  	v5 =	vld [tilespmem:$0x5270];
	_ =	sdelay $0x3  }
.Ltmp8:
0x187: {  	_ = 	snop;
	(pc) =	sbr.rel .LBB2_10-.Ltmp8, $2  }
0x188: {  	_ =	sdelay $0x2  }
0x189: {  	[tilespmem:v5+s18+$0x0] =	vst.idx.add.f32.msk $0xffff, v4  }
.LBB2_12:
0x18a: {  	_ =	sfence.sel $0x180000  }
0x18b: {  	[bflag:$0x0] =	sbarrier.arrive $0xFFFF  }
0x18c: {  	_ =	strace $0x90000047  }
0x18d: {  	[bflag:$0x2] =	sbarrier.arrive $0xFFFF  }
0x18e: {  	p0 =	sne.s32 s2, $0x0;
	s0 =	rddreg [dreg:$0x5]  }
0x18f: {  	s0 =	sadd.s32 @!p0 $0x100000, s0  }
0x190: {  	[sflag:s0] =	ssyncadd.tile.s32 @!p0 $0x1;
	_ =	shalt  }
.Lfunc_end2:
_tile_overlayer_lowered:
.L_overlay_start_2:
0x191: {  	(tag) =	ssettag $0x2  }
0x192: {  	s0 =	rddreg [dreg:$0x0];
	s2 =	stileid.u32  }
0x193: {  	s1 =	rddreg [dreg:$0x1];
	p0 =	sne.s32 s2, $0x0  }
0x194: {  	s3 =	rddreg [dreg:$0x2];
	[bflag:$0x3] =	sbarrier.arrive $0xFFFF;
	s2 =	simm.s32 @!p0 $0x1C04  }
0x195: {  	[timem:s3], [sflag:s2] =	dma.local @!p0 [hbm:s0], s1  }
0x196: {  	s0 =	simm.s32 @!p0 $0x4  }
0x197: {  	_ =	swait.ge @!p0 [sflag:s0], s1  }
0x198: {  	s1 =	ssub.s32 @!p0 $0x0, s1;
	[sflag:s0] =	ssyncset.done @!p0 $0x0  }
0x199: {  	[sflag:s0] =	ssyncadd.s32 @!p0 s1  }
0x19a: {  	[bflag:$0x3] =	sbarrier.arrive $0xFFFF  }
0x19b: {  	_ =	shalt  }

</sc_bundles>
